<compile_context>
chip_gen: v7x
topology: tpu7x:2x2x1
jax: 0.10.2.dev20260603
libtpu: 0.0.44.dev20260713+nightly
codegen_flags: <defaults>
</compile_context>

<pallas_src>
import functools

import jax
import jax.numpy as jnp
from jax import lax
from jax.experimental import pallas as pl
from jax.experimental.pallas import tpu as pltpu
from jax.experimental.pallas import tpu_sc as plsc

_TOP_K = 8
_LANES = 16


_REC = 128


def _logits_body(x_ref, w_ref, out_ref):
    out_ref[:, : w_ref.shape[0]] = lax.dot_general(
        x_ref[...], w_ref[...], (((1,), (1,)), ((), ())),
        preferred_element_type=jnp.float32)


def _matmul_logits(x, W, off, Tc, BT=512):
    T, D = x.shape
    E = W.shape[0]
    return pl.pallas_call(
        _logits_body,
        grid=(Tc // BT,),
        in_specs=[
            pl.BlockSpec((BT, D), lambda i: (i + off, 0)),
            pl.BlockSpec((E, D), lambda i: (0, 0)),
        ],
        out_specs=pl.BlockSpec((BT, _REC), lambda i: (i, 0)),
        out_shape=jax.ShapeDtypeStruct((Tc, _REC), jnp.float32),
    )(x, W)


@functools.cache
def _make_sc_topk(T, E):
    info = plsc.get_sparse_core_info()
    NC, NS, L = info.num_cores, info.num_subcores, info.num_lanes
    NW = NC * NS
    TW = T // NW
    NCH = E // L
    mesh = plsc.VectorSubcoreMesh(core_axis_name="c", subcore_axis_name="s")

    @functools.partial(
        pl.kernel,
        mesh=mesh,
        compiler_params=pltpu.CompilerParams(needs_layout_passes=False),
        out_type=[
            jax.ShapeDtypeStruct((T * _LANES,), jnp.float32),
            jax.ShapeDtypeStruct((T * _LANES,), jnp.int32),
        ],
        scratch_types=[
            pltpu.VMEM((TW * _REC,), jnp.float32),
            pltpu.VMEM((TW * _LANES,), jnp.float32),
            pltpu.VMEM((TW * _LANES,), jnp.int32),
        ],
    )
    def sc_topk(lg_hbm, probs_hbm, idx_hbm, vals_v, pbuf_v, ibuf_v):
        wid = lax.axis_index("s") * NC + lax.axis_index("c")
        base = wid * TW
        pltpu.sync_copy(lg_hbm.at[pl.ds(base * _REC, TW * _REC)], vals_v)

        iota = lax.broadcasted_iota(jnp.int32, (L,), 0)
        idx_c = [iota + L * c for c in range(NCH)]
        lane_lt_k = iota < _TOP_K

        def bitonic_top(a, b, descending):
            (ak, ai), (bk, bi) = a, b
            c = ak >= bk
            mk = jnp.where(c, ak, bk)
            mi = jnp.where(c, ai, bi)
            return plsc.sort_key_val(mk, mi, descending=descending)

        def body(t, carry):
            off = t * _REC
            srt = [
                plsc.sort_key_val(
                    vals_v[pl.ds(off + L * c, L)], idx_c[c],
                    descending=(c % 2 == 0))
                for c in range(NCH)
            ]
            s01 = bitonic_top(srt[0], srt[1], True)
            s23 = bitonic_top(srt[2], srt[3], False)
            sk, si = bitonic_top(s01, s23, True)
            ex = jnp.where(lane_lt_k, jnp.exp(sk), 0.0)
            tot = jnp.sum(ex)
            pbuf_v[pl.ds(t * _LANES, _LANES)] = ex / tot
            ibuf_v[pl.ds(t * _LANES, _LANES)] = si
            return carry

        lax.fori_loop(0, TW, body, 0, unroll=4)
        pltpu.sync_copy(pbuf_v, probs_hbm.at[pl.ds(base * _LANES, TW * _LANES)])
        pltpu.sync_copy(ibuf_v, idx_hbm.at[pl.ds(base * _LANES, TW * _LANES)])

    return sc_topk


def kernel(input, W):
    T, D = input.shape
    E = W.shape[0]
    sizes = [8192, 8192, 8192, 8192]
    BT = 512
    off = 0
    ps, is_ = [], []
    for Tc in sizes:
        li = _matmul_logits(input, W, off // BT, Tc)
        p16, i16 = _make_sc_topk(Tc, E)(li.reshape(-1))
        ps.append(p16.reshape(Tc, _LANES)[:, :_TOP_K])
        is_.append(i16.reshape(Tc, _LANES)[:, :_TOP_K])
        off += Tc
    return jnp.concatenate(ps, 0), jnp.concatenate(is_, 0)

# --- scband reference (transcript-rebuilt; emitter-appended) ---
"""Pipeline reference for scband-top-krouter-89970974917075 (READ-ONLY COPY).

The authoritative reference and input builder live on the scoring server;
editing this copy changes nothing except your own understanding.
"""

import jax, jax.numpy as jnp
import numpy as np

NUM_EXPERTS = 64
TOP_K = 8
D_MODEL = 4096
NUM_TOKENS = 32768


def setup_inputs(seed: int = 0) -> dict:
    key = jax.random.key(seed)
    k1, k2 = jax.random.split(key)
    x = jax.random.normal(k1, (NUM_TOKENS, D_MODEL), dtype=jnp.float32)
    # router weight [num_experts, hidden_dim], xavier_normal init
    std = float(np.sqrt(2.0 / (NUM_EXPERTS + D_MODEL)))
    W = jax.random.normal(k2, (NUM_EXPERTS, D_MODEL), dtype=jnp.float32) * std
    return {"input": x, "W": W}


def reference(input, W):
    # gating: F.linear(input, W) -> logits [num_tokens, num_experts]
    logits = jnp.dot(input, W.T)
    logits = logits.reshape(-1, NUM_EXPERTS)
    # routing_type == 'none', z_loss_coeff == 0, no jitter, no sequence parallel:
    # topk_softmax_with_capacity with capacity_factor=None -> top-k over logits,
    # then softmax over the selected top-k logits (top_k > 1 path), no token dropping.
    top_logits, indices = jax.lax.top_k(logits, TOP_K)
    probs = jax.nn.softmax(top_logits.astype(jnp.float32), axis=-1).astype(logits.dtype)
    return (probs, indices)

if __name__ == "__main__":
    import jax
    _d = setup_inputs()
    print(jax.jit(kernel)(*tuple(_d.values())))

</pallas_src>

<mosaic_0001>
#map = affine_map<(d0, d1) -> (0)>
module attributes {stable_mosaic.version = 14 : i64} {
  func.func @sc_topk(%arg0: i32, %arg1: i32, %arg2: memref<1048576xf32, #tpu.memory_space<hbm>>, %arg3: memref<131072xf32, #tpu.memory_space<hbm>>, %arg4: memref<131072xi32, #tpu.memory_space<hbm>>, %arg5: memref<32768xf32, #tpu.memory_space<vmem>>, %arg6: memref<4096xf32, #tpu.memory_space<vmem>>, %arg7: memref<4096xi32, #tpu.memory_space<vmem>>) attributes {dimension_semantics = [#tpu.dimension_semantics<core_parallel>, #tpu.dimension_semantics<subcore_parallel>], iteration_bounds = array<i64: 2, 16>, scalar_prefetch = 0 : i64, scratch_operands = 3 : i64, tpu.core_type = #tpu.core_type<sc_vector_subcore>, window_params = [{transform_indices = #map}, {transform_indices = #map}, {transform_indices = #map}]} {
    %mul3A = arith.constant 2 : i32
    %mul3A_0 = arith.muli %arg1, %mul3A : i32
    %add3A = arith.addi %mul3A_0, %arg0 : i32
    %mul3A_1 = arith.constant 256 : i32
    %mul3A_2 = arith.muli %add3A, %mul3A_1 : i32
    %mul3A_3 = arith.constant 128 : i32
    %mul3A_4 = arith.muli %mul3A_2, %mul3A_3 : i32
    "tpu.region"() ({
      %run_scoped3A = tpu.sem_alloc : memref<!tpu.dma_semaphore, #tpu.memory_space<semaphore_mem>>
      %dma_start3A = tpu.memref_slice %arg2[%mul3A_4] : memref<1048576xf32, #tpu.memory_space<hbm>> -> memref<32768xf32, #tpu.memory_space<hbm>>
      %dma_start3A_28 = tpu.memref_slice %arg2[%mul3A_4] : memref<1048576xf32, #tpu.memory_space<hbm>> -> memref<32768xf32, #tpu.memory_space<hbm>>
      tpu.enqueue_dma source(%dma_start3A_28 : memref<32768xf32, #tpu.memory_space<hbm>>) target(%arg5 : memref<32768xf32, #tpu.memory_space<vmem>>) target_semaphore(%run_scoped3A : memref<!tpu.dma_semaphore, #tpu.memory_space<semaphore_mem>>)
      %dma_wait3A = tpu.memref_slice %arg2[%mul3A_4] : memref<1048576xf32, #tpu.memory_space<hbm>> -> memref<32768xf32, #tpu.memory_space<hbm>>
      %dma_wait3A_29 = tpu.memref_slice %arg2[%mul3A_4] : memref<1048576xf32, #tpu.memory_space<hbm>> -> memref<32768xf32, #tpu.memory_space<hbm>>
      tpu.wait_dma2 semaphore(%run_scoped3A : memref<!tpu.dma_semaphore, #tpu.memory_space<semaphore_mem>>) src(%dma_wait3A_29 : memref<32768xf32, #tpu.memory_space<hbm>>) dst(%arg5 : memref<32768xf32, #tpu.memory_space<vmem>>)
      tpu.yield
    }) : () -> ()
    %iota3A = tpu.iota {dimensions = array<i32: 0>} : vector<16xi32>
    %add3A_5 = arith.constant 0 : i32
    %add3A_6 = vector.broadcast %add3A_5 : i32 to vector<16xi32>
    %add3A_7 = arith.addi %iota3A, %add3A_6 : vector<16xi32>
    %add3A_8 = arith.constant 16 : i32
    %add3A_9 = vector.broadcast %add3A_8 : i32 to vector<16xi32>
    %add3A_10 = arith.addi %iota3A, %add3A_9 : vector<16xi32>
    %add3A_11 = arith.constant 32 : i32
    %add3A_12 = vector.broadcast %add3A_11 : i32 to vector<16xi32>
    %add3A_13 = arith.addi %iota3A, %add3A_12 : vector<16xi32>
    %add3A_14 = arith.constant 48 : i32
    %add3A_15 = vector.broadcast %add3A_14 : i32 to vector<16xi32>
    %add3A_16 = arith.addi %iota3A, %add3A_15 : vector<16xi32>
    %lt3A = arith.constant 8 : i32
    %lt3A_17 = vector.broadcast %lt3A : i32 to vector<16xi32>
    %lt3A_18 = arith.cmpi slt, %iota3A, %lt3A_17 : vector<16xi32>
    %scan3A = arith.constant 0 : i32
    %scan3A_19 = arith.constant 0 : i32
    %scan3A_20 = arith.constant 256 : i32
    %scan3A_21 = arith.addi %scan3A_19, %scan3A_20 : i32
    %scan3A_22 = arith.constant 4 : i32
    scf.for %scan3A_28 = %scan3A_19 to %scan3A_21 step %scan3A_22  : i32 {
      %mul3A_29 = arith.constant 128 : i32
      %mul3A_30 = arith.muli %scan3A_28, %mul3A_29 : i32
      %add3A_31 = arith.constant 0 : i32
      %add3A_32 = arith.addi %mul3A_30, %add3A_31 : i32
      %get3A = arith.index_cast %add3A_32 : i32 to index
      %get3A_33 = tpu.vector_load %arg5[%get3A] {strides = array<i32>} : memref<32768xf32, #tpu.memory_space<vmem>>, vector<16xf32>,
      %masked_sort3A = arith.constant dense<true> : vector<16xi1>
      %masked_sort3A_34, %masked_sort3A_35, %masked_sort3A_36 = tpu.sort %get3A_33, %add3A_7 masked %masked_sort3A {descending = true} : (vector<16xf32>, vector<16xi32>, vector<16xi1>) -> (vector<16xi1>, vector<16xf32>, vector<16xi32>)
      %add3A_37 = arith.constant 16 : i32
      %add3A_38 = arith.addi %mul3A_30, %add3A_37 : i32
      %get3A_39 = arith.index_cast %add3A_38 : i32 to index
      %get3A_40 = tpu.vector_load %arg5[%get3A_39] {strides = array<i32>} : memref<32768xf32, #tpu.memory_space<vmem>>, vector<16xf32>,
      %masked_sort3A_41 = arith.constant dense<true> : vector<16xi1>
      %masked_sort3A_42, %masked_sort3A_43, %masked_sort3A_44 = tpu.sort %get3A_40, %add3A_10 masked %masked_sort3A_41 : (vector<16xf32>, vector<16xi32>, vector<16xi1>) -> (vector<16xi1>, vector<16xf32>, vector<16xi32>)
      %add3A_45 = arith.constant 32 : i32
      %add3A_46 = arith.addi %mul3A_30, %add3A_45 : i32
      %get3A_47 = arith.index_cast %add3A_46 : i32 to index
      %get3A_48 = tpu.vector_load %arg5[%get3A_47] {strides = array<i32>} : memref<32768xf32, #tpu.memory_space<vmem>>, vector<16xf32>,
      %masked_sort3A_49 = arith.constant dense<true> : vector<16xi1>
      %masked_sort3A_50, %masked_sort3A_51, %masked_sort3A_52 = tpu.sort %get3A_48, %add3A_13 masked %masked_sort3A_49 {descending = true} : (vector<16xf32>, vector<16xi32>, vector<16xi1>) -> (vector<16xi1>, vector<16xf32>, vector<16xi32>)
      %add3A_53 = arith.constant 48 : i32
      %add3A_54 = arith.addi %mul3A_30, %add3A_53 : i32
      %get3A_55 = arith.index_cast %add3A_54 : i32 to index
      %get3A_56 = tpu.vector_load %arg5[%get3A_55] {strides = array<i32>} : memref<32768xf32, #tpu.memory_space<vmem>>, vector<16xf32>,
      %masked_sort3A_57 = arith.constant dense<true> : vector<16xi1>
      %masked_sort3A_58, %masked_sort3A_59, %masked_sort3A_60 = tpu.sort %get3A_56, %add3A_16 masked %masked_sort3A_57 : (vector<16xf32>, vector<16xi32>, vector<16xi1>) -> (vector<16xi1>, vector<16xf32>, vector<16xi32>)
      %ge3A = arith.cmpf oge, %masked_sort3A_35, %masked_sort3A_43 : vector<16xf32>
      %select_n3A = arith.select %ge3A, %masked_sort3A_35, %masked_sort3A_43 : vector<16xi1>, vector<16xf32>
      %select_n3A_61 = arith.select %ge3A, %masked_sort3A_36, %masked_sort3A_44 : vector<16xi1>, vector<16xi32>
      %masked_sort3A_62 = arith.constant dense<true> : vector<16xi1>
      %masked_sort3A_63, %masked_sort3A_64, %masked_sort3A_65 = tpu.sort %select_n3A, %select_n3A_61 masked %masked_sort3A_62 {descending = true} : (vector<16xf32>, vector<16xi32>, vector<16xi1>) -> (vector<16xi1>, vector<16xf32>, vector<16xi32>)
      %ge3A_66 = arith.cmpf oge, %masked_sort3A_51, %masked_sort3A_59 : vector<16xf32>
      %select_n3A_67 = arith.select %ge3A_66, %masked_sort3A_51, %masked_sort3A_59 : vector<16xi1>, vector<16xf32>
      %select_n3A_68 = arith.select %ge3A_66, %masked_sort3A_52, %masked_sort3A_60 : vector<16xi1>, vector<16xi32>
      %masked_sort3A_69 = arith.constant dense<true> : vector<16xi1>
      %masked_sort3A_70, %masked_sort3A_71, %masked_sort3A_72 = tpu.sort %select_n3A_67, %select_n3A_68 masked %masked_sort3A_69 : (vector<16xf32>, vector<16xi32>, vector<16xi1>) -> (vector<16xi1>, vector<16xf32>, vector<16xi32>)
      %ge3A_73 = arith.cmpf oge, %masked_sort3A_64, %masked_sort3A_71 : vector<16xf32>
      %select_n3A_74 = arith.select %ge3A_73, %masked_sort3A_64, %masked_sort3A_71 : vector<16xi1>, vector<16xf32>
      %select_n3A_75 = arith.select %ge3A_73, %masked_sort3A_65, %masked_sort3A_72 : vector<16xi1>, vector<16xi32>
      %masked_sort3A_76 = arith.constant dense<true> : vector<16xi1>
      %masked_sort3A_77, %masked_sort3A_78, %masked_sort3A_79 = tpu.sort %select_n3A_74, %select_n3A_75 masked %masked_sort3A_76 {descending = true} : (vector<16xf32>, vector<16xi32>, vector<16xi1>) -> (vector<16xi1>, vector<16xf32>, vector<16xi32>)
      %exp3A = math.exp %masked_sort3A_78 : vector<16xf32>
      %jit3A = arith.constant 0.000000e+00 : f32
      %broadcast_in_dim3A = vector.broadcast %jit3A : f32 to vector<16xf32>
      %select_n3A_80 = arith.select %lt3A_18, %exp3A, %broadcast_in_dim3A : vector<16xi1>, vector<16xf32>
      %reduce_sum3A = arith.constant true
      %reduce_sum3A_81 = vector.broadcast %reduce_sum3A : i1 to vector<16xi1>
      %reduce_sum3A_82 = tpu.scan <sum>, %select_n3A_80 masked %reduce_sum3A_81 : vector<16xf32>, vector<16xi1> -> vector<16xf32>
      %reduce_sum3A_83 = vector.extract %reduce_sum3A_82[15] : f32 from vector<16xf32>
      %div3A = vector.broadcast %reduce_sum3A_83 : f32 to vector<16xf32>
      %div3A_84 = arith.divf %select_n3A_80, %div3A : vector<16xf32>
      %mul3A_85 = arith.constant 16 : i32
      %mul3A_86 = arith.muli %scan3A_28, %mul3A_85 : i32
      %swap3A = arith.index_cast %mul3A_86 : i32 to index
      %swap3A_87 = tpu.vector_load %arg6[%swap3A] {strides = array<i32>} : memref<4096xf32, #tpu.memory_space<vmem>>, vector<16xf32>,
      tpu.vector_store %arg6[%swap3A], %div3A_84 {strides = array<i32>} : memref<4096xf32, #tpu.memory_space<vmem>>, vector<16xf32>,
      %mul3A_88 = arith.constant 16 : i32
      %mul3A_89 = arith.muli %scan3A_28, %mul3A_88 : i32
      %swap3A_90 = arith.index_cast %mul3A_89 : i32 to index
      %swap3A_91 = tpu.vector_load %arg7[%swap3A_90] {strides = array<i32>} : memref<4096xi32, #tpu.memory_space<vmem>>, vector<16xi32>,
      tpu.vector_store %arg7[%swap3A_90], %masked_sort3A_79 {strides = array<i32>} : memref<4096xi32, #tpu.memory_space<vmem>>, vector<16xi32>,
      %scan3A_92 = arith.constant 1 : i32
      %scan3A_93 = arith.addi %scan3A_28, %scan3A_92 : i32
      %mul3A_94 = arith.constant 128 : i32
      %mul3A_95 = arith.muli %scan3A_93, %mul3A_94 : i32
      %add3A_96 = arith.constant 0 : i32
      %add3A_97 = arith.addi %mul3A_95, %add3A_96 : i32
      %get3A_98 = arith.index_cast %add3A_97 : i32 to index
      %get3A_99 = tpu.vector_load %arg5[%get3A_98] {strides = array<i32>} : memref<32768xf32, #tpu.memory_space<vmem>>, vector<16xf32>,
      %masked_sort3A_100 = arith.constant dense<true> : vector<16xi1>
      %masked_sort3A_101, %masked_sort3A_102, %masked_sort3A_103 = tpu.sort %get3A_99, %add3A_7 masked %masked_sort3A_100 {descending = true} : (vector<16xf32>, vector<16xi32>, vector<16xi1>) -> (vector<16xi1>, vector<16xf32>, vector<16xi32>)
      %add3A_104 = arith.constant 16 : i32
      %add3A_105 = arith.addi %mul3A_95, %add3A_104 : i32
      %get3A_106 = arith.index_cast %add3A_105 : i32 to index
      %get3A_107 = tpu.vector_load %arg5[%get3A_106] {strides = array<i32>} : memref<32768xf32, #tpu.memory_space<vmem>>, vector<16xf32>,
      %masked_sort3A_108 = arith.constant dense<true> : vector<16xi1>
      %masked_sort3A_109, %masked_sort3A_110, %masked_sort3A_111 = tpu.sort %get3A_107, %add3A_10 masked %masked_sort3A_108 : (vector<16xf32>, vector<16xi32>, vector<16xi1>) -> (vector<16xi1>, vector<16xf32>, vector<16xi32>)
      %add3A_112 = arith.constant 32 : i32
      %add3A_113 = arith.addi %mul3A_95, %add3A_112 : i32
      %get3A_114 = arith.index_cast %add3A_113 : i32 to index
      %get3A_115 = tpu.vector_load %arg5[%get3A_114] {strides = array<i32>} : memref<32768xf32, #tpu.memory_space<vmem>>, vector<16xf32>,
      %masked_sort3A_116 = arith.constant dense<true> : vector<16xi1>
      %masked_sort3A_117, %masked_sort3A_118, %masked_sort3A_119 = tpu.sort %get3A_115, %add3A_13 masked %masked_sort3A_116 {descending = true} : (vector<16xf32>, vector<16xi32>, vector<16xi1>) -> (vector<16xi1>, vector<16xf32>, vector<16xi32>)
      %add3A_120 = arith.constant 48 : i32
      %add3A_121 = arith.addi %mul3A_95, %add3A_120 : i32
      %get3A_122 = arith.index_cast %add3A_121 : i32 to index
      %get3A_123 = tpu.vector_load %arg5[%get3A_122] {strides = array<i32>} : memref<32768xf32, #tpu.memory_space<vmem>>, vector<16xf32>,
      %masked_sort3A_124 = arith.constant dense<true> : vector<16xi1>
      %masked_sort3A_125, %masked_sort3A_126, %masked_sort3A_127 = tpu.sort %get3A_123, %add3A_16 masked %masked_sort3A_124 : (vector<16xf32>, vector<16xi32>, vector<16xi1>) -> (vector<16xi1>, vector<16xf32>, vector<16xi32>)
      %ge3A_128 = arith.cmpf oge, %masked_sort3A_102, %masked_sort3A_110 : vector<16xf32>
      %select_n3A_129 = arith.select %ge3A_128, %masked_sort3A_102, %masked_sort3A_110 : vector<16xi1>, vector<16xf32>
      %select_n3A_130 = arith.select %ge3A_128, %masked_sort3A_103, %masked_sort3A_111 : vector<16xi1>, vector<16xi32>
      %masked_sort3A_131 = arith.constant dense<true> : vector<16xi1>
      %masked_sort3A_132, %masked_sort3A_133, %masked_sort3A_134 = tpu.sort %select_n3A_129, %select_n3A_130 masked %masked_sort3A_131 {descending = true} : (vector<16xf32>, vector<16xi32>, vector<16xi1>) -> (vector<16xi1>, vector<16xf32>, vector<16xi32>)
      %ge3A_135 = arith.cmpf oge, %masked_sort3A_118, %masked_sort3A_126 : vector<16xf32>
      %select_n3A_136 = arith.select %ge3A_135, %masked_sort3A_118, %masked_sort3A_126 : vector<16xi1>, vector<16xf32>
      %select_n3A_137 = arith.select %ge3A_135, %masked_sort3A_119, %masked_sort3A_127 : vector<16xi1>, vector<16xi32>
      %masked_sort3A_138 = arith.constant dense<true> : vector<16xi1>
      %masked_sort3A_139, %masked_sort3A_140, %masked_sort3A_141 = tpu.sort %select_n3A_136, %select_n3A_137 masked %masked_sort3A_138 : (vector<16xf32>, vector<16xi32>, vector<16xi1>) -> (vector<16xi1>, vector<16xf32>, vector<16xi32>)
      %ge3A_142 = arith.cmpf oge, %masked_sort3A_133, %masked_sort3A_140 : vector<16xf32>
      %select_n3A_143 = arith.select %ge3A_142, %masked_sort3A_133, %masked_sort3A_140 : vector<16xi1>, vector<16xf32>
      %select_n3A_144 = arith.select %ge3A_142, %masked_sort3A_134, %masked_sort3A_141 : vector<16xi1>, vector<16xi32>
      %masked_sort3A_145 = arith.constant dense<true> : vector<16xi1>
      %masked_sort3A_146, %masked_sort3A_147, %masked_sort3A_148 = tpu.sort %select_n3A_143, %select_n3A_144 masked %masked_sort3A_145 {descending = true} : (vector<16xf32>, vector<16xi32>, vector<16xi1>) -> (vector<16xi1>, vector<16xf32>, vector<16xi32>)
      %exp3A_149 = math.exp %masked_sort3A_147 : vector<16xf32>
      %jit3A_150 = arith.constant 0.000000e+00 : f32
      %broadcast_in_dim3A_151 = vector.broadcast %jit3A_150 : f32 to vector<16xf32>
      %select_n3A_152 = arith.select %lt3A_18, %exp3A_149, %broadcast_in_dim3A_151 : vector<16xi1>, vector<16xf32>
      %reduce_sum3A_153 = arith.constant true
      %reduce_sum3A_154 = vector.broadcast %reduce_sum3A_153 : i1 to vector<16xi1>
      %reduce_sum3A_155 = tpu.scan <sum>, %select_n3A_152 masked %reduce_sum3A_154 : vector<16xf32>, vector<16xi1> -> vector<16xf32>
      %reduce_sum3A_156 = vector.extract %reduce_sum3A_155[15] : f32 from vector<16xf32>
      %div3A_157 = vector.broadcast %reduce_sum3A_156 : f32 to vector<16xf32>
      %div3A_158 = arith.divf %select_n3A_152, %div3A_157 : vector<16xf32>
      %mul3A_159 = arith.constant 16 : i32
      %mul3A_160 = arith.muli %scan3A_93, %mul3A_159 : i32
      %swap3A_161 = arith.index_cast %mul3A_160 : i32 to index
      %swap3A_162 = tpu.vector_load %arg6[%swap3A_161] {strides = array<i32>} : memref<4096xf32, #tpu.memory_space<vmem>>, vector<16xf32>,
      tpu.vector_store %arg6[%swap3A_161], %div3A_158 {strides = array<i32>} : memref<4096xf32, #tpu.memory_space<vmem>>, vector<16xf32>,
      %mul3A_163 = arith.constant 16 : i32
      %mul3A_164 = arith.muli %scan3A_93, %mul3A_163 : i32
      %swap3A_165 = arith.index_cast %mul3A_164 : i32 to index
      %swap3A_166 = tpu.vector_load %arg7[%swap3A_165] {strides = array<i32>} : memref<4096xi32, #tpu.memory_space<vmem>>, vector<16xi32>,
      tpu.vector_store %arg7[%swap3A_165], %masked_sort3A_148 {strides = array<i32>} : memref<4096xi32, #tpu.memory_space<vmem>>, vector<16xi32>,
      %scan3A_167 = arith.constant 2 : i32
      %scan3A_168 = arith.addi %scan3A_28, %scan3A_167 : i32
      %mul3A_169 = arith.constant 128 : i32
      %mul3A_170 = arith.muli %scan3A_168, %mul3A_169 : i32
      %add3A_171 = arith.constant 0 : i32
      %add3A_172 = arith.addi %mul3A_170, %add3A_171 : i32
      %get3A_173 = arith.index_cast %add3A_172 : i32 to index
      %get3A_174 = tpu.vector_load %arg5[%get3A_173] {strides = array<i32>} : memref<32768xf32, #tpu.memory_space<vmem>>, vector<16xf32>,
      %masked_sort3A_175 = arith.constant dense<true> : vector<16xi1>
      %masked_sort3A_176, %masked_sort3A_177, %masked_sort3A_178 = tpu.sort %get3A_174, %add3A_7 masked %masked_sort3A_175 {descending = true} : (vector<16xf32>, vector<16xi32>, vector<16xi1>) -> (vector<16xi1>, vector<16xf32>, vector<16xi32>)
      %add3A_179 = arith.constant 16 : i32
      %add3A_180 = arith.addi %mul3A_170, %add3A_179 : i32
      %get3A_181 = arith.index_cast %add3A_180 : i32 to index
      %get3A_182 = tpu.vector_load %arg5[%get3A_181] {strides = array<i32>} : memref<32768xf32, #tpu.memory_space<vmem>>, vector<16xf32>,
      %masked_sort3A_183 = arith.constant dense<true> : vector<16xi1>
      %masked_sort3A_184, %masked_sort3A_185, %masked_sort3A_186 = tpu.sort %get3A_182, %add3A_10 masked %masked_sort3A_183 : (vector<16xf32>, vector<16xi32>, vector<16xi1>) -> (vector<16xi1>, vector<16xf32>, vector<16xi32>)
      %add3A_187 = arith.constant 32 : i32
      %add3A_188 = arith.addi %mul3A_170, %add3A_187 : i32
      %get3A_189 = arith.index_cast %add3A_188 : i32 to index
      %get3A_190 = tpu.vector_load %arg5[%get3A_189] {strides = array<i32>} : memref<32768xf32, #tpu.memory_space<vmem>>, vector<16xf32>,
      %masked_sort3A_191 = arith.constant dense<true> : vector<16xi1>
      %masked_sort3A_192, %masked_sort3A_193, %masked_sort3A_194 = tpu.sort %get3A_190, %add3A_13 masked %masked_sort3A_191 {descending = true} : (vector<16xf32>, vector<16xi32>, vector<16xi1>) -> (vector<16xi1>, vector<16xf32>, vector<16xi32>)
      %add3A_195 = arith.constant 48 : i32
      %add3A_196 = arith.addi %mul3A_170, %add3A_195 : i32
      %get3A_197 = arith.index_cast %add3A_196 : i32 to index
      %get3A_198 = tpu.vector_load %arg5[%get3A_197] {strides = array<i32>} : memref<32768xf32, #tpu.memory_space<vmem>>, vector<16xf32>,
      %masked_sort3A_199 = arith.constant dense<true> : vector<16xi1>
      %masked_sort3A_200, %masked_sort3A_201, %masked_sort3A_202 = tpu.sort %get3A_198, %add3A_16 masked %masked_sort3A_199 : (vector<16xf32>, vector<16xi32>, vector<16xi1>) -> (vector<16xi1>, vector<16xf32>, vector<16xi32>)
      %ge3A_203 = arith.cmpf oge, %masked_sort3A_177, %masked_sort3A_185 : vector<16xf32>
      %select_n3A_204 = arith.select %ge3A_203, %masked_sort3A_177, %masked_sort3A_185 : vector<16xi1>, vector<16xf32>
      %select_n3A_205 = arith.select %ge3A_203, %masked_sort3A_178, %masked_sort3A_186 : vector<16xi1>, vector<16xi32>
      %masked_sort3A_206 = arith.constant dense<true> : vector<16xi1>
      %masked_sort3A_207, %masked_sort3A_208, %masked_sort3A_209 = tpu.sort %select_n3A_204, %select_n3A_205 masked %masked_sort3A_206 {descending = true} : (vector<16xf32>, vector<16xi32>, vector<16xi1>) -> (vector<16xi1>, vector<16xf32>, vector<16xi32>)
      %ge3A_210 = arith.cmpf oge, %masked_sort3A_193, %masked_sort3A_201 : vector<16xf32>
      %select_n3A_211 = arith.select %ge3A_210, %masked_sort3A_193, %masked_sort3A_201 : vector<16xi1>, vector<16xf32>
      %select_n3A_212 = arith.select %ge3A_210, %masked_sort3A_194, %masked_sort3A_202 : vector<16xi1>, vector<16xi32>
      %masked_sort3A_213 = arith.constant dense<true> : vector<16xi1>
      %masked_sort3A_214, %masked_sort3A_215, %masked_sort3A_216 = tpu.sort %select_n3A_211, %select_n3A_212 masked %masked_sort3A_213 : (vector<16xf32>, vector<16xi32>, vector<16xi1>) -> (vector<16xi1>, vector<16xf32>, vector<16xi32>)
      %ge3A_217 = arith.cmpf oge, %masked_sort3A_208, %masked_sort3A_215 : vector<16xf32>
      %select_n3A_218 = arith.select %ge3A_217, %masked_sort3A_208, %masked_sort3A_215 : vector<16xi1>, vector<16xf32>
      %select_n3A_219 = arith.select %ge3A_217, %masked_sort3A_209, %masked_sort3A_216 : vector<16xi1>, vector<16xi32>
      %masked_sort3A_220 = arith.constant dense<true> : vector<16xi1>
      %masked_sort3A_221, %masked_sort3A_222, %masked_sort3A_223 = tpu.sort %select_n3A_218, %select_n3A_219 masked %masked_sort3A_220 {descending = true} : (vector<16xf32>, vector<16xi32>, vector<16xi1>) -> (vector<16xi1>, vector<16xf32>, vector<16xi32>)
      %exp3A_224 = math.exp %masked_sort3A_222 : vector<16xf32>
      %jit3A_225 = arith.constant 0.000000e+00 : f32
      %broadcast_in_dim3A_226 = vector.broadcast %jit3A_225 : f32 to vector<16xf32>
      %select_n3A_227 = arith.select %lt3A_18, %exp3A_224, %broadcast_in_dim3A_226 : vector<16xi1>, vector<16xf32>
      %reduce_sum3A_228 = arith.constant true
      %reduce_sum3A_229 = vector.broadcast %reduce_sum3A_228 : i1 to vector<16xi1>
      %reduce_sum3A_230 = tpu.scan <sum>, %select_n3A_227 masked %reduce_sum3A_229 : vector<16xf32>, vector<16xi1> -> vector<16xf32>
      %reduce_sum3A_231 = vector.extract %reduce_sum3A_230[15] : f32 from vector<16xf32>
      %div3A_232 = vector.broadcast %reduce_sum3A_231 : f32 to vector<16xf32>
      %div3A_233 = arith.divf %select_n3A_227, %div3A_232 : vector<16xf32>
      %mul3A_234 = arith.constant 16 : i32
      %mul3A_235 = arith.muli %scan3A_168, %mul3A_234 : i32
      %swap3A_236 = arith.index_cast %mul3A_235 : i32 to index
      %swap3A_237 = tpu.vector_load %arg6[%swap3A_236] {strides = array<i32>} : memref<4096xf32, #tpu.memory_space<vmem>>, vector<16xf32>,
      tpu.vector_store %arg6[%swap3A_236], %div3A_233 {strides = array<i32>} : memref<4096xf32, #tpu.memory_space<vmem>>, vector<16xf32>,
      %mul3A_238 = arith.constant 16 : i32
      %mul3A_239 = arith.muli %scan3A_168, %mul3A_238 : i32
      %swap3A_240 = arith.index_cast %mul3A_239 : i32 to index
      %swap3A_241 = tpu.vector_load %arg7[%swap3A_240] {strides = array<i32>} : memref<4096xi32, #tpu.memory_space<vmem>>, vector<16xi32>,
      tpu.vector_store %arg7[%swap3A_240], %masked_sort3A_223 {strides = array<i32>} : memref<4096xi32, #tpu.memory_space<vmem>>, vector<16xi32>,
      %scan3A_242 = arith.constant 3 : i32
      %scan3A_243 = arith.addi %scan3A_28, %scan3A_242 : i32
      %mul3A_244 = arith.constant 128 : i32
      %mul3A_245 = arith.muli %scan3A_243, %mul3A_244 : i32
      %add3A_246 = arith.constant 0 : i32
      %add3A_247 = arith.addi %mul3A_245, %add3A_246 : i32
      %get3A_248 = arith.index_cast %add3A_247 : i32 to index
      %get3A_249 = tpu.vector_load %arg5[%get3A_248] {strides = array<i32>} : memref<32768xf32, #tpu.memory_space<vmem>>, vector<16xf32>,
      %masked_sort3A_250 = arith.constant dense<true> : vector<16xi1>
      %masked_sort3A_251, %masked_sort3A_252, %masked_sort3A_253 = tpu.sort %get3A_249, %add3A_7 masked %masked_sort3A_250 {descending = true} : (vector<16xf32>, vector<16xi32>, vector<16xi1>) -> (vector<16xi1>, vector<16xf32>, vector<16xi32>)
      %add3A_254 = arith.constant 16 : i32
      %add3A_255 = arith.addi %mul3A_245, %add3A_254 : i32
      %get3A_256 = arith.index_cast %add3A_255 : i32 to index
      %get3A_257 = tpu.vector_load %arg5[%get3A_256] {strides = array<i32>} : memref<32768xf32, #tpu.memory_space<vmem>>, vector<16xf32>,
      %masked_sort3A_258 = arith.constant dense<true> : vector<16xi1>
      %masked_sort3A_259, %masked_sort3A_260, %masked_sort3A_261 = tpu.sort %get3A_257, %add3A_10 masked %masked_sort3A_258 : (vector<16xf32>, vector<16xi32>, vector<16xi1>) -> (vector<16xi1>, vector<16xf32>, vector<16xi32>)
      %add3A_262 = arith.constant 32 : i32
      %add3A_263 = arith.addi %mul3A_245, %add3A_262 : i32
      %get3A_264 = arith.index_cast %add3A_263 : i32 to index
      %get3A_265 = tpu.vector_load %arg5[%get3A_264] {strides = array<i32>} : memref<32768xf32, #tpu.memory_space<vmem>>, vector<16xf32>,
      %masked_sort3A_266 = arith.constant dense<true> : vector<16xi1>
      %masked_sort3A_267, %masked_sort3A_268, %masked_sort3A_269 = tpu.sort %get3A_265, %add3A_13 masked %masked_sort3A_266 {descending = true} : (vector<16xf32>, vector<16xi32>, vector<16xi1>) -> (vector<16xi1>, vector<16xf32>, vector<16xi32>)
      %add3A_270 = arith.constant 48 : i32
      %add3A_271 = arith.addi %mul3A_245, %add3A_270 : i32
      %get3A_272 = arith.index_cast %add3A_271 : i32 to index
      %get3A_273 = tpu.vector_load %arg5[%get3A_272] {strides = array<i32>} : memref<32768xf32, #tpu.memory_space<vmem>>, vector<16xf32>,
      %masked_sort3A_274 = arith.constant dense<true> : vector<16xi1>
      %masked_sort3A_275, %masked_sort3A_276, %masked_sort3A_277 = tpu.sort %get3A_273, %add3A_16 masked %masked_sort3A_274 : (vector<16xf32>, vector<16xi32>, vector<16xi1>) -> (vector<16xi1>, vector<16xf32>, vector<16xi32>)
      %ge3A_278 = arith.cmpf oge, %masked_sort3A_252, %masked_sort3A_260 : vector<16xf32>
      %select_n3A_279 = arith.select %ge3A_278, %masked_sort3A_252, %masked_sort3A_260 : vector<16xi1>, vector<16xf32>
      %select_n3A_280 = arith.select %ge3A_278, %masked_sort3A_253, %masked_sort3A_261 : vector<16xi1>, vector<16xi32>
      %masked_sort3A_281 = arith.constant dense<true> : vector<16xi1>
      %masked_sort3A_282, %masked_sort3A_283, %masked_sort3A_284 = tpu.sort %select_n3A_279, %select_n3A_280 masked %masked_sort3A_281 {descending = true} : (vector<16xf32>, vector<16xi32>, vector<16xi1>) -> (vector<16xi1>, vector<16xf32>, vector<16xi32>)
      %ge3A_285 = arith.cmpf oge, %masked_sort3A_268, %masked_sort3A_276 : vector<16xf32>
      %select_n3A_286 = arith.select %ge3A_285, %masked_sort3A_268, %masked_sort3A_276 : vector<16xi1>, vector<16xf32>
      %select_n3A_287 = arith.select %ge3A_285, %masked_sort3A_269, %masked_sort3A_277 : vector<16xi1>, vector<16xi32>
      %masked_sort3A_288 = arith.constant dense<true> : vector<16xi1>
      %masked_sort3A_289, %masked_sort3A_290, %masked_sort3A_291 = tpu.sort %select_n3A_286, %select_n3A_287 masked %masked_sort3A_288 : (vector<16xf32>, vector<16xi32>, vector<16xi1>) -> (vector<16xi1>, vector<16xf32>, vector<16xi32>)
      %ge3A_292 = arith.cmpf oge, %masked_sort3A_283, %masked_sort3A_290 : vector<16xf32>
      %select_n3A_293 = arith.select %ge3A_292, %masked_sort3A_283, %masked_sort3A_290 : vector<16xi1>, vector<16xf32>
      %select_n3A_294 = arith.select %ge3A_292, %masked_sort3A_284, %masked_sort3A_291 : vector<16xi1>, vector<16xi32>
      %masked_sort3A_295 = arith.constant dense<true> : vector<16xi1>
      %masked_sort3A_296, %masked_sort3A_297, %masked_sort3A_298 = tpu.sort %select_n3A_293, %select_n3A_294 masked %masked_sort3A_295 {descending = true} : (vector<16xf32>, vector<16xi32>, vector<16xi1>) -> (vector<16xi1>, vector<16xf32>, vector<16xi32>)
      %exp3A_299 = math.exp %masked_sort3A_297 : vector<16xf32>
      %jit3A_300 = arith.constant 0.000000e+00 : f32
      %broadcast_in_dim3A_301 = vector.broadcast %jit3A_300 : f32 to vector<16xf32>
      %select_n3A_302 = arith.select %lt3A_18, %exp3A_299, %broadcast_in_dim3A_301 : vector<16xi1>, vector<16xf32>
      %reduce_sum3A_303 = arith.constant true
      %reduce_sum3A_304 = vector.broadcast %reduce_sum3A_303 : i1 to vector<16xi1>
      %reduce_sum3A_305 = tpu.scan <sum>, %select_n3A_302 masked %reduce_sum3A_304 : vector<16xf32>, vector<16xi1> -> vector<16xf32>
      %reduce_sum3A_306 = vector.extract %reduce_sum3A_305[15] : f32 from vector<16xf32>
      %div3A_307 = vector.broadcast %reduce_sum3A_306 : f32 to vector<16xf32>
      %div3A_308 = arith.divf %select_n3A_302, %div3A_307 : vector<16xf32>
      %mul3A_309 = arith.constant 16 : i32
      %mul3A_310 = arith.muli %scan3A_243, %mul3A_309 : i32
      %swap3A_311 = arith.index_cast %mul3A_310 : i32 to index
      %swap3A_312 = tpu.vector_load %arg6[%swap3A_311] {strides = array<i32>} : memref<4096xf32, #tpu.memory_space<vmem>>, vector<16xf32>,
      tpu.vector_store %arg6[%swap3A_311], %div3A_308 {strides = array<i32>} : memref<4096xf32, #tpu.memory_space<vmem>>, vector<16xf32>,
      %mul3A_313 = arith.constant 16 : i32
      %mul3A_314 = arith.muli %scan3A_243, %mul3A_313 : i32
      %swap3A_315 = arith.index_cast %mul3A_314 : i32 to index
      %swap3A_316 = tpu.vector_load %arg7[%swap3A_315] {strides = array<i32>} : memref<4096xi32, #tpu.memory_space<vmem>>, vector<16xi32>,
      tpu.vector_store %arg7[%swap3A_315], %masked_sort3A_298 {strides = array<i32>} : memref<4096xi32, #tpu.memory_space<vmem>>, vector<16xi32>,
    }
    %scan3A_23 = arith.constant 256 : i32
    %mul3A_24 = arith.constant 16 : i32
    %mul3A_25 = arith.muli %mul3A_2, %mul3A_24 : i32
    "tpu.region"() ({
      %run_scoped3A = tpu.sem_alloc : memref<!tpu.dma_semaphore, #tpu.memory_space<semaphore_mem>>
      %dma_start3A = tpu.memref_slice %arg3[%mul3A_25] : memref<131072xf32, #tpu.memory_space<hbm>> -> memref<4096xf32, #tpu.memory_space<hbm>>
      %dma_start3A_28 = tpu.memref_slice %arg3[%mul3A_25] : memref<131072xf32, #tpu.memory_space<hbm>> -> memref<4096xf32, #tpu.memory_space<hbm>>
      tpu.enqueue_dma source(%arg6 : memref<4096xf32, #tpu.memory_space<vmem>>) target(%dma_start3A_28 : memref<4096xf32, #tpu.memory_space<hbm>>) target_semaphore(%run_scoped3A : memref<!tpu.dma_semaphore, #tpu.memory_space<semaphore_mem>>)
      %dma_wait3A = tpu.memref_slice %arg3[%mul3A_25] : memref<131072xf32, #tpu.memory_space<hbm>> -> memref<4096xf32, #tpu.memory_space<hbm>>
      %dma_wait3A_29 = tpu.memref_slice %arg3[%mul3A_25] : memref<131072xf32, #tpu.memory_space<hbm>> -> memref<4096xf32, #tpu.memory_space<hbm>>
      tpu.wait_dma2 semaphore(%run_scoped3A : memref<!tpu.dma_semaphore, #tpu.memory_space<semaphore_mem>>) src(%arg6 : memref<4096xf32, #tpu.memory_space<vmem>>) dst(%dma_wait3A_29 : memref<4096xf32, #tpu.memory_space<hbm>>)
      tpu.yield
    }) : () -> ()
    %mul3A_26 = arith.constant 16 : i32
    %mul3A_27 = arith.muli %mul3A_2, %mul3A_26 : i32
    "tpu.region"() ({
      %run_scoped3A = tpu.sem_alloc : memref<!tpu.dma_semaphore, #tpu.memory_space<semaphore_mem>>
      %dma_start3A = tpu.memref_slice %arg4[%mul3A_27] : memref<131072xi32, #tpu.memory_space<hbm>> -> memref<4096xi32, #tpu.memory_space<hbm>>
      %dma_start3A_28 = tpu.memref_slice %arg4[%mul3A_27] : memref<131072xi32, #tpu.memory_space<hbm>> -> memref<4096xi32, #tpu.memory_space<hbm>>
      tpu.enqueue_dma source(%arg7 : memref<4096xi32, #tpu.memory_space<vmem>>) target(%dma_start3A_28 : memref<4096xi32, #tpu.memory_space<hbm>>) target_semaphore(%run_scoped3A : memref<!tpu.dma_semaphore, #tpu.memory_space<semaphore_mem>>)
      %dma_wait3A = tpu.memref_slice %arg4[%mul3A_27] : memref<131072xi32, #tpu.memory_space<hbm>> -> memref<4096xi32, #tpu.memory_space<hbm>>
      %dma_wait3A_29 = tpu.memref_slice %arg4[%mul3A_27] : memref<131072xi32, #tpu.memory_space<hbm>> -> memref<4096xi32, #tpu.memory_space<hbm>>
      tpu.wait_dma2 semaphore(%run_scoped3A : memref<!tpu.dma_semaphore, #tpu.memory_space<semaphore_mem>>) src(%arg7 : memref<4096xi32, #tpu.memory_space<vmem>>) dst(%dma_wait3A_29 : memref<4096xi32, #tpu.memory_space<hbm>>)
      tpu.yield
    }) : () -> ()
    return
  }
}

#map = affine_map<(d0, d1) -> (0)>
module attributes {stable_mosaic.version = 14 : i64} {
  func.func @sc_topk(%arg0: i32, %arg1: i32, %arg2: memref<1048576xf32, #tpu.memory_space<hbm>>, %arg3: memref<131072xf32, #tpu.memory_space<hbm>>, %arg4: memref<131072xi32, #tpu.memory_space<hbm>>, %arg5: memref<32768xf32, #tpu.memory_space<vmem>>, %arg6: memref<4096xf32, #tpu.memory_space<vmem>>, %arg7: memref<4096xi32, #tpu.memory_space<vmem>>) attributes {dimension_semantics = [#tpu.dimension_semantics<core_parallel>, #tpu.dimension_semantics<subcore_parallel>], iteration_bounds = array<i64: 2, 16>, scalar_prefetch = 0 : i64, scratch_operands = 3 : i64, tpu.core_type = #tpu.core_type<sc_vector_subcore>, window_params = [{transform_indices = #map}, {transform_indices = #map}, {transform_indices = #map}]} {
    %mul3A = arith.constant 2 : i32
    %mul3A_0 = arith.muli %arg1, %mul3A : i32
    %add3A = arith.addi %mul3A_0, %arg0 : i32
    %mul3A_1 = arith.constant 256 : i32
    %mul3A_2 = arith.muli %add3A, %mul3A_1 : i32
    %mul3A_3 = arith.constant 128 : i32
    %mul3A_4 = arith.muli %mul3A_2, %mul3A_3 : i32
    "tpu.region"() ({
      %run_scoped3A = tpu.sem_alloc : memref<!tpu.dma_semaphore, #tpu.memory_space<semaphore_mem>>
      %dma_start3A = tpu.memref_slice %arg2[%mul3A_4] : memref<1048576xf32, #tpu.memory_space<hbm>> -> memref<32768xf32, #tpu.memory_space<hbm>>
      %dma_start3A_28 = tpu.memref_slice %arg2[%mul3A_4] : memref<1048576xf32, #tpu.memory_space<hbm>> -> memref<32768xf32, #tpu.memory_space<hbm>>
      tpu.enqueue_dma source(%dma_start3A_28 : memref<32768xf32, #tpu.memory_space<hbm>>) target(%arg5 : memref<32768xf32, #tpu.memory_space<vmem>>) target_semaphore(%run_scoped3A : memref<!tpu.dma_semaphore, #tpu.memory_space<semaphore_mem>>)
      %dma_wait3A = tpu.memref_slice %arg2[%mul3A_4] : memref<1048576xf32, #tpu.memory_space<hbm>> -> memref<32768xf32, #tpu.memory_space<hbm>>
      %dma_wait3A_29 = tpu.memref_slice %arg2[%mul3A_4] : memref<1048576xf32, #tpu.memory_space<hbm>> -> memref<32768xf32, #tpu.memory_space<hbm>>
      tpu.wait_dma2 semaphore(%run_scoped3A : memref<!tpu.dma_semaphore, #tpu.memory_space<semaphore_mem>>) src(%dma_wait3A_29 : memref<32768xf32, #tpu.memory_space<hbm>>) dst(%arg5 : memref<32768xf32, #tpu.memory_space<vmem>>)
      tpu.yield
    }) : () -> ()
    %iota3A = tpu.iota {dimensions = array<i32: 0>} : vector<16xi32>
    %add3A_5 = arith.constant 0 : i32
    %add3A_6 = vector.broadcast %add3A_5 : i32 to vector<16xi32>
    %add3A_7 = arith.addi %iota3A, %add3A_6 : vector<16xi32>
    %add3A_8 = arith.constant 16 : i32
    %add3A_9 = vector.broadcast %add3A_8 : i32 to vector<16xi32>
    %add3A_10 = arith.addi %iota3A, %add3A_9 : vector<16xi32>
    %add3A_11 = arith.constant 32 : i32
    %add3A_12 = vector.broadcast %add3A_11 : i32 to vector<16xi32>
    %add3A_13 = arith.addi %iota3A, %add3A_12 : vector<16xi32>
    %add3A_14 = arith.constant 48 : i32
    %add3A_15 = vector.broadcast %add3A_14 : i32 to vector<16xi32>
    %add3A_16 = arith.addi %iota3A, %add3A_15 : vector<16xi32>
    %lt3A = arith.constant 8 : i32
    %lt3A_17 = vector.broadcast %lt3A : i32 to vector<16xi32>
    %lt3A_18 = arith.cmpi slt, %iota3A, %lt3A_17 : vector<16xi32>
    %scan3A = arith.constant 0 : i32
    %scan3A_19 = arith.constant 0 : i32
    %scan3A_20 = arith.constant 256 : i32
    %scan3A_21 = arith.addi %scan3A_19, %scan3A_20 : i32
    %scan3A_22 = arith.constant 4 : i32
    scf.for %scan3A_28 = %scan3A_19 to %scan3A_21 step %scan3A_22  : i32 {
      %mul3A_29 = arith.constant 128 : i32
      %mul3A_30 = arith.muli %scan3A_28, %mul3A_29 : i32
      %add3A_31 = arith.constant 0 : i32
      %add3A_32 = arith.addi %mul3A_30, %add3A_31 : i32
      %get3A = arith.index_cast %add3A_32 : i32 to index
      %get3A_33 = tpu.vector_load %arg5[%get3A] {strides = array<i32>} : memref<32768xf32, #tpu.memory_space<vmem>>, vector<16xf32>,
      %masked_sort3A = arith.constant dense<true> : vector<16xi1>
      %masked_sort3A_34, %masked_sort3A_35, %masked_sort3A_36 = tpu.sort %get3A_33, %add3A_7 masked %masked_sort3A {descending = true} : (vector<16xf32>, vector<16xi32>, vector<16xi1>) -> (vector<16xi1>, vector<16xf32>, vector<16xi32>)
      %add3A_37 = arith.constant 16 : i32
      %add3A_38 = arith.addi %mul3A_30, %add3A_37 : i32
      %get3A_39 = arith.index_cast %add3A_38 : i32 to index
      %get3A_40 = tpu.vector_load %arg5[%get3A_39] {strides = array<i32>} : memref<32768xf32, #tpu.memory_space<vmem>>, vector<16xf32>,
      %masked_sort3A_41 = arith.constant dense<true> : vector<16xi1>
      %masked_sort3A_42, %masked_sort3A_43, %masked_sort3A_44 = tpu.sort %get3A_40, %add3A_10 masked %masked_sort3A_41 : (vector<16xf32>, vector<16xi32>, vector<16xi1>) -> (vector<16xi1>, vector<16xf32>, vector<16xi32>)
      %add3A_45 = arith.constant 32 : i32
      %add3A_46 = arith.addi %mul3A_30, %add3A_45 : i32
      %get3A_47 = arith.index_cast %add3A_46 : i32 to index
      %get3A_48 = tpu.vector_load %arg5[%get3A_47] {strides = array<i32>} : memref<32768xf32, #tpu.memory_space<vmem>>, vector<16xf32>,
      %masked_sort3A_49 = arith.constant dense<true> : vector<16xi1>
      %masked_sort3A_50, %masked_sort3A_51, %masked_sort3A_52 = tpu.sort %get3A_48, %add3A_13 masked %masked_sort3A_49 {descending = true} : (vector<16xf32>, vector<16xi32>, vector<16xi1>) -> (vector<16xi1>, vector<16xf32>, vector<16xi32>)
      %add3A_53 = arith.constant 48 : i32
      %add3A_54 = arith.addi %mul3A_30, %add3A_53 : i32
      %get3A_55 = arith.index_cast %add3A_54 : i32 to index
      %get3A_56 = tpu.vector_load %arg5[%get3A_55] {strides = array<i32>} : memref<32768xf32, #tpu.memory_space<vmem>>, vector<16xf32>,
      %masked_sort3A_57 = arith.constant dense<true> : vector<16xi1>
      %masked_sort3A_58, %masked_sort3A_59, %masked_sort3A_60 = tpu.sort %get3A_56, %add3A_16 masked %masked_sort3A_57 : (vector<16xf32>, vector<16xi32>, vector<16xi1>) -> (vector<16xi1>, vector<16xf32>, vector<16xi32>)
      %ge3A = arith.cmpf oge, %masked_sort3A_35, %masked_sort3A_43 : vector<16xf32>
      %select_n3A = arith.select %ge3A, %masked_sort3A_35, %masked_sort3A_43 : vector<16xi1>, vector<16xf32>
      %select_n3A_61 = arith.select %ge3A, %masked_sort3A_36, %masked_sort3A_44 : vector<16xi1>, vector<16xi32>
      %masked_sort3A_62 = arith.constant dense<true> : vector<16xi1>
      %masked_sort3A_63, %masked_sort3A_64, %masked_sort3A_65 = tpu.sort %select_n3A, %select_n3A_61 masked %masked_sort3A_62 {descending = true} : (vector<16xf32>, vector<16xi32>, vector<16xi1>) -> (vector<16xi1>, vector<16xf32>, vector<16xi32>)
      %ge3A_66 = arith.cmpf oge, %masked_sort3A_51, %masked_sort3A_59 : vector<16xf32>
      %select_n3A_67 = arith.select %ge3A_66, %masked_sort3A_51, %masked_sort3A_59 : vector<16xi1>, vector<16xf32>
      %select_n3A_68 = arith.select %ge3A_66, %masked_sort3A_52, %masked_sort3A_60 : vector<16xi1>, vector<16xi32>
      %masked_sort3A_69 = arith.constant dense<true> : vector<16xi1>
      %masked_sort3A_70, %masked_sort3A_71, %masked_sort3A_72 = tpu.sort %select_n3A_67, %select_n3A_68 masked %masked_sort3A_69 : (vector<16xf32>, vector<16xi32>, vector<16xi1>) -> (vector<16xi1>, vector<16xf32>, vector<16xi32>)
      %ge3A_73 = arith.cmpf oge, %masked_sort3A_64, %masked_sort3A_71 : vector<16xf32>
      %select_n3A_74 = arith.select %ge3A_73, %masked_sort3A_64, %masked_sort3A_71 : vector<16xi1>, vector<16xf32>
      %select_n3A_75 = arith.select %ge3A_73, %masked_sort3A_65, %masked_sort3A_72 : vector<16xi1>, vector<16xi32>
      %masked_sort3A_76 = arith.constant dense<true> : vector<16xi1>
      %masked_sort3A_77, %masked_sort3A_78, %masked_sort3A_79 = tpu.sort %select_n3A_74, %select_n3A_75 masked %masked_sort3A_76 {descending = true} : (vector<16xf32>, vector<16xi32>, vector<16xi1>) -> (vector<16xi1>, vector<16xf32>, vector<16xi32>)
      %exp3A = math.exp %masked_sort3A_78 : vector<16xf32>
      %jit3A = arith.constant 0.000000e+00 : f32
      %broadcast_in_dim3A = vector.broadcast %jit3A : f32 to vector<16xf32>
      %select_n3A_80 = arith.select %lt3A_18, %exp3A, %broadcast_in_dim3A : vector<16xi1>, vector<16xf32>
      %reduce_sum3A = arith.constant true
      %reduce_sum3A_81 = vector.broadcast %reduce_sum3A : i1 to vector<16xi1>
      %reduce_sum3A_82 = tpu.scan <sum>, %select_n3A_80 masked %reduce_sum3A_81 : vector<16xf32>, vector<16xi1> -> vector<16xf32>
      %reduce_sum3A_83 = vector.extract %reduce_sum3A_82[15] : f32 from vector<16xf32>
      %div3A = vector.broadcast %reduce_sum3A_83 : f32 to vector<16xf32>
      %div3A_84 = arith.divf %select_n3A_80, %div3A : vector<16xf32>
      %mul3A_85 = arith.constant 16 : i32
      %mul3A_86 = arith.muli %scan3A_28, %mul3A_85 : i32
      %swap3A = arith.index_cast %mul3A_86 : i32 to index
      %swap3A_87 = tpu.vector_load %arg6[%swap3A] {strides = array<i32>} : memref<4096xf32, #tpu.memory_space<vmem>>, vector<16xf32>,
      tpu.vector_store %arg6[%swap3A], %div3A_84 {strides = array<i32>} : memref<4096xf32, #tpu.memory_space<vmem>>, vector<16xf32>,
      %mul3A_88 = arith.constant 16 : i32
      %mul3A_89 = arith.muli %scan3A_28, %mul3A_88 : i32
      %swap3A_90 = arith.index_cast %mul3A_89 : i32 to index
      %swap3A_91 = tpu.vector_load %arg7[%swap3A_90] {strides = array<i32>} : memref<4096xi32, #tpu.memory_space<vmem>>, vector<16xi32>,
      tpu.vector_store %arg7[%swap3A_90], %masked_sort3A_79 {strides = array<i32>} : memref<4096xi32, #tpu.memory_space<vmem>>, vector<16xi32>,
      %scan3A_92 = arith.constant 1 : i32
      %scan3A_93 = arith.addi %scan3A_28, %scan3A_92 : i32
      %mul3A_94 = arith.constant 128 : i32
      %mul3A_95 = arith.muli %scan3A_93, %mul3A_94 : i32
      %add3A_96 = arith.constant 0 : i32
      %add3A_97 = arith.addi %mul3A_95, %add3A_96 : i32
      %get3A_98 = arith.index_cast %add3A_97 : i32 to index
      %get3A_99 = tpu.vector_load %arg5[%get3A_98] {strides = array<i32>} : memref<32768xf32, #tpu.memory_space<vmem>>, vector<16xf32>,
      %masked_sort3A_100 = arith.constant dense<true> : vector<16xi1>
      %masked_sort3A_101, %masked_sort3A_102, %masked_sort3A_103 = tpu.sort %get3A_99, %add3A_7 masked %masked_sort3A_100 {descending = true} : (vector<16xf32>, vector<16xi32>, vector<16xi1>) -> (vector<16xi1>, vector<16xf32>, vector<16xi32>)
      %add3A_104 = arith.constant 16 : i32
      %add3A_105 = arith.addi %mul3A_95, %add3A_104 : i32
      %get3A_106 = arith.index_cast %add3A_105 : i32 to index
      %get3A_107 = tpu.vector_load %arg5[%get3A_106] {strides = array<i32>} : memref<32768xf32, #tpu.memory_space<vmem>>, vector<16xf32>,
      %masked_sort3A_108 = arith.constant dense<true> : vector<16xi1>
      %masked_sort3A_109, %masked_sort3A_110, %masked_sort3A_111 = tpu.sort %get3A_107, %add3A_10 masked %masked_sort3A_108 : (vector<16xf32>, vector<16xi32>, vector<16xi1>) -> (vector<16xi1>, vector<16xf32>, vector<16xi32>)
      %add3A_112 = arith.constant 32 : i32
      %add3A_113 = arith.addi %mul3A_95, %add3A_112 : i32
      %get3A_114 = arith.index_cast %add3A_113 : i32 to index
      %get3A_115 = tpu.vector_load %arg5[%get3A_114] {strides = array<i32>} : memref<32768xf32, #tpu.memory_space<vmem>>, vector<16xf32>,
      %masked_sort3A_116 = arith.constant dense<true> : vector<16xi1>
      %masked_sort3A_117, %masked_sort3A_118, %masked_sort3A_119 = tpu.sort %get3A_115, %add3A_13 masked %masked_sort3A_116 {descending = true} : (vector<16xf32>, vector<16xi32>, vector<16xi1>) -> (vector<16xi1>, vector<16xf32>, vector<16xi32>)
      %add3A_120 = arith.constant 48 : i32
      %add3A_121 = arith.addi %mul3A_95, %add3A_120 : i32
      %get3A_122 = arith.index_cast %add3A_121 : i32 to index
      %get3A_123 = tpu.vector_load %arg5[%get3A_122] {strides = array<i32>} : memref<32768xf32, #tpu.memory_space<vmem>>, vector<16xf32>,
      %masked_sort3A_124 = arith.constant dense<true> : vector<16xi1>
      %masked_sort3A_125, %masked_sort3A_126, %masked_sort3A_127 = tpu.sort %get3A_123, %add3A_16 masked %masked_sort3A_124 : (vector<16xf32>, vector<16xi32>, vector<16xi1>) -> (vector<16xi1>, vector<16xf32>, vector<16xi32>)
      %ge3A_128 = arith.cmpf oge, %masked_sort3A_102, %masked_sort3A_110 : vector<16xf32>
      %select_n3A_129 = arith.select %ge3A_128, %masked_sort3A_102, %masked_sort3A_110 : vector<16xi1>, vector<16xf32>
      %select_n3A_130 = arith.select %ge3A_128, %masked_sort3A_103, %masked_sort3A_111 : vector<16xi1>, vector<16xi32>
      %masked_sort3A_131 = arith.constant dense<true> : vector<16xi1>
      %masked_sort3A_132, %masked_sort3A_133, %masked_sort3A_134 = tpu.sort %select_n3A_129, %select_n3A_130 masked %masked_sort3A_131 {descending = true} : (vector<16xf32>, vector<16xi32>, vector<16xi1>) -> (vector<16xi1>, vector<16xf32>, vector<16xi32>)
      %ge3A_135 = arith.cmpf oge, %masked_sort3A_118, %masked_sort3A_126 : vector<16xf32>
      %select_n3A_136 = arith.select %ge3A_135, %masked_sort3A_118, %masked_sort3A_126 : vector<16xi1>, vector<16xf32>
      %select_n3A_137 = arith.select %ge3A_135, %masked_sort3A_119, %masked_sort3A_127 : vector<16xi1>, vector<16xi32>
      %masked_sort3A_138 = arith.constant dense<true> : vector<16xi1>
      %masked_sort3A_139, %masked_sort3A_140, %masked_sort3A_141 = tpu.sort %select_n3A_136, %select_n3A_137 masked %masked_sort3A_138 : (vector<16xf32>, vector<16xi32>, vector<16xi1>) -> (vector<16xi1>, vector<16xf32>, vector<16xi32>)
      %ge3A_142 = arith.cmpf oge, %masked_sort3A_133, %masked_sort3A_140 : vector<16xf32>
      %select_n3A_143 = arith.select %ge3A_142, %masked_sort3A_133, %masked_sort3A_140 : vector<16xi1>, vector<16xf32>
      %select_n3A_144 = arith.select %ge3A_142, %masked_sort3A_134, %masked_sort3A_141 : vector<16xi1>, vector<16xi32>
      %masked_sort3A_145 = arith.constant dense<true> : vector<16xi1>
      %masked_sort3A_146, %masked_sort3A_147, %masked_sort3A_148 = tpu.sort %select_n3A_143, %select_n3A_144 masked %masked_sort3A_145 {descending = true} : (vector<16xf32>, vector<16xi32>, vector<16xi1>) -> (vector<16xi1>, vector<16xf32>, vector<16xi32>)
      %exp3A_149 = math.exp %masked_sort3A_147 : vector<16xf32>
      %jit3A_150 = arith.constant 0.000000e+00 : f32
      %broadcast_in_dim3A_151 = vector.broadcast %jit3A_150 : f32 to vector<16xf32>
      %select_n3A_152 = arith.select %lt3A_18, %exp3A_149, %broadcast_in_dim3A_151 : vector<16xi1>, vector<16xf32>
      %reduce_sum3A_153 = arith.constant true
      %reduce_sum3A_154 = vector.broadcast %reduce_sum3A_153 : i1 to vector<16xi1>
      %reduce_sum3A_155 = tpu.scan <sum>, %select_n3A_152 masked %reduce_sum3A_154 : vector<16xf32>, vector<16xi1> -> vector<16xf32>
      %reduce_sum3A_156 = vector.extract %reduce_sum3A_155[15] : f32 from vector<16xf32>
      %div3A_157 = vector.broadcast %reduce_sum3A_156 : f32 to vector<16xf32>
      %div3A_158 = arith.divf %select_n3A_152, %div3A_157 : vector<16xf32>
      %mul3A_159 = arith.constant 16 : i32
      %mul3A_160 = arith.muli %scan3A_93, %mul3A_159 : i32
      %swap3A_161 = arith.index_cast %mul3A_160 : i32 to index
      %swap3A_162 = tpu.vector_load %arg6[%swap3A_161] {strides = array<i32>} : memref<4096xf32, #tpu.memory_space<vmem>>, vector<16xf32>,
      tpu.vector_store %arg6[%swap3A_161], %div3A_158 {strides = array<i32>} : memref<4096xf32, #tpu.memory_space<vmem>>, vector<16xf32>,
      %mul3A_163 = arith.constant 16 : i32
      %mul3A_164 = arith.muli %scan3A_93, %mul3A_163 : i32
      %swap3A_165 = arith.index_cast %mul3A_164 : i32 to index
      %swap3A_166 = tpu.vector_load %arg7[%swap3A_165] {strides = array<i32>} : memref<4096xi32, #tpu.memory_space<vmem>>, vector<16xi32>,
      tpu.vector_store %arg7[%swap3A_165], %masked_sort3A_148 {strides = array<i32>} : memref<4096xi32, #tpu.memory_space<vmem>>, vector<16xi32>,
      %scan3A_167 = arith.constant 2 : i32
      %scan3A_168 = arith.addi %scan3A_28, %scan3A_167 : i32
      %mul3A_169 = arith.constant 128 : i32
      %mul3A_170 = arith.muli %scan3A_168, %mul3A_169 : i32
      %add3A_171 = arith.constant 0 : i32
      %add3A_172 = arith.addi %mul3A_170, %add3A_171 : i32
      %get3A_173 = arith.index_cast %add3A_172 : i32 to index
      %get3A_174 = tpu.vector_load %arg5[%get3A_173] {strides = array<i32>} : memref<32768xf32, #tpu.memory_space<vmem>>, vector<16xf32>,
      %masked_sort3A_175 = arith.constant dense<true> : vector<16xi1>
      %masked_sort3A_176, %masked_sort3A_177, %masked_sort3A_178 = tpu.sort %get3A_174, %add3A_7 masked %masked_sort3A_175 {descending = true} : (vector<16xf32>, vector<16xi32>, vector<16xi1>) -> (vector<16xi1>, vector<16xf32>, vector<16xi32>)
      %add3A_179 = arith.constant 16 : i32
      %add3A_180 = arith.addi %mul3A_170, %add3A_179 : i32
      %get3A_181 = arith.index_cast %add3A_180 : i32 to index
      %get3A_182 = tpu.vector_load %arg5[%get3A_181] {strides = array<i32>} : memref<32768xf32, #tpu.memory_space<vmem>>, vector<16xf32>,
      %masked_sort3A_183 = arith.constant dense<true> : vector<16xi1>
      %masked_sort3A_184, %masked_sort3A_185, %masked_sort3A_186 = tpu.sort %get3A_182, %add3A_10 masked %masked_sort3A_183 : (vector<16xf32>, vector<16xi32>, vector<16xi1>) -> (vector<16xi1>, vector<16xf32>, vector<16xi32>)
      %add3A_187 = arith.constant 32 : i32
      %add3A_188 = arith.addi %mul3A_170, %add3A_187 : i32
      %get3A_189 = arith.index_cast %add3A_188 : i32 to index
      %get3A_190 = tpu.vector_load %arg5[%get3A_189] {strides = array<i32>} : memref<32768xf32, #tpu.memory_space<vmem>>, vector<16xf32>,
      %masked_sort3A_191 = arith.constant dense<true> : vector<16xi1>
      %masked_sort3A_192, %masked_sort3A_193, %masked_sort3A_194 = tpu.sort %get3A_190, %add3A_13 masked %masked_sort3A_191 {descending = true} : (vector<16xf32>, vector<16xi32>, vector<16xi1>) -> (vector<16xi1>, vector<16xf32>, vector<16xi32>)
      %add3A_195 = arith.constant 48 : i32
      %add3A_196 = arith.addi %mul3A_170, %add3A_195 : i32
      %get3A_197 = arith.index_cast %add3A_196 : i32 to index
      %get3A_198 = tpu.vector_load %arg5[%get3A_197] {strides = array<i32>} : memref<32768xf32, #tpu.memory_space<vmem>>, vector<16xf32>,
      %masked_sort3A_199 = arith.constant dense<true> : vector<16xi1>
      %masked_sort3A_200, %masked_sort3A_201, %masked_sort3A_202 = tpu.sort %get3A_198, %add3A_16 masked %masked_sort3A_199 : (vector<16xf32>, vector<16xi32>, vector<16xi1>) -> (vector<16xi1>, vector<16xf32>, vector<16xi32>)
      %ge3A_203 = arith.cmpf oge, %masked_sort3A_177, %masked_sort3A_185 : vector<16xf32>
      %select_n3A_204 = arith.select %ge3A_203, %masked_sort3A_177, %masked_sort3A_185 : vector<16xi1>, vector<16xf32>
      %select_n3A_205 = arith.select %ge3A_203, %masked_sort3A_178, %masked_sort3A_186 : vector<16xi1>, vector<16xi32>
      %masked_sort3A_206 = arith.constant dense<true> : vector<16xi1>
      %masked_sort3A_207, %masked_sort3A_208, %masked_sort3A_209 = tpu.sort %select_n3A_204, %select_n3A_205 masked %masked_sort3A_206 {descending = true} : (vector<16xf32>, vector<16xi32>, vector<16xi1>) -> (vector<16xi1>, vector<16xf32>, vector<16xi32>)
      %ge3A_210 = arith.cmpf oge, %masked_sort3A_193, %masked_sort3A_201 : vector<16xf32>
      %select_n3A_211 = arith.select %ge3A_210, %masked_sort3A_193, %masked_sort3A_201 : vector<16xi1>, vector<16xf32>
      %select_n3A_212 = arith.select %ge3A_210, %masked_sort3A_194, %masked_sort3A_202 : vector<16xi1>, vector<16xi32>
      %masked_sort3A_213 = arith.constant dense<true> : vector<16xi1>
      %masked_sort3A_214, %masked_sort3A_215, %masked_sort3A_216 = tpu.sort %select_n3A_211, %select_n3A_212 masked %masked_sort3A_213 : (vector<16xf32>, vector<16xi32>, vector<16xi1>) -> (vector<16xi1>, vector<16xf32>, vector<16xi32>)
      %ge3A_217 = arith.cmpf oge, %masked_sort3A_208, %masked_sort3A_215 : vector<16xf32>
      %select_n3A_218 = arith.select %ge3A_217, %masked_sort3A_208, %masked_sort3A_215 : vector<16xi1>, vector<16xf32>
      %select_n3A_219 = arith.select %ge3A_217, %masked_sort3A_209, %masked_sort3A_216 : vector<16xi1>, vector<16xi32>
      %masked_sort3A_220 = arith.constant dense<true> : vector<16xi1>
      %masked_sort3A_221, %masked_sort3A_222, %masked_sort3A_223 = tpu.sort %select_n3A_218, %select_n3A_219 masked %masked_sort3A_220 {descending = true} : (vector<16xf32>, vector<16xi32>, vector<16xi1>) -> (vector<16xi1>, vector<16xf32>, vector<16xi32>)
      %exp3A_224 = math.exp %masked_sort3A_222 : vector<16xf32>
      %jit3A_225 = arith.constant 0.000000e+00 : f32
      %broadcast_in_dim3A_226 = vector.broadcast %jit3A_225 : f32 to vector<16xf32>
      %select_n3A_227 = arith.select %lt3A_18, %exp3A_224, %broadcast_in_dim3A_226 : vector<16xi1>, vector<16xf32>
      %reduce_sum3A_228 = arith.constant true
      %reduce_sum3A_229 = vector.broadcast %reduce_sum3A_228 : i1 to vector<16xi1>
      %reduce_sum3A_230 = tpu.scan <sum>, %select_n3A_227 masked %reduce_sum3A_229 : vector<16xf32>, vector<16xi1> -> vector<16xf32>
      %reduce_sum3A_231 = vector.extract %reduce_sum3A_230[15] : f32 from vector<16xf32>
      %div3A_232 = vector.broadcast %reduce_sum3A_231 : f32 to vector<16xf32>
      %div3A_233 = arith.divf %select_n3A_227, %div3A_232 : vector<16xf32>
      %mul3A_234 = arith.constant 16 : i32
      %mul3A_235 = arith.muli %scan3A_168, %mul3A_234 : i32
      %swap3A_236 = arith.index_cast %mul3A_235 : i32 to index
      %swap3A_237 = tpu.vector_load %arg6[%swap3A_236] {strides = array<i32>} : memref<4096xf32, #tpu.memory_space<vmem>>, vector<16xf32>,
      tpu.vector_store %arg6[%swap3A_236], %div3A_233 {strides = array<i32>} : memref<4096xf32, #tpu.memory_space<vmem>>, vector<16xf32>,
      %mul3A_238 = arith.constant 16 : i32
      %mul3A_239 = arith.muli %scan3A_168, %mul3A_238 : i32
      %swap3A_240 = arith.index_cast %mul3A_239 : i32 to index
      %swap3A_241 = tpu.vector_load %arg7[%swap3A_240] {strides = array<i32>} : memref<4096xi32, #tpu.memory_space<vmem>>, vector<16xi32>,
      tpu.vector_store %arg7[%swap3A_240], %masked_sort3A_223 {strides = array<i32>} : memref<4096xi32, #tpu.memory_space<vmem>>, vector<16xi32>,
      %scan3A_242 = arith.constant 3 : i32
      %scan3A_243 = arith.addi %scan3A_28, %scan3A_242 : i32
      %mul3A_244 = arith.constant 128 : i32
      %mul3A_245 = arith.muli %scan3A_243, %mul3A_244 : i32
      %add3A_246 = arith.constant 0 : i32
      %add3A_247 = arith.addi %mul3A_245, %add3A_246 : i32
      %get3A_248 = arith.index_cast %add3A_247 : i32 to index
      %get3A_249 = tpu.vector_load %arg5[%get3A_248] {strides = array<i32>} : memref<32768xf32, #tpu.memory_space<vmem>>, vector<16xf32>,
      %masked_sort3A_250 = arith.constant dense<true> : vector<16xi1>
      %masked_sort3A_251, %masked_sort3A_252, %masked_sort3A_253 = tpu.sort %get3A_249, %add3A_7 masked %masked_sort3A_250 {descending = true} : (vector<16xf32>, vector<16xi32>, vector<16xi1>) -> (vector<16xi1>, vector<16xf32>, vector<16xi32>)
      %add3A_254 = arith.constant 16 : i32
      %add3A_255 = arith.addi %mul3A_245, %add3A_254 : i32
      %get3A_256 = arith.index_cast %add3A_255 : i32 to index
      %get3A_257 = tpu.vector_load %arg5[%get3A_256] {strides = array<i32>} : memref<32768xf32, #tpu.memory_space<vmem>>, vector<16xf32>,
      %masked_sort3A_258 = arith.constant dense<true> : vector<16xi1>
      %masked_sort3A_259, %masked_sort3A_260, %masked_sort3A_261 = tpu.sort %get3A_257, %add3A_10 masked %masked_sort3A_258 : (vector<16xf32>, vector<16xi32>, vector<16xi1>) -> (vector<16xi1>, vector<16xf32>, vector<16xi32>)
      %add3A_262 = arith.constant 32 : i32
      %add3A_263 = arith.addi %mul3A_245, %add3A_262 : i32
      %get3A_264 = arith.index_cast %add3A_263 : i32 to index
      %get3A_265 = tpu.vector_load %arg5[%get3A_264] {strides = array<i32>} : memref<32768xf32, #tpu.memory_space<vmem>>, vector<16xf32>,
      %masked_sort3A_266 = arith.constant dense<true> : vector<16xi1>
      %masked_sort3A_267, %masked_sort3A_268, %masked_sort3A_269 = tpu.sort %get3A_265, %add3A_13 masked %masked_sort3A_266 {descending = true} : (vector<16xf32>, vector<16xi32>, vector<16xi1>) -> (vector<16xi1>, vector<16xf32>, vector<16xi32>)
      %add3A_270 = arith.constant 48 : i32
      %add3A_271 = arith.addi %mul3A_245, %add3A_270 : i32
      %get3A_272 = arith.index_cast %add3A_271 : i32 to index
      %get3A_273 = tpu.vector_load %arg5[%get3A_272] {strides = array<i32>} : memref<32768xf32, #tpu.memory_space<vmem>>, vector<16xf32>,
      %masked_sort3A_274 = arith.constant dense<true> : vector<16xi1>
      %masked_sort3A_275, %masked_sort3A_276, %masked_sort3A_277 = tpu.sort %get3A_273, %add3A_16 masked %masked_sort3A_274 : (vector<16xf32>, vector<16xi32>, vector<16xi1>) -> (vector<16xi1>, vector<16xf32>, vector<16xi32>)
      %ge3A_278 = arith.cmpf oge, %masked_sort3A_252, %masked_sort3A_260 : vector<16xf32>
      %select_n3A_279 = arith.select %ge3A_278, %masked_sort3A_252, %masked_sort3A_260 : vector<16xi1>, vector<16xf32>
      %select_n3A_280 = arith.select %ge3A_278, %masked_sort3A_253, %masked_sort3A_261 : vector<16xi1>, vector<16xi32>
      %masked_sort3A_281 = arith.constant dense<true> : vector<16xi1>
      %masked_sort3A_282, %masked_sort3A_283, %masked_sort3A_284 = tpu.sort %select_n3A_279, %select_n3A_280 masked %masked_sort3A_281 {descending = true} : (vector<16xf32>, vector<16xi32>, vector<16xi1>) -> (vector<16xi1>, vector<16xf32>, vector<16xi32>)
      %ge3A_285 = arith.cmpf oge, %masked_sort3A_268, %masked_sort3A_276 : vector<16xf32>
      %select_n3A_286 = arith.select %ge3A_285, %masked_sort3A_268, %masked_sort3A_276 : vector<16xi1>, vector<16xf32>
      %select_n3A_287 = arith.select %ge3A_285, %masked_sort3A_269, %masked_sort3A_277 : vector<16xi1>, vector<16xi32>
      %masked_sort3A_288 = arith.constant dense<true> : vector<16xi1>
      %masked_sort3A_289, %masked_sort3A_290, %masked_sort3A_291 = tpu.sort %select_n3A_286, %select_n3A_287 masked %masked_sort3A_288 : (vector<16xf32>, vector<16xi32>, vector<16xi1>) -> (vector<16xi1>, vector<16xf32>, vector<16xi32>)
      %ge3A_292 = arith.cmpf oge, %masked_sort3A_283, %masked_sort3A_290 : vector<16xf32>
      %select_n3A_293 = arith.select %ge3A_292, %masked_sort3A_283, %masked_sort3A_290 : vector<16xi1>, vector<16xf32>
      %select_n3A_294 = arith.select %ge3A_292, %masked_sort3A_284, %masked_sort3A_291 : vector<16xi1>, vector<16xi32>
      %masked_sort3A_295 = arith.constant dense<true> : vector<16xi1>
      %masked_sort3A_296, %masked_sort3A_297, %masked_sort3A_298 = tpu.sort %select_n3A_293, %select_n3A_294 masked %masked_sort3A_295 {descending = true} : (vector<16xf32>, vector<16xi32>, vector<16xi1>) -> (vector<16xi1>, vector<16xf32>, vector<16xi32>)
      %exp3A_299 = math.exp %masked_sort3A_297 : vector<16xf32>
      %jit3A_300 = arith.constant 0.000000e+00 : f32
      %broadcast_in_dim3A_301 = vector.broadcast %jit3A_300 : f32 to vector<16xf32>
      %select_n3A_302 = arith.select %lt3A_18, %exp3A_299, %broadcast_in_dim3A_301 : vector<16xi1>, vector<16xf32>
      %reduce_sum3A_303 = arith.constant true
      %reduce_sum3A_304 = vector.broadcast %reduce_sum3A_303 : i1 to vector<16xi1>
      %reduce_sum3A_305 = tpu.scan <sum>, %select_n3A_302 masked %reduce_sum3A_304 : vector<16xf32>, vector<16xi1> -> vector<16xf32>
      %reduce_sum3A_306 = vector.extract %reduce_sum3A_305[15] : f32 from vector<16xf32>
      %div3A_307 = vector.broadcast %reduce_sum3A_306 : f32 to vector<16xf32>
      %div3A_308 = arith.divf %select_n3A_302, %div3A_307 : vector<16xf32>
      %mul3A_309 = arith.constant 16 : i32
      %mul3A_310 = arith.muli %scan3A_243, %mul3A_309 : i32
      %swap3A_311 = arith.index_cast %mul3A_310 : i32 to index
      %swap3A_312 = tpu.vector_load %arg6[%swap3A_311] {strides = array<i32>} : memref<4096xf32, #tpu.memory_space<vmem>>, vector<16xf32>,
      tpu.vector_store %arg6[%swap3A_311], %div3A_308 {strides = array<i32>} : memref<4096xf32, #tpu.memory_space<vmem>>, vector<16xf32>,
      %mul3A_313 = arith.constant 16 : i32
      %mul3A_314 = arith.muli %scan3A_243, %mul3A_313 : i32
      %swap3A_315 = arith.index_cast %mul3A_314 : i32 to index
      %swap3A_316 = tpu.vector_load %arg7[%swap3A_315] {strides = array<i32>} : memref<4096xi32, #tpu.memory_space<vmem>>, vector<16xi32>,
      tpu.vector_store %arg7[%swap3A_315], %masked_sort3A_298 {strides = array<i32>} : memref<4096xi32, #tpu.memory_space<vmem>>, vector<16xi32>,
    }
    %scan3A_23 = arith.constant 256 : i32
    %mul3A_24 = arith.constant 16 : i32
    %mul3A_25 = arith.muli %mul3A_2, %mul3A_24 : i32
    "tpu.region"() ({
      %run_scoped3A = tpu.sem_alloc : memref<!tpu.dma_semaphore, #tpu.memory_space<semaphore_mem>>
      %dma_start3A = tpu.memref_slice %arg3[%mul3A_25] : memref<131072xf32, #tpu.memory_space<hbm>> -> memref<4096xf32, #tpu.memory_space<hbm>>
      %dma_start3A_28 = tpu.memref_slice %arg3[%mul3A_25] : memref<131072xf32, #tpu.memory_space<hbm>> -> memref<4096xf32, #tpu.memory_space<hbm>>
      tpu.enqueue_dma source(%arg6 : memref<4096xf32, #tpu.memory_space<vmem>>) target(%dma_start3A_28 : memref<4096xf32, #tpu.memory_space<hbm>>) target_semaphore(%run_scoped3A : memref<!tpu.dma_semaphore, #tpu.memory_space<semaphore_mem>>)
      %dma_wait3A = tpu.memref_slice %arg3[%mul3A_25] : memref<131072xf32, #tpu.memory_space<hbm>> -> memref<4096xf32, #tpu.memory_space<hbm>>
      %dma_wait3A_29 = tpu.memref_slice %arg3[%mul3A_25] : memref<131072xf32, #tpu.memory_space<hbm>> -> memref<4096xf32, #tpu.memory_space<hbm>>
      tpu.wait_dma2 semaphore(%run_scoped3A : memref<!tpu.dma_semaphore, #tpu.memory_space<semaphore_mem>>) src(%arg6 : memref<4096xf32, #tpu.memory_space<vmem>>) dst(%dma_wait3A_29 : memref<4096xf32, #tpu.memory_space<hbm>>)
      tpu.yield
    }) : () -> ()
    %mul3A_26 = arith.constant 16 : i32
    %mul3A_27 = arith.muli %mul3A_2, %mul3A_26 : i32
    "tpu.region"() ({
      %run_scoped3A = tpu.sem_alloc : memref<!tpu.dma_semaphore, #tpu.memory_space<semaphore_mem>>
      %dma_start3A = tpu.memref_slice %arg4[%mul3A_27] : memref<131072xi32, #tpu.memory_space<hbm>> -> memref<4096xi32, #tpu.memory_space<hbm>>
      %dma_start3A_28 = tpu.memref_slice %arg4[%mul3A_27] : memref<131072xi32, #tpu.memory_space<hbm>> -> memref<4096xi32, #tpu.memory_space<hbm>>
      tpu.enqueue_dma source(%arg7 : memref<4096xi32, #tpu.memory_space<vmem>>) target(%dma_start3A_28 : memref<4096xi32, #tpu.memory_space<hbm>>) target_semaphore(%run_scoped3A : memref<!tpu.dma_semaphore, #tpu.memory_space<semaphore_mem>>)
      %dma_wait3A = tpu.memref_slice %arg4[%mul3A_27] : memref<131072xi32, #tpu.memory_space<hbm>> -> memref<4096xi32, #tpu.memory_space<hbm>>
      %dma_wait3A_29 = tpu.memref_slice %arg4[%mul3A_27] : memref<131072xi32, #tpu.memory_space<hbm>> -> memref<4096xi32, #tpu.memory_space<hbm>>
      tpu.wait_dma2 semaphore(%run_scoped3A : memref<!tpu.dma_semaphore, #tpu.memory_space<semaphore_mem>>) src(%arg7 : memref<4096xi32, #tpu.memory_space<vmem>>) dst(%dma_wait3A_29 : memref<4096xi32, #tpu.memory_space<hbm>>)
      tpu.yield
    }) : () -> ()
    return
  }
}

#map = affine_map<(d0, d1) -> (0)>
module attributes {stable_mosaic.version = 14 : i64} {
  func.func @sc_topk(%arg0: i32, %arg1: i32, %arg2: memref<1048576xf32, #tpu.memory_space<hbm>>, %arg3: memref<131072xf32, #tpu.memory_space<hbm>>, %arg4: memref<131072xi32, #tpu.memory_space<hbm>>, %arg5: memref<32768xf32, #tpu.memory_space<vmem>>, %arg6: memref<4096xf32, #tpu.memory_space<vmem>>, %arg7: memref<4096xi32, #tpu.memory_space<vmem>>) attributes {dimension_semantics = [#tpu.dimension_semantics<core_parallel>, #tpu.dimension_semantics<subcore_parallel>], iteration_bounds = array<i64: 2, 16>, scalar_prefetch = 0 : i64, scratch_operands = 3 : i64, tpu.core_type = #tpu.core_type<sc_vector_subcore>, window_params = [{transform_indices = #map}, {transform_indices = #map}, {transform_indices = #map}]} {
    %mul3A = arith.constant 2 : i32
    %mul3A_0 = arith.muli %arg1, %mul3A : i32
    %add3A = arith.addi %mul3A_0, %arg0 : i32
    %mul3A_1 = arith.constant 256 : i32
    %mul3A_2 = arith.muli %add3A, %mul3A_1 : i32
    %mul3A_3 = arith.constant 128 : i32
    %mul3A_4 = arith.muli %mul3A_2, %mul3A_3 : i32
    "tpu.region"() ({
      %run_scoped3A = tpu.sem_alloc : memref<!tpu.dma_semaphore, #tpu.memory_space<semaphore_mem>>
      %dma_start3A = tpu.memref_slice %arg2[%mul3A_4] : memref<1048576xf32, #tpu.memory_space<hbm>> -> memref<32768xf32, #tpu.memory_space<hbm>>
      %dma_start3A_28 = tpu.memref_slice %arg2[%mul3A_4] : memref<1048576xf32, #tpu.memory_space<hbm>> -> memref<32768xf32, #tpu.memory_space<hbm>>
      tpu.enqueue_dma source(%dma_start3A_28 : memref<32768xf32, #tpu.memory_space<hbm>>) target(%arg5 : memref<32768xf32, #tpu.memory_space<vmem>>) target_semaphore(%run_scoped3A : memref<!tpu.dma_semaphore, #tpu.memory_space<semaphore_mem>>)
      %dma_wait3A = tpu.memref_slice %arg2[%mul3A_4] : memref<1048576xf32, #tpu.memory_space<hbm>> -> memref<32768xf32, #tpu.memory_space<hbm>>
      %dma_wait3A_29 = tpu.memref_slice %arg2[%mul3A_4] : memref<1048576xf32, #tpu.memory_space<hbm>> -> memref<32768xf32, #tpu.memory_space<hbm>>
      tpu.wait_dma2 semaphore(%run_scoped3A : memref<!tpu.dma_semaphore, #tpu.memory_space<semaphore_mem>>) src(%dma_wait3A_29 : memref<32768xf32, #tpu.memory_space<hbm>>) dst(%arg5 : memref<32768xf32, #tpu.memory_space<vmem>>)
      tpu.yield
    }) : () -> ()
    %iota3A = tpu.iota {dimensions = array<i32: 0>} : vector<16xi32>
    %add3A_5 = arith.constant 0 : i32
    %add3A_6 = vector.broadcast %add3A_5 : i32 to vector<16xi32>
    %add3A_7 = arith.addi %iota3A, %add3A_6 : vector<16xi32>
    %add3A_8 = arith.constant 16 : i32
    %add3A_9 = vector.broadcast %add3A_8 : i32 to vector<16xi32>
    %add3A_10 = arith.addi %iota3A, %add3A_9 : vector<16xi32>
    %add3A_11 = arith.constant 32 : i32
    %add3A_12 = vector.broadcast %add3A_11 : i32 to vector<16xi32>
    %add3A_13 = arith.addi %iota3A, %add3A_12 : vector<16xi32>
    %add3A_14 = arith.constant 48 : i32
    %add3A_15 = vector.broadcast %add3A_14 : i32 to vector<16xi32>
    %add3A_16 = arith.addi %iota3A, %add3A_15 : vector<16xi32>
    %lt3A = arith.constant 8 : i32
    %lt3A_17 = vector.broadcast %lt3A : i32 to vector<16xi32>
    %lt3A_18 = arith.cmpi slt, %iota3A, %lt3A_17 : vector<16xi32>
    %scan3A = arith.constant 0 : i32
    %scan3A_19 = arith.constant 0 : i32
    %scan3A_20 = arith.constant 256 : i32
    %scan3A_21 = arith.addi %scan3A_19, %scan3A_20 : i32
    %scan3A_22 = arith.constant 4 : i32
    scf.for %scan3A_28 = %scan3A_19 to %scan3A_21 step %scan3A_22  : i32 {
      %mul3A_29 = arith.constant 128 : i32
      %mul3A_30 = arith.muli %scan3A_28, %mul3A_29 : i32
      %add3A_31 = arith.constant 0 : i32
      %add3A_32 = arith.addi %mul3A_30, %add3A_31 : i32
      %get3A = arith.index_cast %add3A_32 : i32 to index
      %get3A_33 = tpu.vector_load %arg5[%get3A] {strides = array<i32>} : memref<32768xf32, #tpu.memory_space<vmem>>, vector<16xf32>,
      %masked_sort3A = arith.constant dense<true> : vector<16xi1>
      %masked_sort3A_34, %masked_sort3A_35, %masked_sort3A_36 = tpu.sort %get3A_33, %add3A_7 masked %masked_sort3A {descending = true} : (vector<16xf32>, vector<16xi32>, vector<16xi1>) -> (vector<16xi1>, vector<16xf32>, vector<16xi32>)
      %add3A_37 = arith.constant 16 : i32
      %add3A_38 = arith.addi %mul3A_30, %add3A_37 : i32
      %get3A_39 = arith.index_cast %add3A_38 : i32 to index
      %get3A_40 = tpu.vector_load %arg5[%get3A_39] {strides = array<i32>} : memref<32768xf32, #tpu.memory_space<vmem>>, vector<16xf32>,
      %masked_sort3A_41 = arith.constant dense<true> : vector<16xi1>
      %masked_sort3A_42, %masked_sort3A_43, %masked_sort3A_44 = tpu.sort %get3A_40, %add3A_10 masked %masked_sort3A_41 : (vector<16xf32>, vector<16xi32>, vector<16xi1>) -> (vector<16xi1>, vector<16xf32>, vector<16xi32>)
      %add3A_45 = arith.constant 32 : i32
      %add3A_46 = arith.addi %mul3A_30, %add3A_45 : i32
      %get3A_47 = arith.index_cast %add3A_46 : i32 to index
      %get3A_48 = tpu.vector_load %arg5[%get3A_47] {strides = array<i32>} : memref<32768xf32, #tpu.memory_space<vmem>>, vector<16xf32>,
      %masked_sort3A_49 = arith.constant dense<true> : vector<16xi1>
      %masked_sort3A_50, %masked_sort3A_51, %masked_sort3A_52 = tpu.sort %get3A_48, %add3A_13 masked %masked_sort3A_49 {descending = true} : (vector<16xf32>, vector<16xi32>, vector<16xi1>) -> (vector<16xi1>, vector<16xf32>, vector<16xi32>)
      %add3A_53 = arith.constant 48 : i32
      %add3A_54 = arith.addi %mul3A_30, %add3A_53 : i32
      %get3A_55 = arith.index_cast %add3A_54 : i32 to index
      %get3A_56 = tpu.vector_load %arg5[%get3A_55] {strides = array<i32>} : memref<32768xf32, #tpu.memory_space<vmem>>, vector<16xf32>,
      %masked_sort3A_57 = arith.constant dense<true> : vector<16xi1>
      %masked_sort3A_58, %masked_sort3A_59, %masked_sort3A_60 = tpu.sort %get3A_56, %add3A_16 masked %masked_sort3A_57 : (vector<16xf32>, vector<16xi32>, vector<16xi1>) -> (vector<16xi1>, vector<16xf32>, vector<16xi32>)
      %ge3A = arith.cmpf oge, %masked_sort3A_35, %masked_sort3A_43 : vector<16xf32>
      %select_n3A = arith.select %ge3A, %masked_sort3A_35, %masked_sort3A_43 : vector<16xi1>, vector<16xf32>
      %select_n3A_61 = arith.select %ge3A, %masked_sort3A_36, %masked_sort3A_44 : vector<16xi1>, vector<16xi32>
      %masked_sort3A_62 = arith.constant dense<true> : vector<16xi1>
      %masked_sort3A_63, %masked_sort3A_64, %masked_sort3A_65 = tpu.sort %select_n3A, %select_n3A_61 masked %masked_sort3A_62 {descending = true} : (vector<16xf32>, vector<16xi32>, vector<16xi1>) -> (vector<16xi1>, vector<16xf32>, vector<16xi32>)
      %ge3A_66 = arith.cmpf oge, %masked_sort3A_51, %masked_sort3A_59 : vector<16xf32>
      %select_n3A_67 = arith.select %ge3A_66, %masked_sort3A_51, %masked_sort3A_59 : vector<16xi1>, vector<16xf32>
      %select_n3A_68 = arith.select %ge3A_66, %masked_sort3A_52, %masked_sort3A_60 : vector<16xi1>, vector<16xi32>
      %masked_sort3A_69 = arith.constant dense<true> : vector<16xi1>
      %masked_sort3A_70, %masked_sort3A_71, %masked_sort3A_72 = tpu.sort %select_n3A_67, %select_n3A_68 masked %masked_sort3A_69 : (vector<16xf32>, vector<16xi32>, vector<16xi1>) -> (vector<16xi1>, vector<16xf32>, vector<16xi32>)
      %ge3A_73 = arith.cmpf oge, %masked_sort3A_64, %masked_sort3A_71 : vector<16xf32>
      %select_n3A_74 = arith.select %ge3A_73, %masked_sort3A_64, %masked_sort3A_71 : vector<16xi1>, vector<16xf32>
      %select_n3A_75 = arith.select %ge3A_73, %masked_sort3A_65, %masked_sort3A_72 : vector<16xi1>, vector<16xi32>
      %masked_sort3A_76 = arith.constant dense<true> : vector<16xi1>
      %masked_sort3A_77, %masked_sort3A_78, %masked_sort3A_79 = tpu.sort %select_n3A_74, %select_n3A_75 masked %masked_sort3A_76 {descending = true} : (vector<16xf32>, vector<16xi32>, vector<16xi1>) -> (vector<16xi1>, vector<16xf32>, vector<16xi32>)
      %exp3A = math.exp %masked_sort3A_78 : vector<16xf32>
      %jit3A = arith.constant 0.000000e+00 : f32
      %broadcast_in_dim3A = vector.broadcast %jit3A : f32 to vector<16xf32>
      %select_n3A_80 = arith.select %lt3A_18, %exp3A, %broadcast_in_dim3A : vector<16xi1>, vector<16xf32>
      %reduce_sum3A = arith.constant true
      %reduce_sum3A_81 = vector.broadcast %reduce_sum3A : i1 to vector<16xi1>
      %reduce_sum3A_82 = tpu.scan <sum>, %select_n3A_80 masked %reduce_sum3A_81 : vector<16xf32>, vector<16xi1> -> vector<16xf32>
      %reduce_sum3A_83 = vector.extract %reduce_sum3A_82[15] : f32 from vector<16xf32>
      %div3A = vector.broadcast %reduce_sum3A_83 : f32 to vector<16xf32>
      %div3A_84 = arith.divf %select_n3A_80, %div3A : vector<16xf32>
      %mul3A_85 = arith.constant 16 : i32
      %mul3A_86 = arith.muli %scan3A_28, %mul3A_85 : i32
      %swap3A = arith.index_cast %mul3A_86 : i32 to index
      %swap3A_87 = tpu.vector_load %arg6[%swap3A] {strides = array<i32>} : memref<4096xf32, #tpu.memory_space<vmem>>, vector<16xf32>,
      tpu.vector_store %arg6[%swap3A], %div3A_84 {strides = array<i32>} : memref<4096xf32, #tpu.memory_space<vmem>>, vector<16xf32>,
      %mul3A_88 = arith.constant 16 : i32
      %mul3A_89 = arith.muli %scan3A_28, %mul3A_88 : i32
      %swap3A_90 = arith.index_cast %mul3A_89 : i32 to index
      %swap3A_91 = tpu.vector_load %arg7[%swap3A_90] {strides = array<i32>} : memref<4096xi32, #tpu.memory_space<vmem>>, vector<16xi32>,
      tpu.vector_store %arg7[%swap3A_90], %masked_sort3A_79 {strides = array<i32>} : memref<4096xi32, #tpu.memory_space<vmem>>, vector<16xi32>,
      %scan3A_92 = arith.constant 1 : i32
      %scan3A_93 = arith.addi %scan3A_28, %scan3A_92 : i32
      %mul3A_94 = arith.constant 128 : i32
      %mul3A_95 = arith.muli %scan3A_93, %mul3A_94 : i32
      %add3A_96 = arith.constant 0 : i32
      %add3A_97 = arith.addi %mul3A_95, %add3A_96 : i32
      %get3A_98 = arith.index_cast %add3A_97 : i32 to index
      %get3A_99 = tpu.vector_load %arg5[%get3A_98] {strides = array<i32>} : memref<32768xf32, #tpu.memory_space<vmem>>, vector<16xf32>,
      %masked_sort3A_100 = arith.constant dense<true> : vector<16xi1>
      %masked_sort3A_101, %masked_sort3A_102, %masked_sort3A_103 = tpu.sort %get3A_99, %add3A_7 masked %masked_sort3A_100 {descending = true} : (vector<16xf32>, vector<16xi32>, vector<16xi1>) -> (vector<16xi1>, vector<16xf32>, vector<16xi32>)
      %add3A_104 = arith.constant 16 : i32
      %add3A_105 = arith.addi %mul3A_95, %add3A_104 : i32
      %get3A_106 = arith.index_cast %add3A_105 : i32 to index
      %get3A_107 = tpu.vector_load %arg5[%get3A_106] {strides = array<i32>} : memref<32768xf32, #tpu.memory_space<vmem>>, vector<16xf32>,
      %masked_sort3A_108 = arith.constant dense<true> : vector<16xi1>
      %masked_sort3A_109, %masked_sort3A_110, %masked_sort3A_111 = tpu.sort %get3A_107, %add3A_10 masked %masked_sort3A_108 : (vector<16xf32>, vector<16xi32>, vector<16xi1>) -> (vector<16xi1>, vector<16xf32>, vector<16xi32>)
      %add3A_112 = arith.constant 32 : i32
      %add3A_113 = arith.addi %mul3A_95, %add3A_112 : i32
      %get3A_114 = arith.index_cast %add3A_113 : i32 to index
      %get3A_115 = tpu.vector_load %arg5[%get3A_114] {strides = array<i32>} : memref<32768xf32, #tpu.memory_space<vmem>>, vector<16xf32>,
      %masked_sort3A_116 = arith.constant dense<true> : vector<16xi1>
      %masked_sort3A_117, %masked_sort3A_118, %masked_sort3A_119 = tpu.sort %get3A_115, %add3A_13 masked %masked_sort3A_116 {descending = true} : (vector<16xf32>, vector<16xi32>, vector<16xi1>) -> (vector<16xi1>, vector<16xf32>, vector<16xi32>)
      %add3A_120 = arith.constant 48 : i32
      %add3A_121 = arith.addi %mul3A_95, %add3A_120 : i32
      %get3A_122 = arith.index_cast %add3A_121 : i32 to index
      %get3A_123 = tpu.vector_load %arg5[%get3A_122] {strides = array<i32>} : memref<32768xf32, #tpu.memory_space<vmem>>, vector<16xf32>,
      %masked_sort3A_124 = arith.constant dense<true> : vector<16xi1>
      %masked_sort3A_125, %masked_sort3A_126, %masked_sort3A_127 = tpu.sort %get3A_123, %add3A_16 masked %masked_sort3A_124 : (vector<16xf32>, vector<16xi32>, vector<16xi1>) -> (vector<16xi1>, vector<16xf32>, vector<16xi32>)
      %ge3A_128 = arith.cmpf oge, %masked_sort3A_102, %masked_sort3A_110 : vector<16xf32>
      %select_n3A_129 = arith.select %ge3A_128, %masked_sort3A_102, %masked_sort3A_110 : vector<16xi1>, vector<16xf32>
      %select_n3A_130 = arith.select %ge3A_128, %masked_sort3A_103, %masked_sort3A_111 : vector<16xi1>, vector<16xi32>
      %masked_sort3A_131 = arith.constant dense<true> : vector<16xi1>
      %masked_sort3A_132, %masked_sort3A_133, %masked_sort3A_134 = tpu.sort %select_n3A_129, %select_n3A_130 masked %masked_sort3A_131 {descending = true} : (vector<16xf32>, vector<16xi32>, vector<16xi1>) -> (vector<16xi1>, vector<16xf32>, vector<16xi32>)
      %ge3A_135 = arith.cmpf oge, %masked_sort3A_118, %masked_sort3A_126 : vector<16xf32>
      %select_n3A_136 = arith.select %ge3A_135, %masked_sort3A_118, %masked_sort3A_126 : vector<16xi1>, vector<16xf32>
      %select_n3A_137 = arith.select %ge3A_135, %masked_sort3A_119, %masked_sort3A_127 : vector<16xi1>, vector<16xi32>
      %masked_sort3A_138 = arith.constant dense<true> : vector<16xi1>
      %masked_sort3A_139, %masked_sort3A_140, %masked_sort3A_141 = tpu.sort %select_n3A_136, %select_n3A_137 masked %masked_sort3A_138 : (vector<16xf32>, vector<16xi32>, vector<16xi1>) -> (vector<16xi1>, vector<16xf32>, vector<16xi32>)
      %ge3A_142 = arith.cmpf oge, %masked_sort3A_133, %masked_sort3A_140 : vector<16xf32>
      %select_n3A_143 = arith.select %ge3A_142, %masked_sort3A_133, %masked_sort3A_140 : vector<16xi1>, vector<16xf32>
      %select_n3A_144 = arith.select %ge3A_142, %masked_sort3A_134, %masked_sort3A_141 : vector<16xi1>, vector<16xi32>
      %masked_sort3A_145 = arith.constant dense<true> : vector<16xi1>
      %masked_sort3A_146, %masked_sort3A_147, %masked_sort3A_148 = tpu.sort %select_n3A_143, %select_n3A_144 masked %masked_sort3A_145 {descending = true} : (vector<16xf32>, vector<16xi32>, vector<16xi1>) -> (vector<16xi1>, vector<16xf32>, vector<16xi32>)
      %exp3A_149 = math.exp %masked_sort3A_147 : vector<16xf32>
      %jit3A_150 = arith.constant 0.000000e+00 : f32
      %broadcast_in_dim3A_151 = vector.broadcast %jit3A_150 : f32 to vector<16xf32>
      %select_n3A_152 = arith.select %lt3A_18, %exp3A_149, %broadcast_in_dim3A_151 : vector<16xi1>, vector<16xf32>
      %reduce_sum3A_153 = arith.constant true
      %reduce_sum3A_154 = vector.broadcast %reduce_sum3A_153 : i1 to vector<16xi1>
      %reduce_sum3A_155 = tpu.scan <sum>, %select_n3A_152 masked %reduce_sum3A_154 : vector<16xf32>, vector<16xi1> -> vector<16xf32>
      %reduce_sum3A_156 = vector.extract %reduce_sum3A_155[15] : f32 from vector<16xf32>
      %div3A_157 = vector.broadcast %reduce_sum3A_156 : f32 to vector<16xf32>
      %div3A_158 = arith.divf %select_n3A_152, %div3A_157 : vector<16xf32>
      %mul3A_159 = arith.constant 16 : i32
      %mul3A_160 = arith.muli %scan3A_93, %mul3A_159 : i32
      %swap3A_161 = arith.index_cast %mul3A_160 : i32 to index
      %swap3A_162 = tpu.vector_load %arg6[%swap3A_161] {strides = array<i32>} : memref<4096xf32, #tpu.memory_space<vmem>>, vector<16xf32>,
      tpu.vector_store %arg6[%swap3A_161], %div3A_158 {strides = array<i32>} : memref<4096xf32, #tpu.memory_space<vmem>>, vector<16xf32>,
      %mul3A_163 = arith.constant 16 : i32
      %mul3A_164 = arith.muli %scan3A_93, %mul3A_163 : i32
      %swap3A_165 = arith.index_cast %mul3A_164 : i32 to index
      %swap3A_166 = tpu.vector_load %arg7[%swap3A_165] {strides = array<i32>} : memref<4096xi32, #tpu.memory_space<vmem>>, vector<16xi32>,
      tpu.vector_store %arg7[%swap3A_165], %masked_sort3A_148 {strides = array<i32>} : memref<4096xi32, #tpu.memory_space<vmem>>, vector<16xi32>,
      %scan3A_167 = arith.constant 2 : i32
      %scan3A_168 = arith.addi %scan3A_28, %scan3A_167 : i32
      %mul3A_169 = arith.constant 128 : i32
      %mul3A_170 = arith.muli %scan3A_168, %mul3A_169 : i32
      %add3A_171 = arith.constant 0 : i32
      %add3A_172 = arith.addi %mul3A_170, %add3A_171 : i32
      %get3A_173 = arith.index_cast %add3A_172 : i32 to index
      %get3A_174 = tpu.vector_load %arg5[%get3A_173] {strides = array<i32>} : memref<32768xf32, #tpu.memory_space<vmem>>, vector<16xf32>,
      %masked_sort3A_175 = arith.constant dense<true> : vector<16xi1>
      %masked_sort3A_176, %masked_sort3A_177, %masked_sort3A_178 = tpu.sort %get3A_174, %add3A_7 masked %masked_sort3A_175 {descending = true} : (vector<16xf32>, vector<16xi32>, vector<16xi1>) -> (vector<16xi1>, vector<16xf32>, vector<16xi32>)
      %add3A_179 = arith.constant 16 : i32
      %add3A_180 = arith.addi %mul3A_170, %add3A_179 : i32
      %get3A_181 = arith.index_cast %add3A_180 : i32 to index
      %get3A_182 = tpu.vector_load %arg5[%get3A_181] {strides = array<i32>} : memref<32768xf32, #tpu.memory_space<vmem>>, vector<16xf32>,
      %masked_sort3A_183 = arith.constant dense<true> : vector<16xi1>
      %masked_sort3A_184, %masked_sort3A_185, %masked_sort3A_186 = tpu.sort %get3A_182, %add3A_10 masked %masked_sort3A_183 : (vector<16xf32>, vector<16xi32>, vector<16xi1>) -> (vector<16xi1>, vector<16xf32>, vector<16xi32>)
      %add3A_187 = arith.constant 32 : i32
      %add3A_188 = arith.addi %mul3A_170, %add3A_187 : i32
      %get3A_189 = arith.index_cast %add3A_188 : i32 to index
      %get3A_190 = tpu.vector_load %arg5[%get3A_189] {strides = array<i32>} : memref<32768xf32, #tpu.memory_space<vmem>>, vector<16xf32>,
      %masked_sort3A_191 = arith.constant dense<true> : vector<16xi1>
      %masked_sort3A_192, %masked_sort3A_193, %masked_sort3A_194 = tpu.sort %get3A_190, %add3A_13 masked %masked_sort3A_191 {descending = true} : (vector<16xf32>, vector<16xi32>, vector<16xi1>) -> (vector<16xi1>, vector<16xf32>, vector<16xi32>)
      %add3A_195 = arith.constant 48 : i32
      %add3A_196 = arith.addi %mul3A_170, %add3A_195 : i32
      %get3A_197 = arith.index_cast %add3A_196 : i32 to index
      %get3A_198 = tpu.vector_load %arg5[%get3A_197] {strides = array<i32>} : memref<32768xf32, #tpu.memory_space<vmem>>, vector<16xf32>,
      %masked_sort3A_199 = arith.constant dense<true> : vector<16xi1>
      %masked_sort3A_200, %masked_sort3A_201, %masked_sort3A_202 = tpu.sort %get3A_198, %add3A_16 masked %masked_sort3A_199 : (vector<16xf32>, vector<16xi32>, vector<16xi1>) -> (vector<16xi1>, vector<16xf32>, vector<16xi32>)
      %ge3A_203 = arith.cmpf oge, %masked_sort3A_177, %masked_sort3A_185 : vector<16xf32>
      %select_n3A_204 = arith.select %ge3A_203, %masked_sort3A_177, %masked_sort3A_185 : vector<16xi1>, vector<16xf32>
      %select_n3A_205 = arith.select %ge3A_203, %masked_sort3A_178, %masked_sort3A_186 : vector<16xi1>, vector<16xi32>
      %masked_sort3A_206 = arith.constant dense<true> : vector<16xi1>
      %masked_sort3A_207, %masked_sort3A_208, %masked_sort3A_209 = tpu.sort %select_n3A_204, %select_n3A_205 masked %masked_sort3A_206 {descending = true} : (vector<16xf32>, vector<16xi32>, vector<16xi1>) -> (vector<16xi1>, vector<16xf32>, vector<16xi32>)
      %ge3A_210 = arith.cmpf oge, %masked_sort3A_193, %masked_sort3A_201 : vector<16xf32>
      %select_n3A_211 = arith.select %ge3A_210, %masked_sort3A_193, %masked_sort3A_201 : vector<16xi1>, vector<16xf32>
      %select_n3A_212 = arith.select %ge3A_210, %masked_sort3A_194, %masked_sort3A_202 : vector<16xi1>, vector<16xi32>
      %masked_sort3A_213 = arith.constant dense<true> : vector<16xi1>
      %masked_sort3A_214, %masked_sort3A_215, %masked_sort3A_216 = tpu.sort %select_n3A_211, %select_n3A_212 masked %masked_sort3A_213 : (vector<16xf32>, vector<16xi32>, vector<16xi1>) -> (vector<16xi1>, vector<16xf32>, vector<16xi32>)
      %ge3A_217 = arith.cmpf oge, %masked_sort3A_208, %masked_sort3A_215 : vector<16xf32>
      %select_n3A_218 = arith.select %ge3A_217, %masked_sort3A_208, %masked_sort3A_215 : vector<16xi1>, vector<16xf32>
      %select_n3A_219 = arith.select %ge3A_217, %masked_sort3A_209, %masked_sort3A_216 : vector<16xi1>, vector<16xi32>
      %masked_sort3A_220 = arith.constant dense<true> : vector<16xi1>
      %masked_sort3A_221, %masked_sort3A_222, %masked_sort3A_223 = tpu.sort %select_n3A_218, %select_n3A_219 masked %masked_sort3A_220 {descending = true} : (vector<16xf32>, vector<16xi32>, vector<16xi1>) -> (vector<16xi1>, vector<16xf32>, vector<16xi32>)
      %exp3A_224 = math.exp %masked_sort3A_222 : vector<16xf32>
      %jit3A_225 = arith.constant 0.000000e+00 : f32
      %broadcast_in_dim3A_226 = vector.broadcast %jit3A_225 : f32 to vector<16xf32>
      %select_n3A_227 = arith.select %lt3A_18, %exp3A_224, %broadcast_in_dim3A_226 : vector<16xi1>, vector<16xf32>
      %reduce_sum3A_228 = arith.constant true
      %reduce_sum3A_229 = vector.broadcast %reduce_sum3A_228 : i1 to vector<16xi1>
      %reduce_sum3A_230 = tpu.scan <sum>, %select_n3A_227 masked %reduce_sum3A_229 : vector<16xf32>, vector<16xi1> -> vector<16xf32>
      %reduce_sum3A_231 = vector.extract %reduce_sum3A_230[15] : f32 from vector<16xf32>
      %div3A_232 = vector.broadcast %reduce_sum3A_231 : f32 to vector<16xf32>
      %div3A_233 = arith.divf %select_n3A_227, %div3A_232 : vector<16xf32>
      %mul3A_234 = arith.constant 16 : i32
      %mul3A_235 = arith.muli %scan3A_168, %mul3A_234 : i32
      %swap3A_236 = arith.index_cast %mul3A_235 : i32 to index
      %swap3A_237 = tpu.vector_load %arg6[%swap3A_236] {strides = array<i32>} : memref<4096xf32, #tpu.memory_space<vmem>>, vector<16xf32>,
      tpu.vector_store %arg6[%swap3A_236], %div3A_233 {strides = array<i32>} : memref<4096xf32, #tpu.memory_space<vmem>>, vector<16xf32>,
      %mul3A_238 = arith.constant 16 : i32
      %mul3A_239 = arith.muli %scan3A_168, %mul3A_238 : i32
      %swap3A_240 = arith.index_cast %mul3A_239 : i32 to index
      %swap3A_241 = tpu.vector_load %arg7[%swap3A_240] {strides = array<i32>} : memref<4096xi32, #tpu.memory_space<vmem>>, vector<16xi32>,
      tpu.vector_store %arg7[%swap3A_240], %masked_sort3A_223 {strides = array<i32>} : memref<4096xi32, #tpu.memory_space<vmem>>, vector<16xi32>,
      %scan3A_242 = arith.constant 3 : i32
      %scan3A_243 = arith.addi %scan3A_28, %scan3A_242 : i32
      %mul3A_244 = arith.constant 128 : i32
      %mul3A_245 = arith.muli %scan3A_243, %mul3A_244 : i32
      %add3A_246 = arith.constant 0 : i32
      %add3A_247 = arith.addi %mul3A_245, %add3A_246 : i32
      %get3A_248 = arith.index_cast %add3A_247 : i32 to index
      %get3A_249 = tpu.vector_load %arg5[%get3A_248] {strides = array<i32>} : memref<32768xf32, #tpu.memory_space<vmem>>, vector<16xf32>,
      %masked_sort3A_250 = arith.constant dense<true> : vector<16xi1>
      %masked_sort3A_251, %masked_sort3A_252, %masked_sort3A_253 = tpu.sort %get3A_249, %add3A_7 masked %masked_sort3A_250 {descending = true} : (vector<16xf32>, vector<16xi32>, vector<16xi1>) -> (vector<16xi1>, vector<16xf32>, vector<16xi32>)
      %add3A_254 = arith.constant 16 : i32
      %add3A_255 = arith.addi %mul3A_245, %add3A_254 : i32
      %get3A_256 = arith.index_cast %add3A_255 : i32 to index
      %get3A_257 = tpu.vector_load %arg5[%get3A_256] {strides = array<i32>} : memref<32768xf32, #tpu.memory_space<vmem>>, vector<16xf32>,
      %masked_sort3A_258 = arith.constant dense<true> : vector<16xi1>
      %masked_sort3A_259, %masked_sort3A_260, %masked_sort3A_261 = tpu.sort %get3A_257, %add3A_10 masked %masked_sort3A_258 : (vector<16xf32>, vector<16xi32>, vector<16xi1>) -> (vector<16xi1>, vector<16xf32>, vector<16xi32>)
      %add3A_262 = arith.constant 32 : i32
      %add3A_263 = arith.addi %mul3A_245, %add3A_262 : i32
      %get3A_264 = arith.index_cast %add3A_263 : i32 to index
      %get3A_265 = tpu.vector_load %arg5[%get3A_264] {strides = array<i32>} : memref<32768xf32, #tpu.memory_space<vmem>>, vector<16xf32>,
      %masked_sort3A_266 = arith.constant dense<true> : vector<16xi1>
      %masked_sort3A_267, %masked_sort3A_268, %masked_sort3A_269 = tpu.sort %get3A_265, %add3A_13 masked %masked_sort3A_266 {descending = true} : (vector<16xf32>, vector<16xi32>, vector<16xi1>) -> (vector<16xi1>, vector<16xf32>, vector<16xi32>)
      %add3A_270 = arith.constant 48 : i32
      %add3A_271 = arith.addi %mul3A_245, %add3A_270 : i32
      %get3A_272 = arith.index_cast %add3A_271 : i32 to index
      %get3A_273 = tpu.vector_load %arg5[%get3A_272] {strides = array<i32>} : memref<32768xf32, #tpu.memory_space<vmem>>, vector<16xf32>,
      %masked_sort3A_274 = arith.constant dense<true> : vector<16xi1>
      %masked_sort3A_275, %masked_sort3A_276, %masked_sort3A_277 = tpu.sort %get3A_273, %add3A_16 masked %masked_sort3A_274 : (vector<16xf32>, vector<16xi32>, vector<16xi1>) -> (vector<16xi1>, vector<16xf32>, vector<16xi32>)
      %ge3A_278 = arith.cmpf oge, %masked_sort3A_252, %masked_sort3A_260 : vector<16xf32>
      %select_n3A_279 = arith.select %ge3A_278, %masked_sort3A_252, %masked_sort3A_260 : vector<16xi1>, vector<16xf32>
      %select_n3A_280 = arith.select %ge3A_278, %masked_sort3A_253, %masked_sort3A_261 : vector<16xi1>, vector<16xi32>
      %masked_sort3A_281 = arith.constant dense<true> : vector<16xi1>
      %masked_sort3A_282, %masked_sort3A_283, %masked_sort3A_284 = tpu.sort %select_n3A_279, %select_n3A_280 masked %masked_sort3A_281 {descending = true} : (vector<16xf32>, vector<16xi32>, vector<16xi1>) -> (vector<16xi1>, vector<16xf32>, vector<16xi32>)
      %ge3A_285 = arith.cmpf oge, %masked_sort3A_268, %masked_sort3A_276 : vector<16xf32>
      %select_n3A_286 = arith.select %ge3A_285, %masked_sort3A_268, %masked_sort3A_276 : vector<16xi1>, vector<16xf32>
      %select_n3A_287 = arith.select %ge3A_285, %masked_sort3A_269, %masked_sort3A_277 : vector<16xi1>, vector<16xi32>
      %masked_sort3A_288 = arith.constant dense<true> : vector<16xi1>
      %masked_sort3A_289, %masked_sort3A_290, %masked_sort3A_291 = tpu.sort %select_n3A_286, %select_n3A_287 masked %masked_sort3A_288 : (vector<16xf32>, vector<16xi32>, vector<16xi1>) -> (vector<16xi1>, vector<16xf32>, vector<16xi32>)
      %ge3A_292 = arith.cmpf oge, %masked_sort3A_283, %masked_sort3A_290 : vector<16xf32>
      %select_n3A_293 = arith.select %ge3A_292, %masked_sort3A_283, %masked_sort3A_290 : vector<16xi1>, vector<16xf32>
      %select_n3A_294 = arith.select %ge3A_292, %masked_sort3A_284, %masked_sort3A_291 : vector<16xi1>, vector<16xi32>
      %masked_sort3A_295 = arith.constant dense<true> : vector<16xi1>
      %masked_sort3A_296, %masked_sort3A_297, %masked_sort3A_298 = tpu.sort %select_n3A_293, %select_n3A_294 masked %masked_sort3A_295 {descending = true} : (vector<16xf32>, vector<16xi32>, vector<16xi1>) -> (vector<16xi1>, vector<16xf32>, vector<16xi32>)
      %exp3A_299 = math.exp %masked_sort3A_297 : vector<16xf32>
      %jit3A_300 = arith.constant 0.000000e+00 : f32
      %broadcast_in_dim3A_301 = vector.broadcast %jit3A_300 : f32 to vector<16xf32>
      %select_n3A_302 = arith.select %lt3A_18, %exp3A_299, %broadcast_in_dim3A_301 : vector<16xi1>, vector<16xf32>
      %reduce_sum3A_303 = arith.constant true
      %reduce_sum3A_304 = vector.broadcast %reduce_sum3A_303 : i1 to vector<16xi1>
      %reduce_sum3A_305 = tpu.scan <sum>, %select_n3A_302 masked %reduce_sum3A_304 : vector<16xf32>, vector<16xi1> -> vector<16xf32>
      %reduce_sum3A_306 = vector.extract %reduce_sum3A_305[15] : f32 from vector<16xf32>
      %div3A_307 = vector.broadcast %reduce_sum3A_306 : f32 to vector<16xf32>
      %div3A_308 = arith.divf %select_n3A_302, %div3A_307 : vector<16xf32>
      %mul3A_309 = arith.constant 16 : i32
      %mul3A_310 = arith.muli %scan3A_243, %mul3A_309 : i32
      %swap3A_311 = arith.index_cast %mul3A_310 : i32 to index
      %swap3A_312 = tpu.vector_load %arg6[%swap3A_311] {strides = array<i32>} : memref<4096xf32, #tpu.memory_space<vmem>>, vector<16xf32>,
      tpu.vector_store %arg6[%swap3A_311], %div3A_308 {strides = array<i32>} : memref<4096xf32, #tpu.memory_space<vmem>>, vector<16xf32>,
      %mul3A_313 = arith.constant 16 : i32
      %mul3A_314 = arith.muli %scan3A_243, %mul3A_313 : i32
      %swap3A_315 = arith.index_cast %mul3A_314 : i32 to index
      %swap3A_316 = tpu.vector_load %arg7[%swap3A_315] {strides = array<i32>} : memref<4096xi32, #tpu.memory_space<vmem>>, vector<16xi32>,
      tpu.vector_store %arg7[%swap3A_315], %masked_sort3A_298 {strides = array<i32>} : memref<4096xi32, #tpu.memory_space<vmem>>, vector<16xi32>,
    }
    %scan3A_23 = arith.constant 256 : i32
    %mul3A_24 = arith.constant 16 : i32
    %mul3A_25 = arith.muli %mul3A_2, %mul3A_24 : i32
    "tpu.region"() ({
      %run_scoped3A = tpu.sem_alloc : memref<!tpu.dma_semaphore, #tpu.memory_space<semaphore_mem>>
      %dma_start3A = tpu.memref_slice %arg3[%mul3A_25] : memref<131072xf32, #tpu.memory_space<hbm>> -> memref<4096xf32, #tpu.memory_space<hbm>>
      %dma_start3A_28 = tpu.memref_slice %arg3[%mul3A_25] : memref<131072xf32, #tpu.memory_space<hbm>> -> memref<4096xf32, #tpu.memory_space<hbm>>
      tpu.enqueue_dma source(%arg6 : memref<4096xf32, #tpu.memory_space<vmem>>) target(%dma_start3A_28 : memref<4096xf32, #tpu.memory_space<hbm>>) target_semaphore(%run_scoped3A : memref<!tpu.dma_semaphore, #tpu.memory_space<semaphore_mem>>)
      %dma_wait3A = tpu.memref_slice %arg3[%mul3A_25] : memref<131072xf32, #tpu.memory_space<hbm>> -> memref<4096xf32, #tpu.memory_space<hbm>>
      %dma_wait3A_29 = tpu.memref_slice %arg3[%mul3A_25] : memref<131072xf32, #tpu.memory_space<hbm>> -> memref<4096xf32, #tpu.memory_space<hbm>>
      tpu.wait_dma2 semaphore(%run_scoped3A : memref<!tpu.dma_semaphore, #tpu.memory_space<semaphore_mem>>) src(%arg6 : memref<4096xf32, #tpu.memory_space<vmem>>) dst(%dma_wait3A_29 : memref<4096xf32, #tpu.memory_space<hbm>>)
      tpu.yield
    }) : () -> ()
    %mul3A_26 = arith.constant 16 : i32
    %mul3A_27 = arith.muli %mul3A_2, %mul3A_26 : i32
    "tpu.region"() ({
      %run_scoped3A = tpu.sem_alloc : memref<!tpu.dma_semaphore, #tpu.memory_space<semaphore_mem>>
      %dma_start3A = tpu.memref_slice %arg4[%mul3A_27] : memref<131072xi32, #tpu.memory_space<hbm>> -> memref<4096xi32, #tpu.memory_space<hbm>>
      %dma_start3A_28 = tpu.memref_slice %arg4[%mul3A_27] : memref<131072xi32, #tpu.memory_space<hbm>> -> memref<4096xi32, #tpu.memory_space<hbm>>
      tpu.enqueue_dma source(%arg7 : memref<4096xi32, #tpu.memory_space<vmem>>) target(%dma_start3A_28 : memref<4096xi32, #tpu.memory_space<hbm>>) target_semaphore(%run_scoped3A : memref<!tpu.dma_semaphore, #tpu.memory_space<semaphore_mem>>)
      %dma_wait3A = tpu.memref_slice %arg4[%mul3A_27] : memref<131072xi32, #tpu.memory_space<hbm>> -> memref<4096xi32, #tpu.memory_space<hbm>>
      %dma_wait3A_29 = tpu.memref_slice %arg4[%mul3A_27] : memref<131072xi32, #tpu.memory_space<hbm>> -> memref<4096xi32, #tpu.memory_space<hbm>>
      tpu.wait_dma2 semaphore(%run_scoped3A : memref<!tpu.dma_semaphore, #tpu.memory_space<semaphore_mem>>) src(%arg7 : memref<4096xi32, #tpu.memory_space<vmem>>) dst(%dma_wait3A_29 : memref<4096xi32, #tpu.memory_space<hbm>>)
      tpu.yield
    }) : () -> ()
    return
  }
}

#map = affine_map<(d0, d1) -> (0)>
module attributes {stable_mosaic.version = 14 : i64} {
  func.func @sc_topk(%arg0: i32, %arg1: i32, %arg2: memref<1048576xf32, #tpu.memory_space<hbm>>, %arg3: memref<131072xf32, #tpu.memory_space<hbm>>, %arg4: memref<131072xi32, #tpu.memory_space<hbm>>, %arg5: memref<32768xf32, #tpu.memory_space<vmem>>, %arg6: memref<4096xf32, #tpu.memory_space<vmem>>, %arg7: memref<4096xi32, #tpu.memory_space<vmem>>) attributes {dimension_semantics = [#tpu.dimension_semantics<core_parallel>, #tpu.dimension_semantics<subcore_parallel>], iteration_bounds = array<i64: 2, 16>, scalar_prefetch = 0 : i64, scratch_operands = 3 : i64, tpu.core_type = #tpu.core_type<sc_vector_subcore>, window_params = [{transform_indices = #map}, {transform_indices = #map}, {transform_indices = #map}]} {
    %mul3A = arith.constant 2 : i32
    %mul3A_0 = arith.muli %arg1, %mul3A : i32
    %add3A = arith.addi %mul3A_0, %arg0 : i32
    %mul3A_1 = arith.constant 256 : i32
    %mul3A_2 = arith.muli %add3A, %mul3A_1 : i32
    %mul3A_3 = arith.constant 128 : i32
    %mul3A_4 = arith.muli %mul3A_2, %mul3A_3 : i32
    "tpu.region"() ({
      %run_scoped3A = tpu.sem_alloc : memref<!tpu.dma_semaphore, #tpu.memory_space<semaphore_mem>>
      %dma_start3A = tpu.memref_slice %arg2[%mul3A_4] : memref<1048576xf32, #tpu.memory_space<hbm>> -> memref<32768xf32, #tpu.memory_space<hbm>>
      %dma_start3A_28 = tpu.memref_slice %arg2[%mul3A_4] : memref<1048576xf32, #tpu.memory_space<hbm>> -> memref<32768xf32, #tpu.memory_space<hbm>>
      tpu.enqueue_dma source(%dma_start3A_28 : memref<32768xf32, #tpu.memory_space<hbm>>) target(%arg5 : memref<32768xf32, #tpu.memory_space<vmem>>) target_semaphore(%run_scoped3A : memref<!tpu.dma_semaphore, #tpu.memory_space<semaphore_mem>>)
      %dma_wait3A = tpu.memref_slice %arg2[%mul3A_4] : memref<1048576xf32, #tpu.memory_space<hbm>> -> memref<32768xf32, #tpu.memory_space<hbm>>
      %dma_wait3A_29 = tpu.memref_slice %arg2[%mul3A_4] : memref<1048576xf32, #tpu.memory_space<hbm>> -> memref<32768xf32, #tpu.memory_space<hbm>>
      tpu.wait_dma2 semaphore(%run_scoped3A : memref<!tpu.dma_semaphore, #tpu.memory_space<semaphore_mem>>) src(%dma_wait3A_29 : memref<32768xf32, #tpu.memory_space<hbm>>) dst(%arg5 : memref<32768xf32, #tpu.memory_space<vmem>>)
      tpu.yield
    }) : () -> ()
    %iota3A = tpu.iota {dimensions = array<i32: 0>} : vector<16xi32>
    %add3A_5 = arith.constant 0 : i32
    %add3A_6 = vector.broadcast %add3A_5 : i32 to vector<16xi32>
    %add3A_7 = arith.addi %iota3A, %add3A_6 : vector<16xi32>
    %add3A_8 = arith.constant 16 : i32
    %add3A_9 = vector.broadcast %add3A_8 : i32 to vector<16xi32>
    %add3A_10 = arith.addi %iota3A, %add3A_9 : vector<16xi32>
    %add3A_11 = arith.constant 32 : i32
    %add3A_12 = vector.broadcast %add3A_11 : i32 to vector<16xi32>
    %add3A_13 = arith.addi %iota3A, %add3A_12 : vector<16xi32>
    %add3A_14 = arith.constant 48 : i32
    %add3A_15 = vector.broadcast %add3A_14 : i32 to vector<16xi32>
    %add3A_16 = arith.addi %iota3A, %add3A_15 : vector<16xi32>
    %lt3A = arith.constant 8 : i32
    %lt3A_17 = vector.broadcast %lt3A : i32 to vector<16xi32>
    %lt3A_18 = arith.cmpi slt, %iota3A, %lt3A_17 : vector<16xi32>
    %scan3A = arith.constant 0 : i32
    %scan3A_19 = arith.constant 0 : i32
    %scan3A_20 = arith.constant 256 : i32
    %scan3A_21 = arith.addi %scan3A_19, %scan3A_20 : i32
    %scan3A_22 = arith.constant 4 : i32
    scf.for %scan3A_28 = %scan3A_19 to %scan3A_21 step %scan3A_22  : i32 {
      %mul3A_29 = arith.constant 128 : i32
      %mul3A_30 = arith.muli %scan3A_28, %mul3A_29 : i32
      %add3A_31 = arith.constant 0 : i32
      %add3A_32 = arith.addi %mul3A_30, %add3A_31 : i32
      %get3A = arith.index_cast %add3A_32 : i32 to index
      %get3A_33 = tpu.vector_load %arg5[%get3A] {strides = array<i32>} : memref<32768xf32, #tpu.memory_space<vmem>>, vector<16xf32>,
      %masked_sort3A = arith.constant dense<true> : vector<16xi1>
      %masked_sort3A_34, %masked_sort3A_35, %masked_sort3A_36 = tpu.sort %get3A_33, %add3A_7 masked %masked_sort3A {descending = true} : (vector<16xf32>, vector<16xi32>, vector<16xi1>) -> (vector<16xi1>, vector<16xf32>, vector<16xi32>)
      %add3A_37 = arith.constant 16 : i32
      %add3A_38 = arith.addi %mul3A_30, %add3A_37 : i32
      %get3A_39 = arith.index_cast %add3A_38 : i32 to index
      %get3A_40 = tpu.vector_load %arg5[%get3A_39] {strides = array<i32>} : memref<32768xf32, #tpu.memory_space<vmem>>, vector<16xf32>,
      %masked_sort3A_41 = arith.constant dense<true> : vector<16xi1>
      %masked_sort3A_42, %masked_sort3A_43, %masked_sort3A_44 = tpu.sort %get3A_40, %add3A_10 masked %masked_sort3A_41 : (vector<16xf32>, vector<16xi32>, vector<16xi1>) -> (vector<16xi1>, vector<16xf32>, vector<16xi32>)
      %add3A_45 = arith.constant 32 : i32
      %add3A_46 = arith.addi %mul3A_30, %add3A_45 : i32
      %get3A_47 = arith.index_cast %add3A_46 : i32 to index
      %get3A_48 = tpu.vector_load %arg5[%get3A_47] {strides = array<i32>} : memref<32768xf32, #tpu.memory_space<vmem>>, vector<16xf32>,
      %masked_sort3A_49 = arith.constant dense<true> : vector<16xi1>
      %masked_sort3A_50, %masked_sort3A_51, %masked_sort3A_52 = tpu.sort %get3A_48, %add3A_13 masked %masked_sort3A_49 {descending = true} : (vector<16xf32>, vector<16xi32>, vector<16xi1>) -> (vector<16xi1>, vector<16xf32>, vector<16xi32>)
      %add3A_53 = arith.constant 48 : i32
      %add3A_54 = arith.addi %mul3A_30, %add3A_53 : i32
      %get3A_55 = arith.index_cast %add3A_54 : i32 to index
      %get3A_56 = tpu.vector_load %arg5[%get3A_55] {strides = array<i32>} : memref<32768xf32, #tpu.memory_space<vmem>>, vector<16xf32>,
      %masked_sort3A_57 = arith.constant dense<true> : vector<16xi1>
      %masked_sort3A_58, %masked_sort3A_59, %masked_sort3A_60 = tpu.sort %get3A_56, %add3A_16 masked %masked_sort3A_57 : (vector<16xf32>, vector<16xi32>, vector<16xi1>) -> (vector<16xi1>, vector<16xf32>, vector<16xi32>)
      %ge3A = arith.cmpf oge, %masked_sort3A_35, %masked_sort3A_43 : vector<16xf32>
      %select_n3A = arith.select %ge3A, %masked_sort3A_35, %masked_sort3A_43 : vector<16xi1>, vector<16xf32>
      %select_n3A_61 = arith.select %ge3A, %masked_sort3A_36, %masked_sort3A_44 : vector<16xi1>, vector<16xi32>
      %masked_sort3A_62 = arith.constant dense<true> : vector<16xi1>
      %masked_sort3A_63, %masked_sort3A_64, %masked_sort3A_65 = tpu.sort %select_n3A, %select_n3A_61 masked %masked_sort3A_62 {descending = true} : (vector<16xf32>, vector<16xi32>, vector<16xi1>) -> (vector<16xi1>, vector<16xf32>, vector<16xi32>)
      %ge3A_66 = arith.cmpf oge, %masked_sort3A_51, %masked_sort3A_59 : vector<16xf32>
      %select_n3A_67 = arith.select %ge3A_66, %masked_sort3A_51, %masked_sort3A_59 : vector<16xi1>, vector<16xf32>
      %select_n3A_68 = arith.select %ge3A_66, %masked_sort3A_52, %masked_sort3A_60 : vector<16xi1>, vector<16xi32>
      %masked_sort3A_69 = arith.constant dense<true> : vector<16xi1>
      %masked_sort3A_70, %masked_sort3A_71, %masked_sort3A_72 = tpu.sort %select_n3A_67, %select_n3A_68 masked %masked_sort3A_69 : (vector<16xf32>, vector<16xi32>, vector<16xi1>) -> (vector<16xi1>, vector<16xf32>, vector<16xi32>)
      %ge3A_73 = arith.cmpf oge, %masked_sort3A_64, %masked_sort3A_71 : vector<16xf32>
      %select_n3A_74 = arith.select %ge3A_73, %masked_sort3A_64, %masked_sort3A_71 : vector<16xi1>, vector<16xf32>
      %select_n3A_75 = arith.select %ge3A_73, %masked_sort3A_65, %masked_sort3A_72 : vector<16xi1>, vector<16xi32>
      %masked_sort3A_76 = arith.constant dense<true> : vector<16xi1>
      %masked_sort3A_77, %masked_sort3A_78, %masked_sort3A_79 = tpu.sort %select_n3A_74, %select_n3A_75 masked %masked_sort3A_76 {descending = true} : (vector<16xf32>, vector<16xi32>, vector<16xi1>) -> (vector<16xi1>, vector<16xf32>, vector<16xi32>)
      %exp3A = math.exp %masked_sort3A_78 : vector<16xf32>
      %jit3A = arith.constant 0.000000e+00 : f32
      %broadcast_in_dim3A = vector.broadcast %jit3A : f32 to vector<16xf32>
      %select_n3A_80 = arith.select %lt3A_18, %exp3A, %broadcast_in_dim3A : vector<16xi1>, vector<16xf32>
      %reduce_sum3A = arith.constant true
      %reduce_sum3A_81 = vector.broadcast %reduce_sum3A : i1 to vector<16xi1>
      %reduce_sum3A_82 = tpu.scan <sum>, %select_n3A_80 masked %reduce_sum3A_81 : vector<16xf32>, vector<16xi1> -> vector<16xf32>
      %reduce_sum3A_83 = vector.extract %reduce_sum3A_82[15] : f32 from vector<16xf32>
      %div3A = vector.broadcast %reduce_sum3A_83 : f32 to vector<16xf32>
      %div3A_84 = arith.divf %select_n3A_80, %div3A : vector<16xf32>
      %mul3A_85 = arith.constant 16 : i32
      %mul3A_86 = arith.muli %scan3A_28, %mul3A_85 : i32
      %swap3A = arith.index_cast %mul3A_86 : i32 to index
      %swap3A_87 = tpu.vector_load %arg6[%swap3A] {strides = array<i32>} : memref<4096xf32, #tpu.memory_space<vmem>>, vector<16xf32>,
      tpu.vector_store %arg6[%swap3A], %div3A_84 {strides = array<i32>} : memref<4096xf32, #tpu.memory_space<vmem>>, vector<16xf32>,
      %mul3A_88 = arith.constant 16 : i32
      %mul3A_89 = arith.muli %scan3A_28, %mul3A_88 : i32
      %swap3A_90 = arith.index_cast %mul3A_89 : i32 to index
      %swap3A_91 = tpu.vector_load %arg7[%swap3A_90] {strides = array<i32>} : memref<4096xi32, #tpu.memory_space<vmem>>, vector<16xi32>,
      tpu.vector_store %arg7[%swap3A_90], %masked_sort3A_79 {strides = array<i32>} : memref<4096xi32, #tpu.memory_space<vmem>>, vector<16xi32>,
      %scan3A_92 = arith.constant 1 : i32
      %scan3A_93 = arith.addi %scan3A_28, %scan3A_92 : i32
      %mul3A_94 = arith.constant 128 : i32
      %mul3A_95 = arith.muli %scan3A_93, %mul3A_94 : i32
      %add3A_96 = arith.constant 0 : i32
      %add3A_97 = arith.addi %mul3A_95, %add3A_96 : i32
      %get3A_98 = arith.index_cast %add3A_97 : i32 to index
      %get3A_99 = tpu.vector_load %arg5[%get3A_98] {strides = array<i32>} : memref<32768xf32, #tpu.memory_space<vmem>>, vector<16xf32>,
      %masked_sort3A_100 = arith.constant dense<true> : vector<16xi1>
      %masked_sort3A_101, %masked_sort3A_102, %masked_sort3A_103 = tpu.sort %get3A_99, %add3A_7 masked %masked_sort3A_100 {descending = true} : (vector<16xf32>, vector<16xi32>, vector<16xi1>) -> (vector<16xi1>, vector<16xf32>, vector<16xi32>)
      %add3A_104 = arith.constant 16 : i32
      %add3A_105 = arith.addi %mul3A_95, %add3A_104 : i32
      %get3A_106 = arith.index_cast %add3A_105 : i32 to index
      %get3A_107 = tpu.vector_load %arg5[%get3A_106] {strides = array<i32>} : memref<32768xf32, #tpu.memory_space<vmem>>, vector<16xf32>,
      %masked_sort3A_108 = arith.constant dense<true> : vector<16xi1>
      %masked_sort3A_109, %masked_sort3A_110, %masked_sort3A_111 = tpu.sort %get3A_107, %add3A_10 masked %masked_sort3A_108 : (vector<16xf32>, vector<16xi32>, vector<16xi1>) -> (vector<16xi1>, vector<16xf32>, vector<16xi32>)
      %add3A_112 = arith.constant 32 : i32
      %add3A_113 = arith.addi %mul3A_95, %add3A_112 : i32
      %get3A_114 = arith.index_cast %add3A_113 : i32 to index
      %get3A_115 = tpu.vector_load %arg5[%get3A_114] {strides = array<i32>} : memref<32768xf32, #tpu.memory_space<vmem>>, vector<16xf32>,
      %masked_sort3A_116 = arith.constant dense<true> : vector<16xi1>
      %masked_sort3A_117, %masked_sort3A_118, %masked_sort3A_119 = tpu.sort %get3A_115, %add3A_13 masked %masked_sort3A_116 {descending = true} : (vector<16xf32>, vector<16xi32>, vector<16xi1>) -> (vector<16xi1>, vector<16xf32>, vector<16xi32>)
      %add3A_120 = arith.constant 48 : i32
      %add3A_121 = arith.addi %mul3A_95, %add3A_120 : i32
      %get3A_122 = arith.index_cast %add3A_121 : i32 to index
      %get3A_123 = tpu.vector_load %arg5[%get3A_122] {strides = array<i32>} : memref<32768xf32, #tpu.memory_space<vmem>>, vector<16xf32>,
      %masked_sort3A_124 = arith.constant dense<true> : vector<16xi1>
      %masked_sort3A_125, %masked_sort3A_126, %masked_sort3A_127 = tpu.sort %get3A_123, %add3A_16 masked %masked_sort3A_124 : (vector<16xf32>, vector<16xi32>, vector<16xi1>) -> (vector<16xi1>, vector<16xf32>, vector<16xi32>)
      %ge3A_128 = arith.cmpf oge, %masked_sort3A_102, %masked_sort3A_110 : vector<16xf32>
      %select_n3A_129 = arith.select %ge3A_128, %masked_sort3A_102, %masked_sort3A_110 : vector<16xi1>, vector<16xf32>
      %select_n3A_130 = arith.select %ge3A_128, %masked_sort3A_103, %masked_sort3A_111 : vector<16xi1>, vector<16xi32>
      %masked_sort3A_131 = arith.constant dense<true> : vector<16xi1>
      %masked_sort3A_132, %masked_sort3A_133, %masked_sort3A_134 = tpu.sort %select_n3A_129, %select_n3A_130 masked %masked_sort3A_131 {descending = true} : (vector<16xf32>, vector<16xi32>, vector<16xi1>) -> (vector<16xi1>, vector<16xf32>, vector<16xi32>)
      %ge3A_135 = arith.cmpf oge, %masked_sort3A_118, %masked_sort3A_126 : vector<16xf32>
      %select_n3A_136 = arith.select %ge3A_135, %masked_sort3A_118, %masked_sort3A_126 : vector<16xi1>, vector<16xf32>
      %select_n3A_137 = arith.select %ge3A_135, %masked_sort3A_119, %masked_sort3A_127 : vector<16xi1>, vector<16xi32>
      %masked_sort3A_138 = arith.constant dense<true> : vector<16xi1>
      %masked_sort3A_139, %masked_sort3A_140, %masked_sort3A_141 = tpu.sort %select_n3A_136, %select_n3A_137 masked %masked_sort3A_138 : (vector<16xf32>, vector<16xi32>, vector<16xi1>) -> (vector<16xi1>, vector<16xf32>, vector<16xi32>)
      %ge3A_142 = arith.cmpf oge, %masked_sort3A_133, %masked_sort3A_140 : vector<16xf32>
      %select_n3A_143 = arith.select %ge3A_142, %masked_sort3A_133, %masked_sort3A_140 : vector<16xi1>, vector<16xf32>
      %select_n3A_144 = arith.select %ge3A_142, %masked_sort3A_134, %masked_sort3A_141 : vector<16xi1>, vector<16xi32>
      %masked_sort3A_145 = arith.constant dense<true> : vector<16xi1>
      %masked_sort3A_146, %masked_sort3A_147, %masked_sort3A_148 = tpu.sort %select_n3A_143, %select_n3A_144 masked %masked_sort3A_145 {descending = true} : (vector<16xf32>, vector<16xi32>, vector<16xi1>) -> (vector<16xi1>, vector<16xf32>, vector<16xi32>)
      %exp3A_149 = math.exp %masked_sort3A_147 : vector<16xf32>
      %jit3A_150 = arith.constant 0.000000e+00 : f32
      %broadcast_in_dim3A_151 = vector.broadcast %jit3A_150 : f32 to vector<16xf32>
      %select_n3A_152 = arith.select %lt3A_18, %exp3A_149, %broadcast_in_dim3A_151 : vector<16xi1>, vector<16xf32>
      %reduce_sum3A_153 = arith.constant true
      %reduce_sum3A_154 = vector.broadcast %reduce_sum3A_153 : i1 to vector<16xi1>
      %reduce_sum3A_155 = tpu.scan <sum>, %select_n3A_152 masked %reduce_sum3A_154 : vector<16xf32>, vector<16xi1> -> vector<16xf32>
      %reduce_sum3A_156 = vector.extract %reduce_sum3A_155[15] : f32 from vector<16xf32>
      %div3A_157 = vector.broadcast %reduce_sum3A_156 : f32 to vector<16xf32>
      %div3A_158 = arith.divf %select_n3A_152, %div3A_157 : vector<16xf32>
      %mul3A_159 = arith.constant 16 : i32
      %mul3A_160 = arith.muli %scan3A_93, %mul3A_159 : i32
      %swap3A_161 = arith.index_cast %mul3A_160 : i32 to index
      %swap3A_162 = tpu.vector_load %arg6[%swap3A_161] {strides = array<i32>} : memref<4096xf32, #tpu.memory_space<vmem>>, vector<16xf32>,
      tpu.vector_store %arg6[%swap3A_161], %div3A_158 {strides = array<i32>} : memref<4096xf32, #tpu.memory_space<vmem>>, vector<16xf32>,
      %mul3A_163 = arith.constant 16 : i32
      %mul3A_164 = arith.muli %scan3A_93, %mul3A_163 : i32
      %swap3A_165 = arith.index_cast %mul3A_164 : i32 to index
      %swap3A_166 = tpu.vector_load %arg7[%swap3A_165] {strides = array<i32>} : memref<4096xi32, #tpu.memory_space<vmem>>, vector<16xi32>,
      tpu.vector_store %arg7[%swap3A_165], %masked_sort3A_148 {strides = array<i32>} : memref<4096xi32, #tpu.memory_space<vmem>>, vector<16xi32>,
      %scan3A_167 = arith.constant 2 : i32
      %scan3A_168 = arith.addi %scan3A_28, %scan3A_167 : i32
      %mul3A_169 = arith.constant 128 : i32
      %mul3A_170 = arith.muli %scan3A_168, %mul3A_169 : i32
      %add3A_171 = arith.constant 0 : i32
      %add3A_172 = arith.addi %mul3A_170, %add3A_171 : i32
      %get3A_173 = arith.index_cast %add3A_172 : i32 to index
      %get3A_174 = tpu.vector_load %arg5[%get3A_173] {strides = array<i32>} : memref<32768xf32, #tpu.memory_space<vmem>>, vector<16xf32>,
      %masked_sort3A_175 = arith.constant dense<true> : vector<16xi1>
      %masked_sort3A_176, %masked_sort3A_177, %masked_sort3A_178 = tpu.sort %get3A_174, %add3A_7 masked %masked_sort3A_175 {descending = true} : (vector<16xf32>, vector<16xi32>, vector<16xi1>) -> (vector<16xi1>, vector<16xf32>, vector<16xi32>)
      %add3A_179 = arith.constant 16 : i32
      %add3A_180 = arith.addi %mul3A_170, %add3A_179 : i32
      %get3A_181 = arith.index_cast %add3A_180 : i32 to index
      %get3A_182 = tpu.vector_load %arg5[%get3A_181] {strides = array<i32>} : memref<32768xf32, #tpu.memory_space<vmem>>, vector<16xf32>,
      %masked_sort3A_183 = arith.constant dense<true> : vector<16xi1>
      %masked_sort3A_184, %masked_sort3A_185, %masked_sort3A_186 = tpu.sort %get3A_182, %add3A_10 masked %masked_sort3A_183 : (vector<16xf32>, vector<16xi32>, vector<16xi1>) -> (vector<16xi1>, vector<16xf32>, vector<16xi32>)
      %add3A_187 = arith.constant 32 : i32
      %add3A_188 = arith.addi %mul3A_170, %add3A_187 : i32
      %get3A_189 = arith.index_cast %add3A_188 : i32 to index
      %get3A_190 = tpu.vector_load %arg5[%get3A_189] {strides = array<i32>} : memref<32768xf32, #tpu.memory_space<vmem>>, vector<16xf32>,
      %masked_sort3A_191 = arith.constant dense<true> : vector<16xi1>
      %masked_sort3A_192, %masked_sort3A_193, %masked_sort3A_194 = tpu.sort %get3A_190, %add3A_13 masked %masked_sort3A_191 {descending = true} : (vector<16xf32>, vector<16xi32>, vector<16xi1>) -> (vector<16xi1>, vector<16xf32>, vector<16xi32>)
      %add3A_195 = arith.constant 48 : i32
      %add3A_196 = arith.addi %mul3A_170, %add3A_195 : i32
      %get3A_197 = arith.index_cast %add3A_196 : i32 to index
      %get3A_198 = tpu.vector_load %arg5[%get3A_197] {strides = array<i32>} : memref<32768xf32, #tpu.memory_space<vmem>>, vector<16xf32>,
      %masked_sort3A_199 = arith.constant dense<true> : vector<16xi1>
      %masked_sort3A_200, %masked_sort3A_201, %masked_sort3A_202 = tpu.sort %get3A_198, %add3A_16 masked %masked_sort3A_199 : (vector<16xf32>, vector<16xi32>, vector<16xi1>) -> (vector<16xi1>, vector<16xf32>, vector<16xi32>)
      %ge3A_203 = arith.cmpf oge, %masked_sort3A_177, %masked_sort3A_185 : vector<16xf32>
      %select_n3A_204 = arith.select %ge3A_203, %masked_sort3A_177, %masked_sort3A_185 : vector<16xi1>, vector<16xf32>
      %select_n3A_205 = arith.select %ge3A_203, %masked_sort3A_178, %masked_sort3A_186 : vector<16xi1>, vector<16xi32>
      %masked_sort3A_206 = arith.constant dense<true> : vector<16xi1>
      %masked_sort3A_207, %masked_sort3A_208, %masked_sort3A_209 = tpu.sort %select_n3A_204, %select_n3A_205 masked %masked_sort3A_206 {descending = true} : (vector<16xf32>, vector<16xi32>, vector<16xi1>) -> (vector<16xi1>, vector<16xf32>, vector<16xi32>)
      %ge3A_210 = arith.cmpf oge, %masked_sort3A_193, %masked_sort3A_201 : vector<16xf32>
      %select_n3A_211 = arith.select %ge3A_210, %masked_sort3A_193, %masked_sort3A_201 : vector<16xi1>, vector<16xf32>
      %select_n3A_212 = arith.select %ge3A_210, %masked_sort3A_194, %masked_sort3A_202 : vector<16xi1>, vector<16xi32>
      %masked_sort3A_213 = arith.constant dense<true> : vector<16xi1>
      %masked_sort3A_214, %masked_sort3A_215, %masked_sort3A_216 = tpu.sort %select_n3A_211, %select_n3A_212 masked %masked_sort3A_213 : (vector<16xf32>, vector<16xi32>, vector<16xi1>) -> (vector<16xi1>, vector<16xf32>, vector<16xi32>)
      %ge3A_217 = arith.cmpf oge, %masked_sort3A_208, %masked_sort3A_215 : vector<16xf32>
      %select_n3A_218 = arith.select %ge3A_217, %masked_sort3A_208, %masked_sort3A_215 : vector<16xi1>, vector<16xf32>
      %select_n3A_219 = arith.select %ge3A_217, %masked_sort3A_209, %masked_sort3A_216 : vector<16xi1>, vector<16xi32>
      %masked_sort3A_220 = arith.constant dense<true> : vector<16xi1>
      %masked_sort3A_221, %masked_sort3A_222, %masked_sort3A_223 = tpu.sort %select_n3A_218, %select_n3A_219 masked %masked_sort3A_220 {descending = true} : (vector<16xf32>, vector<16xi32>, vector<16xi1>) -> (vector<16xi1>, vector<16xf32>, vector<16xi32>)
      %exp3A_224 = math.exp %masked_sort3A_222 : vector<16xf32>
      %jit3A_225 = arith.constant 0.000000e+00 : f32
      %broadcast_in_dim3A_226 = vector.broadcast %jit3A_225 : f32 to vector<16xf32>
      %select_n3A_227 = arith.select %lt3A_18, %exp3A_224, %broadcast_in_dim3A_226 : vector<16xi1>, vector<16xf32>
      %reduce_sum3A_228 = arith.constant true
      %reduce_sum3A_229 = vector.broadcast %reduce_sum3A_228 : i1 to vector<16xi1>
      %reduce_sum3A_230 = tpu.scan <sum>, %select_n3A_227 masked %reduce_sum3A_229 : vector<16xf32>, vector<16xi1> -> vector<16xf32>
      %reduce_sum3A_231 = vector.extract %reduce_sum3A_230[15] : f32 from vector<16xf32>
      %div3A_232 = vector.broadcast %reduce_sum3A_231 : f32 to vector<16xf32>
      %div3A_233 = arith.divf %select_n3A_227, %div3A_232 : vector<16xf32>
      %mul3A_234 = arith.constant 16 : i32
      %mul3A_235 = arith.muli %scan3A_168, %mul3A_234 : i32
      %swap3A_236 = arith.index_cast %mul3A_235 : i32 to index
      %swap3A_237 = tpu.vector_load %arg6[%swap3A_236] {strides = array<i32>} : memref<4096xf32, #tpu.memory_space<vmem>>, vector<16xf32>,
      tpu.vector_store %arg6[%swap3A_236], %div3A_233 {strides = array<i32>} : memref<4096xf32, #tpu.memory_space<vmem>>, vector<16xf32>,
      %mul3A_238 = arith.constant 16 : i32
      %mul3A_239 = arith.muli %scan3A_168, %mul3A_238 : i32
      %swap3A_240 = arith.index_cast %mul3A_239 : i32 to index
      %swap3A_241 = tpu.vector_load %arg7[%swap3A_240] {strides = array<i32>} : memref<4096xi32, #tpu.memory_space<vmem>>, vector<16xi32>,
      tpu.vector_store %arg7[%swap3A_240], %masked_sort3A_223 {strides = array<i32>} : memref<4096xi32, #tpu.memory_space<vmem>>, vector<16xi32>,
      %scan3A_242 = arith.constant 3 : i32
      %scan3A_243 = arith.addi %scan3A_28, %scan3A_242 : i32
      %mul3A_244 = arith.constant 128 : i32
      %mul3A_245 = arith.muli %scan3A_243, %mul3A_244 : i32
      %add3A_246 = arith.constant 0 : i32
      %add3A_247 = arith.addi %mul3A_245, %add3A_246 : i32
      %get3A_248 = arith.index_cast %add3A_247 : i32 to index
      %get3A_249 = tpu.vector_load %arg5[%get3A_248] {strides = array<i32>} : memref<32768xf32, #tpu.memory_space<vmem>>, vector<16xf32>,
      %masked_sort3A_250 = arith.constant dense<true> : vector<16xi1>
      %masked_sort3A_251, %masked_sort3A_252, %masked_sort3A_253 = tpu.sort %get3A_249, %add3A_7 masked %masked_sort3A_250 {descending = true} : (vector<16xf32>, vector<16xi32>, vector<16xi1>) -> (vector<16xi1>, vector<16xf32>, vector<16xi32>)
      %add3A_254 = arith.constant 16 : i32
      %add3A_255 = arith.addi %mul3A_245, %add3A_254 : i32
      %get3A_256 = arith.index_cast %add3A_255 : i32 to index
      %get3A_257 = tpu.vector_load %arg5[%get3A_256] {strides = array<i32>} : memref<32768xf32, #tpu.memory_space<vmem>>, vector<16xf32>,
      %masked_sort3A_258 = arith.constant dense<true> : vector<16xi1>
      %masked_sort3A_259, %masked_sort3A_260, %masked_sort3A_261 = tpu.sort %get3A_257, %add3A_10 masked %masked_sort3A_258 : (vector<16xf32>, vector<16xi32>, vector<16xi1>) -> (vector<16xi1>, vector<16xf32>, vector<16xi32>)
      %add3A_262 = arith.constant 32 : i32
      %add3A_263 = arith.addi %mul3A_245, %add3A_262 : i32
      %get3A_264 = arith.index_cast %add3A_263 : i32 to index
      %get3A_265 = tpu.vector_load %arg5[%get3A_264] {strides = array<i32>} : memref<32768xf32, #tpu.memory_space<vmem>>, vector<16xf32>,
      %masked_sort3A_266 = arith.constant dense<true> : vector<16xi1>
      %masked_sort3A_267, %masked_sort3A_268, %masked_sort3A_269 = tpu.sort %get3A_265, %add3A_13 masked %masked_sort3A_266 {descending = true} : (vector<16xf32>, vector<16xi32>, vector<16xi1>) -> (vector<16xi1>, vector<16xf32>, vector<16xi32>)
      %add3A_270 = arith.constant 48 : i32
      %add3A_271 = arith.addi %mul3A_245, %add3A_270 : i32
      %get3A_272 = arith.index_cast %add3A_271 : i32 to index
      %get3A_273 = tpu.vector_load %arg5[%get3A_272] {strides = array<i32>} : memref<32768xf32, #tpu.memory_space<vmem>>, vector<16xf32>,
      %masked_sort3A_274 = arith.constant dense<true> : vector<16xi1>
      %masked_sort3A_275, %masked_sort3A_276, %masked_sort3A_277 = tpu.sort %get3A_273, %add3A_16 masked %masked_sort3A_274 : (vector<16xf32>, vector<16xi32>, vector<16xi1>) -> (vector<16xi1>, vector<16xf32>, vector<16xi32>)
      %ge3A_278 = arith.cmpf oge, %masked_sort3A_252, %masked_sort3A_260 : vector<16xf32>
      %select_n3A_279 = arith.select %ge3A_278, %masked_sort3A_252, %masked_sort3A_260 : vector<16xi1>, vector<16xf32>
      %select_n3A_280 = arith.select %ge3A_278, %masked_sort3A_253, %masked_sort3A_261 : vector<16xi1>, vector<16xi32>
      %masked_sort3A_281 = arith.constant dense<true> : vector<16xi1>
      %masked_sort3A_282, %masked_sort3A_283, %masked_sort3A_284 = tpu.sort %select_n3A_279, %select_n3A_280 masked %masked_sort3A_281 {descending = true} : (vector<16xf32>, vector<16xi32>, vector<16xi1>) -> (vector<16xi1>, vector<16xf32>, vector<16xi32>)
      %ge3A_285 = arith.cmpf oge, %masked_sort3A_268, %masked_sort3A_276 : vector<16xf32>
      %select_n3A_286 = arith.select %ge3A_285, %masked_sort3A_268, %masked_sort3A_276 : vector<16xi1>, vector<16xf32>
      %select_n3A_287 = arith.select %ge3A_285, %masked_sort3A_269, %masked_sort3A_277 : vector<16xi1>, vector<16xi32>
      %masked_sort3A_288 = arith.constant dense<true> : vector<16xi1>
      %masked_sort3A_289, %masked_sort3A_290, %masked_sort3A_291 = tpu.sort %select_n3A_286, %select_n3A_287 masked %masked_sort3A_288 : (vector<16xf32>, vector<16xi32>, vector<16xi1>) -> (vector<16xi1>, vector<16xf32>, vector<16xi32>)
      %ge3A_292 = arith.cmpf oge, %masked_sort3A_283, %masked_sort3A_290 : vector<16xf32>
      %select_n3A_293 = arith.select %ge3A_292, %masked_sort3A_283, %masked_sort3A_290 : vector<16xi1>, vector<16xf32>
      %select_n3A_294 = arith.select %ge3A_292, %masked_sort3A_284, %masked_sort3A_291 : vector<16xi1>, vector<16xi32>
      %masked_sort3A_295 = arith.constant dense<true> : vector<16xi1>
      %masked_sort3A_296, %masked_sort3A_297, %masked_sort3A_298 = tpu.sort %select_n3A_293, %select_n3A_294 masked %masked_sort3A_295 {descending = true} : (vector<16xf32>, vector<16xi32>, vector<16xi1>) -> (vector<16xi1>, vector<16xf32>, vector<16xi32>)
      %exp3A_299 = math.exp %masked_sort3A_297 : vector<16xf32>
      %jit3A_300 = arith.constant 0.000000e+00 : f32
      %broadcast_in_dim3A_301 = vector.broadcast %jit3A_300 : f32 to vector<16xf32>
      %select_n3A_302 = arith.select %lt3A_18, %exp3A_299, %broadcast_in_dim3A_301 : vector<16xi1>, vector<16xf32>
      %reduce_sum3A_303 = arith.constant true
      %reduce_sum3A_304 = vector.broadcast %reduce_sum3A_303 : i1 to vector<16xi1>
      %reduce_sum3A_305 = tpu.scan <sum>, %select_n3A_302 masked %reduce_sum3A_304 : vector<16xf32>, vector<16xi1> -> vector<16xf32>
      %reduce_sum3A_306 = vector.extract %reduce_sum3A_305[15] : f32 from vector<16xf32>
      %div3A_307 = vector.broadcast %reduce_sum3A_306 : f32 to vector<16xf32>
      %div3A_308 = arith.divf %select_n3A_302, %div3A_307 : vector<16xf32>
      %mul3A_309 = arith.constant 16 : i32
      %mul3A_310 = arith.muli %scan3A_243, %mul3A_309 : i32
      %swap3A_311 = arith.index_cast %mul3A_310 : i32 to index
      %swap3A_312 = tpu.vector_load %arg6[%swap3A_311] {strides = array<i32>} : memref<4096xf32, #tpu.memory_space<vmem>>, vector<16xf32>,
      tpu.vector_store %arg6[%swap3A_311], %div3A_308 {strides = array<i32>} : memref<4096xf32, #tpu.memory_space<vmem>>, vector<16xf32>,
      %mul3A_313 = arith.constant 16 : i32
      %mul3A_314 = arith.muli %scan3A_243, %mul3A_313 : i32
      %swap3A_315 = arith.index_cast %mul3A_314 : i32 to index
      %swap3A_316 = tpu.vector_load %arg7[%swap3A_315] {strides = array<i32>} : memref<4096xi32, #tpu.memory_space<vmem>>, vector<16xi32>,
      tpu.vector_store %arg7[%swap3A_315], %masked_sort3A_298 {strides = array<i32>} : memref<4096xi32, #tpu.memory_space<vmem>>, vector<16xi32>,
    }
    %scan3A_23 = arith.constant 256 : i32
    %mul3A_24 = arith.constant 16 : i32
    %mul3A_25 = arith.muli %mul3A_2, %mul3A_24 : i32
    "tpu.region"() ({
      %run_scoped3A = tpu.sem_alloc : memref<!tpu.dma_semaphore, #tpu.memory_space<semaphore_mem>>
      %dma_start3A = tpu.memref_slice %arg3[%mul3A_25] : memref<131072xf32, #tpu.memory_space<hbm>> -> memref<4096xf32, #tpu.memory_space<hbm>>
      %dma_start3A_28 = tpu.memref_slice %arg3[%mul3A_25] : memref<131072xf32, #tpu.memory_space<hbm>> -> memref<4096xf32, #tpu.memory_space<hbm>>
      tpu.enqueue_dma source(%arg6 : memref<4096xf32, #tpu.memory_space<vmem>>) target(%dma_start3A_28 : memref<4096xf32, #tpu.memory_space<hbm>>) target_semaphore(%run_scoped3A : memref<!tpu.dma_semaphore, #tpu.memory_space<semaphore_mem>>)
      %dma_wait3A = tpu.memref_slice %arg3[%mul3A_25] : memref<131072xf32, #tpu.memory_space<hbm>> -> memref<4096xf32, #tpu.memory_space<hbm>>
      %dma_wait3A_29 = tpu.memref_slice %arg3[%mul3A_25] : memref<131072xf32, #tpu.memory_space<hbm>> -> memref<4096xf32, #tpu.memory_space<hbm>>
      tpu.wait_dma2 semaphore(%run_scoped3A : memref<!tpu.dma_semaphore, #tpu.memory_space<semaphore_mem>>) src(%arg6 : memref<4096xf32, #tpu.memory_space<vmem>>) dst(%dma_wait3A_29 : memref<4096xf32, #tpu.memory_space<hbm>>)
      tpu.yield
    }) : () -> ()
    %mul3A_26 = arith.constant 16 : i32
    %mul3A_27 = arith.muli %mul3A_2, %mul3A_26 : i32
    "tpu.region"() ({
      %run_scoped3A = tpu.sem_alloc : memref<!tpu.dma_semaphore, #tpu.memory_space<semaphore_mem>>
      %dma_start3A = tpu.memref_slice %arg4[%mul3A_27] : memref<131072xi32, #tpu.memory_space<hbm>> -> memref<4096xi32, #tpu.memory_space<hbm>>
      %dma_start3A_28 = tpu.memref_slice %arg4[%mul3A_27] : memref<131072xi32, #tpu.memory_space<hbm>> -> memref<4096xi32, #tpu.memory_space<hbm>>
      tpu.enqueue_dma source(%arg7 : memref<4096xi32, #tpu.memory_space<vmem>>) target(%dma_start3A_28 : memref<4096xi32, #tpu.memory_space<hbm>>) target_semaphore(%run_scoped3A : memref<!tpu.dma_semaphore, #tpu.memory_space<semaphore_mem>>)
      %dma_wait3A = tpu.memref_slice %arg4[%mul3A_27] : memref<131072xi32, #tpu.memory_space<hbm>> -> memref<4096xi32, #tpu.memory_space<hbm>>
      %dma_wait3A_29 = tpu.memref_slice %arg4[%mul3A_27] : memref<131072xi32, #tpu.memory_space<hbm>> -> memref<4096xi32, #tpu.memory_space<hbm>>
      tpu.wait_dma2 semaphore(%run_scoped3A : memref<!tpu.dma_semaphore, #tpu.memory_space<semaphore_mem>>) src(%arg7 : memref<4096xi32, #tpu.memory_space<vmem>>) dst(%dma_wait3A_29 : memref<4096xi32, #tpu.memory_space<hbm>>)
      tpu.yield
    }) : () -> ()
    return
  }
}

module attributes {stable_mosaic.version = 14 : i64} {
  func.func @_logits_body(%arg0: i32, %arg1: memref<512x4096xf32, #tpu.memory_space<vmem>>, %arg2: memref<64x4096xf32, #tpu.memory_space<vmem>>, %arg3: memref<512x128xf32, #tpu.memory_space<vmem>>) attributes {dimension_semantics = [#tpu.dimension_semantics<arbitrary>], iteration_bounds = array<i64: 16>, scalar_prefetch = 0 : i64, scratch_operands = 0 : i64, tpu.core_type = #tpu.core_type<tc>, window_params = [{transform_indices = @transform_0, window_bounds = array<i64: 512, 4096>}, {pipeline_mode = #tpu.pipeline_mode<synchronous>, transform_indices = @transform_1, window_bounds = array<i64: 64, 4096>}, {transform_indices = @transform_2, window_bounds = array<i64: 512, 128>}]} {
    %get3A = arith.constant 0 : index
    %get3A_0 = arith.constant 0 : index
    %get3A_1 = vector.load %arg1[%get3A, %get3A_0] : memref<512x4096xf32, #tpu.memory_space<vmem>>, vector<512x4096xf32>
    %get3A_2 = arith.constant 0 : index
    %get3A_3 = arith.constant 0 : index
    %get3A_4 = vector.load %arg2[%get3A_2, %get3A_3] : memref<64x4096xf32, #tpu.memory_space<vmem>>, vector<64x4096xf32>
    %dot_general3A = arith.constant dense<0.000000e+00> : vector<512x64xf32>
    %dot_general3A_5 = tpu.matmul %get3A_1, %get3A_4, %dot_general3A {dimension_numbers = #tpu.dot_dimension_numbers<[1], [1], [0], [0], [0, 0, 1, 0], [], []>, transpose_lhs_hint = false} : vector<512x4096xf32>, vector<64x4096xf32>, vector<512x64xf32> -> vector<512x64xf32>
    %swap3A = arith.constant 0 : index
    %swap3A_6 = arith.constant 0 : index
    %swap3A_7 = vector.load %arg3[%swap3A, %swap3A_6] : memref<512x128xf32, #tpu.memory_space<vmem>>, vector<512x64xf32>
    tpu.vector_store %arg3[%swap3A, %swap3A_6], %dot_general3A_5 {strides = array<i32>} : memref<512x128xf32, #tpu.memory_space<vmem>>, vector<512x64xf32>,
    return
  }
  func.func @transform_0(%arg0: i32) -> (i32, i32) {
    %add3A = arith.constant 48 : i32
    %add3A_0 = arith.addi %arg0, %add3A : i32
    %c0_i32 = arith.constant 0 : i32
    %c0_i32_1 = arith.constant 0 : i32
    return %add3A_0, %c0_i32 : i32, i32
  }
  func.func @transform_1(%arg0: i32) -> (i32, i32) {
    %c0_i32 = arith.constant 0 : i32
    %c0_i32_0 = arith.constant 0 : i32
    %c0_i32_1 = arith.constant 0 : i32
    return %c0_i32, %c0_i32_0 : i32, i32
  }
  func.func @transform_2(%arg0: i32) -> (i32, i32) {
    %c0_i32 = arith.constant 0 : i32
    %c0_i32_0 = arith.constant 0 : i32
    return %arg0, %c0_i32 : i32, i32
  }
}

module attributes {stable_mosaic.version = 14 : i64} {
  func.func @_logits_body(%arg0: i32, %arg1: memref<512x4096xf32, #tpu.memory_space<vmem>>, %arg2: memref<64x4096xf32, #tpu.memory_space<vmem>>, %arg3: memref<512x128xf32, #tpu.memory_space<vmem>>) attributes {dimension_semantics = [#tpu.dimension_semantics<arbitrary>], iteration_bounds = array<i64: 16>, scalar_prefetch = 0 : i64, scratch_operands = 0 : i64, tpu.core_type = #tpu.core_type<tc>, window_params = [{transform_indices = @transform_0, window_bounds = array<i64: 512, 4096>}, {pipeline_mode = #tpu.pipeline_mode<synchronous>, transform_indices = @transform_1, window_bounds = array<i64: 64, 4096>}, {transform_indices = @transform_2, window_bounds = array<i64: 512, 128>}]} {
    %get3A = arith.constant 0 : index
    %get3A_0 = arith.constant 0 : index
    %get3A_1 = vector.load %arg1[%get3A, %get3A_0] : memref<512x4096xf32, #tpu.memory_space<vmem>>, vector<512x4096xf32>
    %get3A_2 = arith.constant 0 : index
    %get3A_3 = arith.constant 0 : index
    %get3A_4 = vector.load %arg2[%get3A_2, %get3A_3] : memref<64x4096xf32, #tpu.memory_space<vmem>>, vector<64x4096xf32>
    %dot_general3A = arith.constant dense<0.000000e+00> : vector<512x64xf32>
    %dot_general3A_5 = tpu.matmul %get3A_1, %get3A_4, %dot_general3A {dimension_numbers = #tpu.dot_dimension_numbers<[1], [1], [0], [0], [0, 0, 1, 0], [], []>, transpose_lhs_hint = false} : vector<512x4096xf32>, vector<64x4096xf32>, vector<512x64xf32> -> vector<512x64xf32>
    %swap3A = arith.constant 0 : index
    %swap3A_6 = arith.constant 0 : index
    %swap3A_7 = vector.load %arg3[%swap3A, %swap3A_6] : memref<512x128xf32, #tpu.memory_space<vmem>>, vector<512x64xf32>
    tpu.vector_store %arg3[%swap3A, %swap3A_6], %dot_general3A_5 {strides = array<i32>} : memref<512x128xf32, #tpu.memory_space<vmem>>, vector<512x64xf32>,
    return
  }
  func.func @transform_0(%arg0: i32) -> (i32, i32) {
    %add3A = arith.constant 0 : i32
    %add3A_0 = arith.addi %arg0, %add3A : i32
    %c0_i32 = arith.constant 0 : i32
    %c0_i32_1 = arith.constant 0 : i32
    return %add3A_0, %c0_i32 : i32, i32
  }
  func.func @transform_1(%arg0: i32) -> (i32, i32) {
    %c0_i32 = arith.constant 0 : i32
    %c0_i32_0 = arith.constant 0 : i32
    %c0_i32_1 = arith.constant 0 : i32
    return %c0_i32, %c0_i32_0 : i32, i32
  }
  func.func @transform_2(%arg0: i32) -> (i32, i32) {
    %c0_i32 = arith.constant 0 : i32
    %c0_i32_0 = arith.constant 0 : i32
    return %arg0, %c0_i32 : i32, i32
  }
}

module attributes {stable_mosaic.version = 14 : i64} {
  func.func @_logits_body(%arg0: i32, %arg1: memref<512x4096xf32, #tpu.memory_space<vmem>>, %arg2: memref<64x4096xf32, #tpu.memory_space<vmem>>, %arg3: memref<512x128xf32, #tpu.memory_space<vmem>>) attributes {dimension_semantics = [#tpu.dimension_semantics<arbitrary>], iteration_bounds = array<i64: 16>, scalar_prefetch = 0 : i64, scratch_operands = 0 : i64, tpu.core_type = #tpu.core_type<tc>, window_params = [{transform_indices = @transform_0, window_bounds = array<i64: 512, 4096>}, {pipeline_mode = #tpu.pipeline_mode<synchronous>, transform_indices = @transform_1, window_bounds = array<i64: 64, 4096>}, {transform_indices = @transform_2, window_bounds = array<i64: 512, 128>}]} {
    %get3A = arith.constant 0 : index
    %get3A_0 = arith.constant 0 : index
    %get3A_1 = vector.load %arg1[%get3A, %get3A_0] : memref<512x4096xf32, #tpu.memory_space<vmem>>, vector<512x4096xf32>
    %get3A_2 = arith.constant 0 : index
    %get3A_3 = arith.constant 0 : index
    %get3A_4 = vector.load %arg2[%get3A_2, %get3A_3] : memref<64x4096xf32, #tpu.memory_space<vmem>>, vector<64x4096xf32>
    %dot_general3A = arith.constant dense<0.000000e+00> : vector<512x64xf32>
    %dot_general3A_5 = tpu.matmul %get3A_1, %get3A_4, %dot_general3A {dimension_numbers = #tpu.dot_dimension_numbers<[1], [1], [0], [0], [0, 0, 1, 0], [], []>, transpose_lhs_hint = false} : vector<512x4096xf32>, vector<64x4096xf32>, vector<512x64xf32> -> vector<512x64xf32>
    %swap3A = arith.constant 0 : index
    %swap3A_6 = arith.constant 0 : index
    %swap3A_7 = vector.load %arg3[%swap3A, %swap3A_6] : memref<512x128xf32, #tpu.memory_space<vmem>>, vector<512x64xf32>
    tpu.vector_store %arg3[%swap3A, %swap3A_6], %dot_general3A_5 {strides = array<i32>} : memref<512x128xf32, #tpu.memory_space<vmem>>, vector<512x64xf32>,
    return
  }
  func.func @transform_0(%arg0: i32) -> (i32, i32) {
    %add3A = arith.constant 32 : i32
    %add3A_0 = arith.addi %arg0, %add3A : i32
    %c0_i32 = arith.constant 0 : i32
    %c0_i32_1 = arith.constant 0 : i32
    return %add3A_0, %c0_i32 : i32, i32
  }
  func.func @transform_1(%arg0: i32) -> (i32, i32) {
    %c0_i32 = arith.constant 0 : i32
    %c0_i32_0 = arith.constant 0 : i32
    %c0_i32_1 = arith.constant 0 : i32
    return %c0_i32, %c0_i32_0 : i32, i32
  }
  func.func @transform_2(%arg0: i32) -> (i32, i32) {
    %c0_i32 = arith.constant 0 : i32
    %c0_i32_0 = arith.constant 0 : i32
    return %arg0, %c0_i32 : i32, i32
  }
}

module attributes {stable_mosaic.version = 14 : i64} {
  func.func @_logits_body(%arg0: i32, %arg1: memref<512x4096xf32, #tpu.memory_space<vmem>>, %arg2: memref<64x4096xf32, #tpu.memory_space<vmem>>, %arg3: memref<512x128xf32, #tpu.memory_space<vmem>>) attributes {dimension_semantics = [#tpu.dimension_semantics<arbitrary>], iteration_bounds = array<i64: 16>, scalar_prefetch = 0 : i64, scratch_operands = 0 : i64, tpu.core_type = #tpu.core_type<tc>, window_params = [{transform_indices = @transform_0, window_bounds = array<i64: 512, 4096>}, {pipeline_mode = #tpu.pipeline_mode<synchronous>, transform_indices = @transform_1, window_bounds = array<i64: 64, 4096>}, {transform_indices = @transform_2, window_bounds = array<i64: 512, 128>}]} {
    %get3A = arith.constant 0 : index
    %get3A_0 = arith.constant 0 : index
    %get3A_1 = vector.load %arg1[%get3A, %get3A_0] : memref<512x4096xf32, #tpu.memory_space<vmem>>, vector<512x4096xf32>
    %get3A_2 = arith.constant 0 : index
    %get3A_3 = arith.constant 0 : index
    %get3A_4 = vector.load %arg2[%get3A_2, %get3A_3] : memref<64x4096xf32, #tpu.memory_space<vmem>>, vector<64x4096xf32>
    %dot_general3A = arith.constant dense<0.000000e+00> : vector<512x64xf32>
    %dot_general3A_5 = tpu.matmul %get3A_1, %get3A_4, %dot_general3A {dimension_numbers = #tpu.dot_dimension_numbers<[1], [1], [0], [0], [0, 0, 1, 0], [], []>, transpose_lhs_hint = false} : vector<512x4096xf32>, vector<64x4096xf32>, vector<512x64xf32> -> vector<512x64xf32>
    %swap3A = arith.constant 0 : index
    %swap3A_6 = arith.constant 0 : index
    %swap3A_7 = vector.load %arg3[%swap3A, %swap3A_6] : memref<512x128xf32, #tpu.memory_space<vmem>>, vector<512x64xf32>
    tpu.vector_store %arg3[%swap3A, %swap3A_6], %dot_general3A_5 {strides = array<i32>} : memref<512x128xf32, #tpu.memory_space<vmem>>, vector<512x64xf32>,
    return
  }
  func.func @transform_0(%arg0: i32) -> (i32, i32) {
    %add3A = arith.constant 16 : i32
    %add3A_0 = arith.addi %arg0, %add3A : i32
    %c0_i32 = arith.constant 0 : i32
    %c0_i32_1 = arith.constant 0 : i32
    return %add3A_0, %c0_i32 : i32, i32
  }
  func.func @transform_1(%arg0: i32) -> (i32, i32) {
    %c0_i32 = arith.constant 0 : i32
    %c0_i32_0 = arith.constant 0 : i32
    %c0_i32_1 = arith.constant 0 : i32
    return %c0_i32, %c0_i32_0 : i32, i32
  }
  func.func @transform_2(%arg0: i32) -> (i32, i32) {
    %c0_i32 = arith.constant 0 : i32
    %c0_i32_0 = arith.constant 0 : i32
    return %arg0, %c0_i32 : i32, i32
  }
}

</mosaic_0001>

<sc_bundles>
// kernel: kernel.10.cloned.1.call-start
scs
__scs_entry_jumppad:
0x0: {  	(pc) =	sbr.rel $0x88, $3  }
0x1: {  	(tag) =	ssettag $0x0;
	lr =	simm.s32 $0x1  }
0x2: {  	[smem:$0x3F9F] =	sst lr;
	_ =	strace $0xD0000000  }
0x3: {  	_ = 	snop  }
0x4: {  	_ = 	snop  }
0x5: {  	_ = 	snop  }
0x6: {  	_ = 	snop  }
0x7: {  	_ = 	snop  }
__scs_overlays_trampoline_lowered:
0x8: {  	[smem:$0x3FAE] =	sst s0  }
0x9: {  	[smem:$0x3FAF] =	sst s1  }
0xa: {  	[smem:$0x3FB0] =	sst s2  }
0xb: {  	[smem:$0x3FB1] =	sst s3  }
0xc: {  	[smem:$0x3FB2] =	sst s4  }
0xd: {  	[smem:$0x3FB3] =	sst s5  }
0xe: {  	[smem:$0x3FB4] =	sst s6  }
0xf: {  	[smem:$0x3FB5] =	sst s7  }
0x10: {  	[smem:$0x3FB6] =	sst s8  }
0x11: {  	[smem:$0x3FB7] =	sst s9;
	s0 =	simm.s32 @!p0 $0x0  }
0x12: {  	s1 =	sld [smem:$0x3F9D];
	s0 =	simm.s32 @p0 $0x1  }
0x13: {  	[smem:$0x3FB8] =	sst s0;
	s0 =	simm.s32 @!p1 $0x0  }
0x14: {  	s2 =	sld [smem:$0x3F9C];
	s0 =	simm.s32 @p1 $0x1  }
0x15: {  	[smem:$0x3FB9] =	sst s0;
	s0 =	simm.s32 @!p2 $0x0  }
0x16: {  	s3 =	sld [smem:$0x3FDB];
	s0 =	simm.s32 @p2 $0x1  }
0x17: {  	s4 =	simm.s32 $0x1BF5;
	[smem:$0x3FBB] =	sst s0  }
0x18: {  	s0 =	sld [smem:$0x3F9E];
	_ =	swait.ge [sflag:s4], $0x0  }
0x19: {  	s7 =	sld [smem:$0x3F9F]  }
0x1a: {  	s8 =	sadd.s32 $0xFFFFE003, lr  }
0x1b: {  	s9 =	sadd.s32 $0xFFFFFEF7, lr;
	s5 =	simm.s32 $0xFFFFFFFF;
	p2 =	slt.u32 s8, $0xFFFFF086  }
0x1c: {  	p1 =	slt.u32 s9, $0xF7A;
	s5 =	simm.s32 @!p2 $0x0  }
0x1d: {  	s5 =	simm.s32 @p1 $0x1;
	p0 =	seq.s32 s7, s2  }
0x1e: {  	s7 =	smul.u32 @!p0 $0xF7A, s2;
	p2 =	seq.s32 @!p0 s5, $0x0  }
0x1f: {  	s9 =	smul.u32 $0xF7A, s1;
	s8 =	simm.s32 @!p0 $0x1BF5;
	p2 =	por !p2, p0  }
0x20: {  	[sflag:s8] =	ssyncset.s32 @!p0 $0xFFFFF086;
	s6 =	sadd.s32 @!p0 s3, s7;
	s7 =	simm.s32 @!p0 $0x108  }
0x21: {  	s3 =	sadd.s32 s3, s9;
	s6 =	sadd.s32 @!p0 $0x88, s6;
	s7 =	simm.s32 @p2 $0x1082  }
0x22: {  	[simem:s7], [sflag:s8] =	dma.local @!p0 [hbm:s6], $0xF7A  }
0x23: {  	s9 =	sor.u32 $0xD0000000, s2;
	s6 =	simm.s32 $0x108;
	_ =	swait.ge @!p0 [sflag:s8], $0x0  }
0x24: {  	s3 =	sadd.s32 $0x88, s3;
	s6 =	simm.s32 @!p1 $0x1082;
	[sflag:s4] =	ssyncset.s32 $0xFFFFF086  }
0x25: {  	[simem:s6], [sflag:s4] =	dma.local [hbm:s3], $0xF7A  }
0x26: {  	[smem:$0x3F9F] =	sst s1;
	(tag) =	ssettag s2;
	_ =	strace s9  }
0x27: {  	s1 =	sld [smem:$0x3FAF]  }
0x28: {  	s2 =	sld [smem:$0x3FB0]  }
0x29: {  	s4 =	sld [smem:$0x3FB2]  }
0x2a: {  	p0 =	seq.s32 s5, $0x0;
	s5 =	sld [smem:$0x3FB3]  }
0x2b: {  	s6 =	sld [smem:$0x3FB4]  }
0x2c: {  	s7 =	sld [smem:$0x3FB5]  }
0x2d: {  	s3 =	simm.s32 $0x108;
	s8 =	sld [smem:$0x3FB6]  }
0x2e: {  	s3 =	simm.s32 @!p0 $0x1082;
	s9 =	sld [smem:$0x3FB7]  }
0x2f: {  	lr =	sadd.s32 s0, s3;
	s0 =	sld [smem:$0x3FAE]  }
0x30: {  	s3 =	sld [smem:$0x3FB1]  }
0x31: {  	[smem:$0x3FBA] =	sst s10  }
0x32: {  	s10 =	sld [smem:$0x3FB8];
	_ =	sdelay $0x3  }
0x33: {  	p0 =	seq.s32 s10, $0x1;
	s10 =	sld [smem:$0x3FBA];
	_ =	sdelay $0x3  }
0x34: {  	[smem:$0x3FBA] =	sst s10  }
0x35: {  	s10 =	sld [smem:$0x3FB9];
	_ =	sdelay $0x3  }
0x36: {  	p1 =	seq.s32 s10, $0x1;
	s10 =	sld [smem:$0x3FBA];
	_ =	sdelay $0x3  }
0x37: {  	[smem:$0x3FBA] =	sst s10  }
0x38: {  	s10 =	sld [smem:$0x3FBB]  }
0x39: {  	_ = 	snop;
	(pc) =	sbr.ind lr, $3  }
0x3a: {  	_ = 	snop  }
0x3b: {  	_ = 	snop  }
0x3c: {  	p2 =	seq.s32 s10, $0x1;
	s10 =	sld [smem:$0x3FBA]  }
0x3d: {  	_ =	shalt  }
0x3e: {  	_ =	shalt  }
0x3f: {  	_ =	shalt  }
0x40: {  	_ =	shalt  }
0x41: {  	_ =	shalt  }
0x42: {  	_ =	shalt  }
0x43: {  	_ =	shalt  }
0x44: {  	_ =	shalt  }
0x45: {  	_ =	shalt  }
0x46: {  	_ =	shalt  }
0x47: {  	_ =	shalt  }
0x48: {  	_ =	shalt  }
0x49: {  	_ =	shalt  }
0x4a: {  	_ =	shalt  }
0x4b: {  	_ =	shalt  }
0x4c: {  	_ =	shalt  }
0x4d: {  	_ =	shalt  }
0x4e: {  	_ =	shalt  }
0x4f: {  	_ =	shalt  }
0x50: {  	_ =	shalt  }
0x51: {  	_ =	shalt  }
0x52: {  	_ =	shalt  }
0x53: {  	_ =	shalt  }
0x54: {  	_ =	shalt  }
0x55: {  	_ =	shalt  }
0x56: {  	_ =	shalt  }
0x57: {  	_ =	shalt  }
0x58: {  	_ =	shalt  }
0x59: {  	_ =	shalt  }
0x5a: {  	_ =	shalt  }
0x5b: {  	_ =	shalt  }
0x5c: {  	_ =	shalt  }
0x5d: {  	_ =	shalt  }
0x5e: {  	_ =	shalt  }
0x5f: {  	_ =	shalt  }
0x60: {  	_ =	shalt  }
0x61: {  	_ =	shalt  }
0x62: {  	_ =	shalt  }
0x63: {  	_ =	shalt  }
0x64: {  	_ =	shalt  }
0x65: {  	_ =	shalt  }
0x66: {  	_ =	shalt  }
0x67: {  	_ =	shalt  }
0x68: {  	_ =	shalt  }
0x69: {  	_ =	shalt  }
0x6a: {  	_ =	shalt  }
0x6b: {  	_ =	shalt  }
0x6c: {  	_ =	shalt  }
0x6d: {  	_ =	shalt  }
0x6e: {  	_ =	shalt  }
0x6f: {  	_ =	shalt  }
0x70: {  	_ =	shalt  }
0x71: {  	_ =	shalt  }
0x72: {  	_ =	shalt  }
0x73: {  	_ =	shalt  }
0x74: {  	_ =	shalt  }
0x75: {  	_ =	shalt  }
0x76: {  	_ =	shalt  }
0x77: {  	_ =	shalt  }
0x78: {  	_ =	shalt  }
0x79: {  	_ =	shalt  }
0x7a: {  	_ =	shalt  }
0x7b: {  	_ =	shalt  }
0x7c: {  	_ =	shalt  }
0x7d: {  	_ =	shalt  }
0x7e: {  	_ =	shalt  }
0x7f: {  	_ =	shalt  }
0x80: {  	_ =	shalt  }
0x81: {  	_ =	shalt  }
0x82: {  	_ =	shalt  }
0x83: {  	_ =	shalt  }
0x84: {  	_ =	shalt  }
0x85: {  	_ =	shalt  }
0x86: {  	_ =	shalt  }
0x87: {  	_ =	shalt  }
.Lfunc_end0:
.L_simem_size_0:
called_computation_lowered:
.L_overlay_start_0:
0x88: {  	s2 =	sld [smem:$0x3FD9]  }
0x89: {  	s3 =	sld [smem:$0x3FFE];
	_ =	sdelay $0x1  }
0x8a: {  	s1 =	srdreg.scid  }
0x8b: {  	s0 =	sand.u32 $0x1, s1  }
0x8c: {  	s15 =	sshll.u32 s0, $0xA;
	s2 =	sadd.s32 s3, s2  }
0x8d: {  	s2 =	sadd.s32 s2, s15  }
0x8e: {  	[smem:$0x3FC6] =	sst s2  }
0x8f: {  	_ = 	snop  }
0x90: {  	s2 =	sld [smem:$0x3FD0];
	_ =	sdelay $0x2  }
0x91: {  	s4 =	simm.s32 $0xD;
	s16 =	simm.s32 $0x10  }
0x92: {  	[smem:s16], [sflag:s4] =	dma.local [hbm:s2], $0x1  }
0x93: {  	_ =	swait.eq [sflag:s4], $0x1  }
0x94: {  	[sflag:s4] =	ssyncset.done $0x0  }
0x95: {  	s17 =	sld [smem:$0x10];
	[sflag:s4] =	ssyncadd.s32 $0xFFFFFFFF  }
0x96: {  	s18 =	sld [smem:$0x11];
	(tm) =	ssettm $0x1  }
0x97: {  	s19 =	sld [smem:$0x3FFB];
	_ =	sdelay $0x3  }
0x98: {  	_ =	strace s19  }
0x99: {  	s2 =	sld [smem:$0x3FFC];
	_ =	sdelay $0x3  }
0x9a: {  	_ =	strace s2  }
0x9b: {  	s2 =	sld [smem:$0x3FFD];
	_ =	sdelay $0x3  }
0x9c: {  	_ =	strace s2  }
0x9d: {  	_ =	strace $0x8FFFFFFF  }
0x9e: {  	s20 =	sld [smem:$0x3FDB];
	_ =	sdelay $0x1  }
0x9f: {  	s5 =	simm.s32 $_scs_section_size  }
0xa0: {  	s6 =	simm.s32 $_size__tile_overlayer_lowered;
	s7 =	simm.s32 $_tile_overlayer_lowered  }
0xa1: {  	s8 =	simm.s32 $0x1BFF;
	s21 =	sshll.u32 s7, $0x1;
	s5 =	sadd.s32 s5, s20  }
0xa2: {  	s22 =	simm.s32 $0x0;
	s6 =	sshll.u32 s6, $0x1;
	s7 =	sadd.s32 s21, s5  }
0xa3: {  	[timem:s22], [sflag:s8] =	dma.local [hbm:s7], s6  }
0xa4: {  	_ =	swait.ge [sflag:s8], s6  }
0xa5: {  	s6 =	ssub.s32 $0x0, s6;
	[sflag:s8] =	ssyncset.done $0x0  }
0xa6: {  	[sflag:s8] =	ssyncadd.s32 s6;
	_ =	sdelay $0x1  }
0xa7: {  	s23 =	simm.s32 $0x1B8B  }
0xa8: {  	_ =	swait.ge [sflag:s23], $0x1  }
0xa9: {  	[sflag:s23] =	ssyncset.done $0x0  }
0xaa: {  	[sflag:s23] =	ssyncadd.s32 $0xFFFFFFFF  }
0xab: {  	s6 =	sld [smem:$0x0]  }
0xac: {  	s7 =	sand.u32 $0xFFFFFFFE, s1  }
0xad: {  	p0 =	sne.s32 s1, s7  }
0xae: {  	s7 =	sshll.u32 @p0 s7, $0xE  }
0xaf: {  	s7 =	sadd.s32 @p0 $0x11B8D, s7;
	s8 =	sshll.u32 @p0 s6, $0x11  }
0xb0: {  	s7 =	sor.u32 @p0 s8, s7  }
0xb1: {  	[sflag:s7] =	ssyncadd.remote.s32 @p0 $0x1;
	_ =	sdelay $0x1  }
0xb2: {  	s7 =	simm.s32 @p0 $0x1B8D  }
0xb3: {  	_ =	swait.eq @p0 [sflag:s7], $0x1  }
0xb4: {  	[sflag:s7] =	ssyncadd.s32 @p0 $0xFFFFFFFF  }
0xb5: {  	s8 =	sshll.u32 @!p0 s1, $0xE  }
0xb6: {  	s8 =	sor.u32 @!p0 $0x4000, s8;
	s7 =	simm.s32 @!p0 $0x1B8D  }
0xb7: {  	s6 =	sshll.u32 @!p0 s6, $0x11;
	s8 =	sadd.s32 @!p0 $0x11B8D, s8;
	_ =	swait.eq @!p0 [sflag:s7], $0x1  }
0xb8: {  	s6 =	sor.u32 @!p0 s6, s8;
	[sflag:s7] =	ssyncadd.s32 @!p0 $0xFFFFFFFF  }
0xb9: {  	s25 =	simm.s32 $0x1B8E;
	s24 =	sld [smem:$0x3FFE];
	[sflag:s6] =	ssyncadd.remote.s32 @!p0 $0x1  }
0xba: {  	s26 =	simm.s32 $execute0_lowered;
	[smem:$0x3FD2] =	sst s25  }
0xbb: {  	s7 =	sshll.u32 s26, $0x1;
	_ =	strace $0x8000004F;
	[dreg:$0x1] =	wrdreg $0xFFFFFFFF  }
0xbc: {  	s28 =	simm.s32 $_size_execute0_lowered;
	s5 =	sadd.s32 s5, s7;
	[dreg:$0x0] =	wrdreg $0x0  }
0xbd: {  	s7 =	sshll.u32 s28, $0x1;
	[dreg:$0x2] =	wrdreg s5  }
0xbe: {  	[dreg:$0x3] =	wrdreg s7  }
0xbf: {  	[dreg:$0x4] =	wrdreg $0xC0  }
0xc0: {  	_ =	task [dreg:s22], $0x5FFFF  }
0xc1: {  	[dreg:$0x1] =	wrdreg $0xFFFFFFFF  }
0xc2: {  	[dreg:$0x0] =	wrdreg $0x60  }
0xc3: {  	[dreg:$0x2] =	wrdreg s24  }
0xc4: {  	[dreg:$0x3] =	wrdreg s18  }
0xc5: {  	[dreg:$0x4] =	wrdreg s17  }
0xc6: {  	[dreg:$0x5] =	wrdreg $0x9  }
0xc7: {  	_ =	task.clear_ibuf [dreg:s22], $0x6FFFF;
	_ =	strace $0x9000004F  }
0xc8: {  	s29 =	simm.s32 $0x9;
	_ =	strace $0x80000051  }
0xc9: {  	_ =	swait.ge [sflag:s29], $0x1  }
0xca: {  	[sflag:s29] =	ssyncadd.s32 $0xFFFFFFFF  }
0xcb: {  	_ =	strace $0x90000051  }
0xcc: {  	_ =	sfence  }
0xcd: {  	s30 =	sld [smem:$0x0];
	_ =	sdelay $0x2  }
0xce: {  	s31 =	sshll.u32 s1, $0xD;
	s1 =	sshrl.u32 s1, $0x2  }
0xcf: {  	s4 =	sand.u32 $0x4000, s31;
	s1 =	sadd.s32 s1, s30  }
0xd0: {  	s0 =	sor.u32 s4, s0;
	s1 =	sshll.u32 s1, $0x11  }
0xd1: {  	s0 =	sor.u32 s1, s0  }
0xd2: {  	s0 =	sadd.s32 $0x8F2B, s0  }
0xd3: {  	[sflag:s0] =	ssyncadd.remote.s32 $0x1  }
0xd4: {  	_ =	sfence.sel $0xFFFF  }
0xd5: {  	[dreg:$0x0] =	wrdreg $0xFFFFFFFF;
	(pc) =	sbr.abs _section_cstart, $3  }
0xd6: {  	[dreg:$0x1] =	wrdreg $0xFFFFFFFF  }
0xd7: {  	_ =	task.clear_ibuf [dreg:s22], $0x2FFFF;
	_ =	strace $0x9FFFFFFF  }
0xd8: {  	(tm) =	ssettm $0x7FFFFFFF  }
0xd9: {  	_ =	shalt  }
tec
execute0_lowered:
.L_overlay_start_1:
0x0: {  	(tag) =	ssettag $0x1  }
0x1: {  	s3 =	rddreg [dreg:$0x0]  }
0x2: {  	s4 =	rddreg [dreg:$0x1]  }
0x3: {  	s5 =	rddreg [dreg:$0x2]  }
0x4: {  	s0 =	rddreg [dreg:$0x3];
	s6 =	srdreg.scid  }
0x5: {  	s1 =	stileid.u32;
	s2 =	simm.s32 $0x0;
	s9 =	simm.s32 $0x9000  }
0x6: {  	s10 =	simm.s32 $0x0;
	s6 =	sand.u32 $0x1, s6;
	s7 =	sshll.u32 s1, $0x1  }
0x7: {  	[smem:$0x7FF] =	sst s2;
	s7 =	sor.u32 s6, s7;
	s6 =	ssub.s32 $0x2, s6  }
0x8: {  	_ =	strace $0x80000050;
	s8 =	sshll.u32 s7, $0xC;
	s31 =	sshrl.u32 s6, $0x1  }
0x9: {  	s7 =	sshll.u32 s7, $0x9;
	s3 =	sadd.s32 s8, s3;
	s6 =	ssub.s32 s6, s31  }
0xa: {  	v0 =	vlaneseq.u32;
	vm0 =	vmmov $0xff;
	s4 =	sadd.s32 s4, s7;
	s5 =	sadd.s32 s5, s7;
	s7 =	simm.s32 $0x1  }
0xb: {  	v1 =	vor.u32 $0x10, v0;
	v2 =	vor.u32 $0x20, v0;
	v3 =	vor.u32 $0x30, v0;
	s8 =	simm.s32 $0x8000;
	s3 =	sadd.s32 $0x7B200, s3;
	s6 =	smax.u32 s6, $0x1  }
.LBB2_1:
0xc: {  	[tilespmem:s2], [sflag:$0x1] =	stream.linear.gather [hbm4b:s3+s2], $0x8000, $0x38;
	[tilespmem:$0xA000] =	vst v63  }
0xd: {  	_ =	swait.ge [sflag:s7], $0x8000  }
0xe: {  	s11 =	simm.s32 $0xFFFFFFFC;
	s12 =	simm.s32 $0x8020;
	[sflag:s7] =	ssyncset.done $0x0  }
0xf: {  	s13 =	simm.s32 $0x9020;
	s14 =	simm.s32 $0x100;
	[sflag:s7] =	ssyncadd.s32 $0xFFFF8000  }
.LBB2_2:
0x10: {  	v4 =	vld [tilespmem:s14+$0xFFFFFF00]  }
0x11: {  	v5 =	vld [tilespmem:s14+$0xFFFFFF10]  }
0x12: {  	v6 =	vld [tilespmem:s14+$0xFFFFFF20]  }
0x13: {  	v7 =	vld [tilespmem:s14+$0xFFFFFF30];
	_ =	sdelay $0x1  }
0x14: {  	(xrf1) =	vsort.dscd.msk.f32 $0xffff, v4, v0  }
0x15: {  	(xrf1) =	vsort.ascd.msk.f32 $0xffff, v5, v1  }
0x16: {  	(xrf1) =	vsort.dscd.msk.f32 $0xffff, v6, v2  }
0x17: {  	(xrf1) =	vsort.ascd.msk.f32 $0xffff, v7, v3;
	_ =	sdelay $0xa  }
0x18: {  	v4, v5, _ =	vpop (xrf1)  }
0x19: {  	v26, v27, _ =	vpop (xrf1)  }
0x1a: {  	v8, v9, _ =	vpop (xrf1)  }
0x1b: {  	vm1 =	vge.f32 v4, v26;
	v10, v11, _ =	vpop (xrf1)  }
0x1c: {  	v4 =	vsel vm1, v4, v26;
	v5 =	vsel vm1, v5, v27;
	vm1 =	vge.f32 v8, v10  }
0x1d: {  	(xrf1) =	vsort.dscd.msk.f32 $0xffff, v4, v5;
	v4 =	vsel vm1, v8, v10;
	v5 =	vsel vm1, v9, v11  }
0x1e: {  	(xrf1) =	vsort.ascd.msk.f32 $0xffff, v4, v5;
	_ =	sdelay $0xc  }
0x1f: {  	v4, v5, _ =	vpop (xrf1)  }
0x20: {  	v28, v29, _ =	vpop (xrf1)  }
0x21: {  	vm1 =	vge.f32 v4, v28  }
0x22: {  	v4 =	vsel vm1, v4, v28;
	v5 =	vsel vm1, v5, v29  }
0x23: {  	(xrf1) =	vsort.dscd.msk.f32 $0xffff, v4, v5;
	_ =	sdelay $0xd  }
0x24: {  	v4, v5, _ =	vpop (xrf1)  }
0x25: {  	v4 =	vmul.f32 $1.442695020e+00, v4;
	_ =	sdelay $0x1  }
0x26: {  	(erf) = vpow2.f32 v4;
	_ =	sdelay $0x8  }
0x27: {  	v4 =	vpop (erf)  }
0x28: {  	v4 =	vnsel vm0, $0x0, v4  }
0x29: {  	(xrf2) =	vadd.scan.msk.f32 $0xffff, v4;
	_ =	sdelay $0x9  }
0x2a: {  	v30, _, _ =	vpop (xrf2)  }
0x2b: {  	v6 =	vbroadcast v30, $0xF;
	_ =	sdelay $0x1  }
0x2c: {  	(erf) = vrcp.f32 v6;
	_ =	sdelay $0x8  }
0x2d: {  	v6 =	vpop (erf)  }
0x2e: {  	v4 =	vmul.f32 v6, v4;
	_ =	sdelay $0x1  }
0x2f: {  	[tilespmem:s12+$0xFFFFFFE0] =	vst v4  }
0x30: {  	[tilespmem:s13+$0xFFFFFFE0] =	vst v5  }
0x31: {  	v4 =	vld [tilespmem:s14+$0xFFFFFF80]  }
0x32: {  	v5 =	vld [tilespmem:s14+$0xFFFFFF90]  }
0x33: {  	v31 =	vld [tilespmem:s14+$0xFFFFFFA0]  }
0x34: {  	v32 =	vld [tilespmem:s14+$0xFFFFFFB0];
	_ =	sdelay $0x1  }
0x35: {  	(xrf1) =	vsort.dscd.msk.f32 $0xffff, v4, v0  }
0x36: {  	(xrf1) =	vsort.ascd.msk.f32 $0xffff, v5, v1  }
0x37: {  	(xrf1) =	vsort.dscd.msk.f32 $0xffff, v31, v2  }
0x38: {  	(xrf1) =	vsort.ascd.msk.f32 $0xffff, v32, v3;
	_ =	sdelay $0xa  }
0x39: {  	v4, v5, _ =	vpop (xrf1)  }
0x3a: {  	v33, v34, _ =	vpop (xrf1)  }
0x3b: {  	v35, v36, _ =	vpop (xrf1)  }
0x3c: {  	vm1 =	vge.f32 v4, v33;
	v37, v38, _ =	vpop (xrf1)  }
0x3d: {  	v4 =	vsel vm1, v4, v33;
	v5 =	vsel vm1, v5, v34;
	vm1 =	vge.f32 v35, v37  }
0x3e: {  	(xrf1) =	vsort.dscd.msk.f32 $0xffff, v4, v5;
	v4 =	vsel vm1, v35, v37;
	v5 =	vsel vm1, v36, v38  }
0x3f: {  	(xrf1) =	vsort.ascd.msk.f32 $0xffff, v4, v5;
	_ =	sdelay $0xc  }
0x40: {  	v4, v5, _ =	vpop (xrf1)  }
0x41: {  	v39, v40, _ =	vpop (xrf1)  }
0x42: {  	vm1 =	vge.f32 v4, v39  }
0x43: {  	v4 =	vsel vm1, v4, v39;
	v5 =	vsel vm1, v5, v40  }
0x44: {  	(xrf1) =	vsort.dscd.msk.f32 $0xffff, v4, v5;
	_ =	sdelay $0xd  }
0x45: {  	v4, v5, _ =	vpop (xrf1)  }
0x46: {  	v4 =	vmul.f32 $1.442695020e+00, v4;
	_ =	sdelay $0x1  }
0x47: {  	(erf) = vpow2.f32 v4;
	_ =	sdelay $0x8  }
0x48: {  	v4 =	vpop (erf)  }
0x49: {  	v4 =	vnsel vm0, $0x0, v4  }
0x4a: {  	(xrf2) =	vadd.scan.msk.f32 $0xffff, v4;
	_ =	sdelay $0x9  }
0x4b: {  	v41, _, _ =	vpop (xrf2)  }
0x4c: {  	v6 =	vbroadcast v41, $0xF;
	_ =	sdelay $0x1  }
0x4d: {  	(erf) = vrcp.f32 v6;
	_ =	sdelay $0x8  }
0x4e: {  	v6 =	vpop (erf)  }
0x4f: {  	v4 =	vmul.f32 v6, v4;
	_ =	sdelay $0x1  }
0x50: {  	[tilespmem:s12+$0xFFFFFFF0] =	vst v4  }
0x51: {  	[tilespmem:s13+$0xFFFFFFF0] =	vst v5  }
0x52: {  	v4 =	vld [tilespmem:s14+$0x0]  }
0x53: {  	v5 =	vld [tilespmem:s14+$0x10]  }
0x54: {  	v42 =	vld [tilespmem:s14+$0x20]  }
0x55: {  	v43 =	vld [tilespmem:s14+$0x30];
	_ =	sdelay $0x1  }
0x56: {  	(xrf1) =	vsort.dscd.msk.f32 $0xffff, v4, v0  }
0x57: {  	(xrf1) =	vsort.ascd.msk.f32 $0xffff, v5, v1  }
0x58: {  	(xrf1) =	vsort.dscd.msk.f32 $0xffff, v42, v2  }
0x59: {  	(xrf1) =	vsort.ascd.msk.f32 $0xffff, v43, v3;
	_ =	sdelay $0xa  }
0x5a: {  	v4, v5, _ =	vpop (xrf1)  }
0x5b: {  	v44, v45, _ =	vpop (xrf1)  }
0x5c: {  	v46, v47, _ =	vpop (xrf1)  }
0x5d: {  	vm1 =	vge.f32 v4, v44;
	v48, v49, _ =	vpop (xrf1)  }
0x5e: {  	v4 =	vsel vm1, v4, v44;
	v5 =	vsel vm1, v5, v45;
	vm1 =	vge.f32 v46, v48  }
0x5f: {  	(xrf1) =	vsort.dscd.msk.f32 $0xffff, v4, v5;
	v4 =	vsel vm1, v46, v48;
	v5 =	vsel vm1, v47, v49  }
0x60: {  	(xrf1) =	vsort.ascd.msk.f32 $0xffff, v4, v5;
	_ =	sdelay $0xc  }
0x61: {  	v4, v5, _ =	vpop (xrf1)  }
0x62: {  	v50, v51, _ =	vpop (xrf1)  }
0x63: {  	vm1 =	vge.f32 v4, v50  }
0x64: {  	v4 =	vsel vm1, v4, v50;
	v5 =	vsel vm1, v5, v51  }
0x65: {  	(xrf1) =	vsort.dscd.msk.f32 $0xffff, v4, v5;
	_ =	sdelay $0xd  }
0x66: {  	v4, v5, _ =	vpop (xrf1)  }
0x67: {  	v4 =	vmul.f32 $1.442695020e+00, v4;
	_ =	sdelay $0x1  }
0x68: {  	(erf) = vpow2.f32 v4;
	_ =	sdelay $0x8  }
0x69: {  	v4 =	vpop (erf)  }
0x6a: {  	v4 =	vnsel vm0, $0x0, v4  }
0x6b: {  	(xrf2) =	vadd.scan.msk.f32 $0xffff, v4;
	_ =	sdelay $0x9  }
0x6c: {  	v52, _, _ =	vpop (xrf2)  }
0x6d: {  	v6 =	vbroadcast v52, $0xF;
	_ =	sdelay $0x1  }
0x6e: {  	(erf) = vrcp.f32 v6;
	_ =	sdelay $0x8  }
0x6f: {  	v6 =	vpop (erf)  }
0x70: {  	v4 =	vmul.f32 v6, v4;
	_ =	sdelay $0x1  }
0x71: {  	[tilespmem:s12+$0x0] =	vst v4  }
0x72: {  	[tilespmem:s13+$0x0] =	vst v5  }
0x73: {  	v4 =	vld [tilespmem:s14+$0x80]  }
0x74: {  	v5 =	vld [tilespmem:s14+$0x90]  }
0x75: {  	v53 =	vld [tilespmem:s14+$0xA0]  }
0x76: {  	v54 =	vld [tilespmem:s14+$0xB0];
	_ =	sdelay $0x1  }
0x77: {  	(xrf1) =	vsort.dscd.msk.f32 $0xffff, v4, v0  }
0x78: {  	(xrf1) =	vsort.ascd.msk.f32 $0xffff, v5, v1  }
0x79: {  	(xrf1) =	vsort.dscd.msk.f32 $0xffff, v53, v2  }
0x7a: {  	(xrf1) =	vsort.ascd.msk.f32 $0xffff, v54, v3;
	_ =	sdelay $0xa  }
0x7b: {  	v4, v5, _ =	vpop (xrf1)  }
0x7c: {  	v55, v56, _ =	vpop (xrf1)  }
0x7d: {  	v57, v58, _ =	vpop (xrf1)  }
0x7e: {  	vm1 =	vge.f32 v4, v55;
	v59, v60, _ =	vpop (xrf1)  }
0x7f: {  	v4 =	vsel vm1, v4, v55;
	v5 =	vsel vm1, v5, v56;
	vm1 =	vge.f32 v57, v59  }
0x80: {  	(xrf1) =	vsort.dscd.msk.f32 $0xffff, v4, v5;
	v4 =	vsel vm1, v57, v59;
	v5 =	vsel vm1, v58, v60  }
0x81: {  	(xrf1) =	vsort.ascd.msk.f32 $0xffff, v4, v5;
	_ =	sdelay $0xc  }
0x82: {  	v4, v5, _ =	vpop (xrf1)  }
0x83: {  	v61, v62, _ =	vpop (xrf1)  }
0x84: {  	vm1 =	vge.f32 v4, v61  }
0x85: {  	v4 =	vsel vm1, v4, v61;
	v5 =	vsel vm1, v5, v62  }
0x86: {  	(xrf1) =	vsort.dscd.msk.f32 $0xffff, v4, v5;
	_ =	sdelay $0xd  }
0x87: {  	v4, v5, _ =	vpop (xrf1)  }
0x88: {  	v4 =	vmul.f32 $1.442695020e+00, v4;
	_ =	sdelay $0x1  }
0x89: {  	(erf) = vpow2.f32 v4;
	_ =	sdelay $0x8  }
0x8a: {  	v4 =	vpop (erf)  }
0x8b: {  	v4 =	vnsel vm0, $0x0, v4  }
0x8c: {  	(xrf2) =	vadd.scan.msk.f32 $0xffff, v4;
	_ =	sdelay $0x9  }
0x8d: {  	v63, _, _ =	vpop (xrf2)  }
0x8e: {  	v6 =	vbroadcast v63, $0xF;
	_ =	sdelay $0x1  }
0x8f: {  	(erf) = vrcp.f32 v6;
	_ =	sdelay $0x6  }
0x90: {  	s11 =	sadd.s32 $0x4, s11  }
0x91: {  	p0 =	slt.u32 s11, $0xFC  }
.Ltmp0:
0x92: {  	v6 =	vpop (erf);
	(pc) =	sbr.rel @p0 .LBB2_2-.Ltmp0, $3  }
0x93: {  	v4 =	vmul.f32 v6, v4;
	_ =	sdelay $0x1  }
0x94: {  	[tilespmem:s12+$0x10] =	vst v4  }
0x95: {  	s14 =	sadd.s32 $0x200, s14;
	s12 =	sadd.s32 $0x40, s12;
	[tilespmem:s13+$0x10] =	vst v5;
	s13 =	sadd.s32 $0x40, s13  }
0x96: {  	[hbm4b:s4+s2] =	stream.linear.scatter [tilespmem:s8], [sflag:$0x1], $0x1000, $0x38;
	[tilespmem:$0xA000] =	vst v63  }
0x97: {  	s10 =	sadd.s32 $0x1, s10;
	_ =	swait.ge [sflag:s7], $0x1000  }
0x98: {  	p0 =	sne.s32 s10, s6;
	[sflag:s7] =	ssyncset.done $0x0  }
.Ltmp1:
0x99: {  	[sflag:s7] =	ssyncadd.s32 $0xFFFFF000;
	(pc) =	sbr.rel @p0 .LBB2_1-.Ltmp1, $4  }
0x9a: {  	[hbm4b:s5+s2] =	stream.linear.scatter [tilespmem:s9], [sflag:$0x1], $0x1000, $0x38;
	[tilespmem:$0xA000] =	vst v63  }
0x9b: {  	_ =	swait.ge [sflag:s7], $0x1000  }
0x9c: {  	[sflag:s7] =	ssyncset.done $0x0  }
0x9d: {  	[sflag:s7] =	ssyncadd.s32 $0xFFFFF000  }
0x9e: {  	_ =	sfence.sel $0x180000  }
0x9f: {  	[bflag:$0x0] =	sbarrier.arrive $0xFFFF  }
0xa0: {  	p0 =	sne.s32 s1, $0x0;
	_ =	strace $0x90000050  }
0xa1: {  	s0 =	sadd.s32 @!p0 $0x100000, s0;
	[bflag:$0x2] =	sbarrier.arrive $0xFFFF  }
0xa2: {  	[sflag:s0] =	ssyncadd.tile.s32 @!p0 $0x1;
	_ =	shalt  }
.Lfunc_end2:
_tile_overlayer_lowered:
.L_overlay_start_2:
0xa3: {  	(tag) =	ssettag $0x2  }
0xa4: {  	s0 =	rddreg [dreg:$0x0];
	s2 =	stileid.u32  }
0xa5: {  	s1 =	rddreg [dreg:$0x1];
	p0 =	sne.s32 s2, $0x0  }
0xa6: {  	s3 =	rddreg [dreg:$0x2];
	[bflag:$0x3] =	sbarrier.arrive $0xFFFF;
	s2 =	simm.s32 @!p0 $0x1C01  }
0xa7: {  	[timem:s3], [sflag:s2] =	dma.local @!p0 [hbm:s0], s1  }
0xa8: {  	s0 =	simm.s32 @!p0 $0x1  }
0xa9: {  	_ =	swait.ge @!p0 [sflag:s0], s1  }
0xaa: {  	s1 =	ssub.s32 @!p0 $0x0, s1;
	[sflag:s0] =	ssyncset.done @!p0 $0x0  }
0xab: {  	[sflag:s0] =	ssyncadd.s32 @!p0 s1  }
0xac: {  	[bflag:$0x3] =	sbarrier.arrive $0xFFFF  }
0xad: {  	_ =	shalt  }

// kernel: kernel.13.cloned.1.call-start
scs
__scs_entry_jumppad:
0x0: {  	(pc) =	sbr.rel $0x88, $3  }
0x1: {  	(tag) =	ssettag $0x0;
	lr =	simm.s32 $0x1  }
0x2: {  	[smem:$0x3F9F] =	sst lr;
	_ =	strace $0xD0000000  }
0x3: {  	_ = 	snop  }
0x4: {  	_ = 	snop  }
0x5: {  	_ = 	snop  }
0x6: {  	_ = 	snop  }
0x7: {  	_ = 	snop  }
__scs_overlays_trampoline_lowered:
0x8: {  	[smem:$0x3FAE] =	sst s0  }
0x9: {  	[smem:$0x3FAF] =	sst s1  }
0xa: {  	[smem:$0x3FB0] =	sst s2  }
0xb: {  	[smem:$0x3FB1] =	sst s3  }
0xc: {  	[smem:$0x3FB2] =	sst s4  }
0xd: {  	[smem:$0x3FB3] =	sst s5  }
0xe: {  	[smem:$0x3FB4] =	sst s6  }
0xf: {  	[smem:$0x3FB5] =	sst s7  }
0x10: {  	[smem:$0x3FB6] =	sst s8  }
0x11: {  	[smem:$0x3FB7] =	sst s9;
	s0 =	simm.s32 @!p0 $0x0  }
0x12: {  	s1 =	sld [smem:$0x3F9D];
	s0 =	simm.s32 @p0 $0x1  }
0x13: {  	[smem:$0x3FB8] =	sst s0;
	s0 =	simm.s32 @!p1 $0x0  }
0x14: {  	s2 =	sld [smem:$0x3F9C];
	s0 =	simm.s32 @p1 $0x1  }
0x15: {  	[smem:$0x3FB9] =	sst s0;
	s0 =	simm.s32 @!p2 $0x0  }
0x16: {  	s3 =	sld [smem:$0x3FDB];
	s0 =	simm.s32 @p2 $0x1  }
0x17: {  	s4 =	simm.s32 $0x1BF5;
	[smem:$0x3FBB] =	sst s0  }
0x18: {  	s0 =	sld [smem:$0x3F9E];
	_ =	swait.ge [sflag:s4], $0x0  }
0x19: {  	s7 =	sld [smem:$0x3F9F]  }
0x1a: {  	s8 =	sadd.s32 $0xFFFFE003, lr  }
0x1b: {  	s9 =	sadd.s32 $0xFFFFFEF7, lr;
	s5 =	simm.s32 $0xFFFFFFFF;
	p2 =	slt.u32 s8, $0xFFFFF086  }
0x1c: {  	p1 =	slt.u32 s9, $0xF7A;
	s5 =	simm.s32 @!p2 $0x0  }
0x1d: {  	s5 =	simm.s32 @p1 $0x1;
	p0 =	seq.s32 s7, s2  }
0x1e: {  	s7 =	smul.u32 @!p0 $0xF7A, s2;
	p2 =	seq.s32 @!p0 s5, $0x0  }
0x1f: {  	s9 =	smul.u32 $0xF7A, s1;
	s8 =	simm.s32 @!p0 $0x1BF5;
	p2 =	por !p2, p0  }
0x20: {  	[sflag:s8] =	ssyncset.s32 @!p0 $0xFFFFF086;
	s6 =	sadd.s32 @!p0 s3, s7;
	s7 =	simm.s32 @!p0 $0x108  }
0x21: {  	s3 =	sadd.s32 s3, s9;
	s6 =	sadd.s32 @!p0 $0x88, s6;
	s7 =	simm.s32 @p2 $0x1082  }
0x22: {  	[simem:s7], [sflag:s8] =	dma.local @!p0 [hbm:s6], $0xF7A  }
0x23: {  	s9 =	sor.u32 $0xD0000000, s2;
	s6 =	simm.s32 $0x108;
	_ =	swait.ge @!p0 [sflag:s8], $0x0  }
0x24: {  	s3 =	sadd.s32 $0x88, s3;
	s6 =	simm.s32 @!p1 $0x1082;
	[sflag:s4] =	ssyncset.s32 $0xFFFFF086  }
0x25: {  	[simem:s6], [sflag:s4] =	dma.local [hbm:s3], $0xF7A  }
0x26: {  	[smem:$0x3F9F] =	sst s1;
	(tag) =	ssettag s2;
	_ =	strace s9  }
0x27: {  	s1 =	sld [smem:$0x3FAF]  }
0x28: {  	s2 =	sld [smem:$0x3FB0]  }
0x29: {  	s4 =	sld [smem:$0x3FB2]  }
0x2a: {  	p0 =	seq.s32 s5, $0x0;
	s5 =	sld [smem:$0x3FB3]  }
0x2b: {  	s6 =	sld [smem:$0x3FB4]  }
0x2c: {  	s7 =	sld [smem:$0x3FB5]  }
0x2d: {  	s3 =	simm.s32 $0x108;
	s8 =	sld [smem:$0x3FB6]  }
0x2e: {  	s3 =	simm.s32 @!p0 $0x1082;
	s9 =	sld [smem:$0x3FB7]  }
0x2f: {  	lr =	sadd.s32 s0, s3;
	s0 =	sld [smem:$0x3FAE]  }
0x30: {  	s3 =	sld [smem:$0x3FB1]  }
0x31: {  	[smem:$0x3FBA] =	sst s10  }
0x32: {  	s10 =	sld [smem:$0x3FB8];
	_ =	sdelay $0x3  }
0x33: {  	p0 =	seq.s32 s10, $0x1;
	s10 =	sld [smem:$0x3FBA];
	_ =	sdelay $0x3  }
0x34: {  	[smem:$0x3FBA] =	sst s10  }
0x35: {  	s10 =	sld [smem:$0x3FB9];
	_ =	sdelay $0x3  }
0x36: {  	p1 =	seq.s32 s10, $0x1;
	s10 =	sld [smem:$0x3FBA];
	_ =	sdelay $0x3  }
0x37: {  	[smem:$0x3FBA] =	sst s10  }
0x38: {  	s10 =	sld [smem:$0x3FBB]  }
0x39: {  	_ = 	snop;
	(pc) =	sbr.ind lr, $3  }
0x3a: {  	_ = 	snop  }
0x3b: {  	_ = 	snop  }
0x3c: {  	p2 =	seq.s32 s10, $0x1;
	s10 =	sld [smem:$0x3FBA]  }
0x3d: {  	_ =	shalt  }
0x3e: {  	_ =	shalt  }
0x3f: {  	_ =	shalt  }
0x40: {  	_ =	shalt  }
0x41: {  	_ =	shalt  }
0x42: {  	_ =	shalt  }
0x43: {  	_ =	shalt  }
0x44: {  	_ =	shalt  }
0x45: {  	_ =	shalt  }
0x46: {  	_ =	shalt  }
0x47: {  	_ =	shalt  }
0x48: {  	_ =	shalt  }
0x49: {  	_ =	shalt  }
0x4a: {  	_ =	shalt  }
0x4b: {  	_ =	shalt  }
0x4c: {  	_ =	shalt  }
0x4d: {  	_ =	shalt  }
0x4e: {  	_ =	shalt  }
0x4f: {  	_ =	shalt  }
0x50: {  	_ =	shalt  }
0x51: {  	_ =	shalt  }
0x52: {  	_ =	shalt  }
0x53: {  	_ =	shalt  }
0x54: {  	_ =	shalt  }
0x55: {  	_ =	shalt  }
0x56: {  	_ =	shalt  }
0x57: {  	_ =	shalt  }
0x58: {  	_ =	shalt  }
0x59: {  	_ =	shalt  }
0x5a: {  	_ =	shalt  }
0x5b: {  	_ =	shalt  }
0x5c: {  	_ =	shalt  }
0x5d: {  	_ =	shalt  }
0x5e: {  	_ =	shalt  }
0x5f: {  	_ =	shalt  }
0x60: {  	_ =	shalt  }
0x61: {  	_ =	shalt  }
0x62: {  	_ =	shalt  }
0x63: {  	_ =	shalt  }
0x64: {  	_ =	shalt  }
0x65: {  	_ =	shalt  }
0x66: {  	_ =	shalt  }
0x67: {  	_ =	shalt  }
0x68: {  	_ =	shalt  }
0x69: {  	_ =	shalt  }
0x6a: {  	_ =	shalt  }
0x6b: {  	_ =	shalt  }
0x6c: {  	_ =	shalt  }
0x6d: {  	_ =	shalt  }
0x6e: {  	_ =	shalt  }
0x6f: {  	_ =	shalt  }
0x70: {  	_ =	shalt  }
0x71: {  	_ =	shalt  }
0x72: {  	_ =	shalt  }
0x73: {  	_ =	shalt  }
0x74: {  	_ =	shalt  }
0x75: {  	_ =	shalt  }
0x76: {  	_ =	shalt  }
0x77: {  	_ =	shalt  }
0x78: {  	_ =	shalt  }
0x79: {  	_ =	shalt  }
0x7a: {  	_ =	shalt  }
0x7b: {  	_ =	shalt  }
0x7c: {  	_ =	shalt  }
0x7d: {  	_ =	shalt  }
0x7e: {  	_ =	shalt  }
0x7f: {  	_ =	shalt  }
0x80: {  	_ =	shalt  }
0x81: {  	_ =	shalt  }
0x82: {  	_ =	shalt  }
0x83: {  	_ =	shalt  }
0x84: {  	_ =	shalt  }
0x85: {  	_ =	shalt  }
0x86: {  	_ =	shalt  }
0x87: {  	_ =	shalt  }
.Lfunc_end0:
.L_simem_size_0:
called_computation.1_lowered:
.L_overlay_start_0:
0x88: {  	s2 =	sld [smem:$0x3FD9]  }
0x89: {  	s3 =	sld [smem:$0x3FFE];
	_ =	sdelay $0x1  }
0x8a: {  	s1 =	srdreg.scid  }
0x8b: {  	s0 =	sand.u32 $0x1, s1  }
0x8c: {  	s17 =	sshll.u32 s0, $0xA;
	s2 =	sadd.s32 s3, s2  }
0x8d: {  	s2 =	sadd.s32 s2, s17  }
0x8e: {  	[smem:$0x3FC6] =	sst s2  }
0x8f: {  	_ = 	snop  }
0x90: {  	(tm) =	ssettm $0x1  }
0x91: {  	s18 =	sld [smem:$0x3FFB];
	_ =	sdelay $0x3  }
0x92: {  	_ =	strace s18  }
0x93: {  	s2 =	sld [smem:$0x3FFC];
	_ =	sdelay $0x3  }
0x94: {  	_ =	strace s2  }
0x95: {  	s2 =	sld [smem:$0x3FFD];
	_ =	sdelay $0x3  }
0x96: {  	_ =	strace s2  }
0x97: {  	_ =	strace $0x8FFFFFFF  }
0x98: {  	s19 =	sld [smem:$0x3FDB];
	_ =	sdelay $0x1  }
0x99: {  	s20 =	simm.s32 $_scs_section_size  }
0x9a: {  	s4 =	simm.s32 $_size__tile_overlayer_lowered;
	s5 =	simm.s32 $_tile_overlayer_lowered  }
0x9b: {  	s6 =	simm.s32 $0x1BFF;
	s21 =	sshll.u32 s5, $0x1;
	s3 =	sadd.s32 s20, s19  }
0x9c: {  	s22 =	simm.s32 $0x0;
	s4 =	sshll.u32 s4, $0x1;
	s5 =	sadd.s32 s21, s3  }
0x9d: {  	[timem:s22], [sflag:s6] =	dma.local [hbm:s5], s4  }
0x9e: {  	_ =	swait.ge [sflag:s6], s4  }
0x9f: {  	s4 =	ssub.s32 $0x0, s4;
	[sflag:s6] =	ssyncset.done $0x0  }
0xa0: {  	[sflag:s6] =	ssyncadd.s32 s4;
	_ =	sdelay $0x1  }
0xa1: {  	s23 =	simm.s32 $0x1B8B  }
0xa2: {  	_ =	swait.ge [sflag:s23], $0x1  }
0xa3: {  	[sflag:s23] =	ssyncset.done $0x0  }
0xa4: {  	[sflag:s23] =	ssyncadd.s32 $0xFFFFFFFF  }
0xa5: {  	s4 =	sld [smem:$0x0]  }
0xa6: {  	s5 =	sand.u32 $0xFFFFFFFE, s1  }
0xa7: {  	p0 =	sne.s32 s1, s5  }
0xa8: {  	s5 =	sshll.u32 @p0 s5, $0xE  }
0xa9: {  	s5 =	sadd.s32 @p0 $0x11B8D, s5;
	s6 =	sshll.u32 @p0 s4, $0x11  }
0xaa: {  	s5 =	sor.u32 @p0 s6, s5  }
0xab: {  	[sflag:s5] =	ssyncadd.remote.s32 @p0 $0x1;
	_ =	sdelay $0x1  }
0xac: {  	s5 =	simm.s32 @p0 $0x1B8D  }
0xad: {  	_ =	swait.eq @p0 [sflag:s5], $0x1  }
0xae: {  	[sflag:s5] =	ssyncadd.s32 @p0 $0xFFFFFFFF  }
0xaf: {  	s6 =	sshll.u32 @!p0 s1, $0xE  }
0xb0: {  	s6 =	sor.u32 @!p0 $0x4000, s6;
	s5 =	simm.s32 @!p0 $0x1B8D  }
0xb1: {  	s4 =	sshll.u32 @!p0 s4, $0x11;
	s6 =	sadd.s32 @!p0 $0x11B8D, s6;
	_ =	swait.eq @!p0 [sflag:s5], $0x1  }
0xb2: {  	s4 =	sor.u32 @!p0 s4, s6;
	[sflag:s5] =	ssyncadd.s32 @!p0 $0xFFFFFFFF  }
0xb3: {  	s25 =	simm.s32 $0x1B8E;
	s24 =	sld [smem:$0x3FFE];
	[sflag:s4] =	ssyncadd.remote.s32 @!p0 $0x1  }
0xb4: {  	s26 =	simm.s32 $execute0_lowered;
	[smem:$0x3FD2] =	sst s25  }
0xb5: {  	s5 =	sshll.u32 s26, $0x1;
	_ =	strace $0x8000004C;
	[dreg:$0x1] =	wrdreg $0xFFFFFFFF  }
0xb6: {  	s28 =	simm.s32 $_size_execute0_lowered;
	s3 =	sadd.s32 s3, s5;
	[dreg:$0x0] =	wrdreg $0x0  }
0xb7: {  	s5 =	sshll.u32 s28, $0x1;
	[dreg:$0x2] =	wrdreg s3  }
0xb8: {  	[dreg:$0x3] =	wrdreg s5  }
0xb9: {  	[dreg:$0x4] =	wrdreg $0xC0  }
0xba: {  	_ =	task [dreg:s22], $0x5FFFF  }
0xbb: {  	[dreg:$0x1] =	wrdreg $0xFFFFFFFF  }
0xbc: {  	[dreg:$0x0] =	wrdreg $0x60  }
0xbd: {  	[dreg:$0x2] =	wrdreg s24  }
0xbe: {  	[dreg:$0x3] =	wrdreg $0xA  }
0xbf: {  	_ =	task.clear_ibuf [dreg:s22], $0x4FFFF;
	_ =	strace $0x9000004C  }
0xc0: {  	s29 =	simm.s32 $0xA;
	_ =	strace $0x8000004E  }
0xc1: {  	_ =	swait.ge [sflag:s29], $0x1  }
0xc2: {  	[sflag:s29] =	ssyncadd.s32 $0xFFFFFFFF  }
0xc3: {  	_ =	strace $0x9000004E  }
0xc4: {  	_ =	sfence  }
0xc5: {  	s30 =	sld [smem:$0x0];
	_ =	sdelay $0x2  }
0xc6: {  	s31 =	sshll.u32 s1, $0xD;
	s1 =	sshrl.u32 s1, $0x2  }
0xc7: {  	s4 =	sand.u32 $0x4000, s31;
	s1 =	sadd.s32 s1, s30  }
0xc8: {  	s0 =	sor.u32 s4, s0;
	s1 =	sshll.u32 s1, $0x11  }
0xc9: {  	s0 =	sor.u32 s1, s0  }
0xca: {  	s0 =	sadd.s32 $0x8F2B, s0  }
0xcb: {  	[sflag:s0] =	ssyncadd.remote.s32 $0x1  }
0xcc: {  	_ =	sfence.sel $0xFFFF  }
0xcd: {  	[dreg:$0x0] =	wrdreg $0xFFFFFFFF;
	(pc) =	sbr.abs _section_cstart, $3  }
0xce: {  	[dreg:$0x1] =	wrdreg $0xFFFFFFFF  }
0xcf: {  	_ =	task.clear_ibuf [dreg:s22], $0x2FFFF;
	_ =	strace $0x9FFFFFFF  }
0xd0: {  	(tm) =	ssettm $0x7FFFFFFF  }
0xd1: {  	_ =	shalt  }
tec
execute0_lowered:
.L_overlay_start_1:
0x0: {  	(tag) =	ssettag $0x1  }
0x1: {  	s3 =	rddreg [dreg:$0x0]  }
0x2: {  	s0 =	rddreg [dreg:$0x1];
	s2 =	simm.s32 $0x0;
	s4 =	srdreg.scid  }
0x3: {  	s1 =	stileid.u32;
	s8 =	simm.s32 $0x8000;
	s9 =	simm.s32 $0x9000  }
0x4: {  	[smem:$0x7FF] =	sst s2;
	s4 =	sand.u32 $0x1, s4;
	s5 =	sshll.u32 s1, $0x1  }
0x5: {  	s10 =	simm.s32 $0x0;
	_ =	strace $0x8000004D;
	s5 =	sor.u32 s4, s5  }
0x6: {  	s4 =	ssub.s32 $0x2, s4;
	s6 =	sshll.u32 s5, $0xC;
	s5 =	sshll.u32 s5, $0x9  }
0x7: {  	s31 =	sshrl.u32 s4, $0x1;
	s6 =	sadd.s32 s6, s3;
	s5 =	sadd.s32 s5, s3  }
0x8: {  	v0 =	vlaneseq.u32;
	vm0 =	vmmov $0xff;
	s7 =	ssub.s32 s4, s31;
	s3 =	sadd.s32 $0x53200, s6;
	s4 =	sadd.s32 $0x73200, s5  }
0x9: {  	v1 =	vor.u32 $0x10, v0;
	v2 =	vor.u32 $0x20, v0;
	v3 =	vor.u32 $0x30, v0;
	s5 =	sadd.s32 $0x77200, s5;
	s6 =	smax.u32 s7, $0x1;
	s7 =	simm.s32 $0x1  }
.LBB2_1:
0xa: {  	[tilespmem:s2], [sflag:$0x1] =	stream.linear.gather [hbm4b:s3+s2], $0x8000, $0x38;
	[tilespmem:$0xA000] =	vst v63  }
0xb: {  	_ =	swait.ge [sflag:s7], $0x8000  }
0xc: {  	s11 =	simm.s32 $0xFFFFFFFC;
	s12 =	simm.s32 $0x8020;
	[sflag:s7] =	ssyncset.done $0x0  }
0xd: {  	s13 =	simm.s32 $0x9020;
	s14 =	simm.s32 $0x100;
	[sflag:s7] =	ssyncadd.s32 $0xFFFF8000  }
.LBB2_2:
0xe: {  	v4 =	vld [tilespmem:s14+$0xFFFFFF00]  }
0xf: {  	v5 =	vld [tilespmem:s14+$0xFFFFFF10]  }
0x10: {  	v6 =	vld [tilespmem:s14+$0xFFFFFF20]  }
0x11: {  	v7 =	vld [tilespmem:s14+$0xFFFFFF30];
	_ =	sdelay $0x1  }
0x12: {  	(xrf1) =	vsort.dscd.msk.f32 $0xffff, v4, v0  }
0x13: {  	(xrf1) =	vsort.ascd.msk.f32 $0xffff, v5, v1  }
0x14: {  	(xrf1) =	vsort.dscd.msk.f32 $0xffff, v6, v2  }
0x15: {  	(xrf1) =	vsort.ascd.msk.f32 $0xffff, v7, v3;
	_ =	sdelay $0xa  }
0x16: {  	v4, v5, _ =	vpop (xrf1)  }
0x17: {  	v26, v27, _ =	vpop (xrf1)  }
0x18: {  	v8, v9, _ =	vpop (xrf1)  }
0x19: {  	vm1 =	vge.f32 v4, v26;
	v10, v11, _ =	vpop (xrf1)  }
0x1a: {  	v4 =	vsel vm1, v4, v26;
	v5 =	vsel vm1, v5, v27;
	vm1 =	vge.f32 v8, v10  }
0x1b: {  	(xrf1) =	vsort.dscd.msk.f32 $0xffff, v4, v5;
	v4 =	vsel vm1, v8, v10;
	v5 =	vsel vm1, v9, v11  }
0x1c: {  	(xrf1) =	vsort.ascd.msk.f32 $0xffff, v4, v5;
	_ =	sdelay $0xc  }
0x1d: {  	v4, v5, _ =	vpop (xrf1)  }
0x1e: {  	v28, v29, _ =	vpop (xrf1)  }
0x1f: {  	vm1 =	vge.f32 v4, v28  }
0x20: {  	v4 =	vsel vm1, v4, v28;
	v5 =	vsel vm1, v5, v29  }
0x21: {  	(xrf1) =	vsort.dscd.msk.f32 $0xffff, v4, v5;
	_ =	sdelay $0xd  }
0x22: {  	v4, v5, _ =	vpop (xrf1)  }
0x23: {  	v4 =	vmul.f32 $1.442695020e+00, v4;
	_ =	sdelay $0x1  }
0x24: {  	(erf) = vpow2.f32 v4;
	_ =	sdelay $0x8  }
0x25: {  	v4 =	vpop (erf)  }
0x26: {  	v4 =	vnsel vm0, $0x0, v4  }
0x27: {  	(xrf2) =	vadd.scan.msk.f32 $0xffff, v4;
	_ =	sdelay $0x9  }
0x28: {  	v30, _, _ =	vpop (xrf2)  }
0x29: {  	v6 =	vbroadcast v30, $0xF;
	_ =	sdelay $0x1  }
0x2a: {  	(erf) = vrcp.f32 v6;
	_ =	sdelay $0x8  }
0x2b: {  	v6 =	vpop (erf)  }
0x2c: {  	v4 =	vmul.f32 v6, v4;
	_ =	sdelay $0x1  }
0x2d: {  	[tilespmem:s12+$0xFFFFFFE0] =	vst v4  }
0x2e: {  	[tilespmem:s13+$0xFFFFFFE0] =	vst v5  }
0x2f: {  	v4 =	vld [tilespmem:s14+$0xFFFFFF80]  }
0x30: {  	v5 =	vld [tilespmem:s14+$0xFFFFFF90]  }
0x31: {  	v31 =	vld [tilespmem:s14+$0xFFFFFFA0]  }
0x32: {  	v32 =	vld [tilespmem:s14+$0xFFFFFFB0];
	_ =	sdelay $0x1  }
0x33: {  	(xrf1) =	vsort.dscd.msk.f32 $0xffff, v4, v0  }
0x34: {  	(xrf1) =	vsort.ascd.msk.f32 $0xffff, v5, v1  }
0x35: {  	(xrf1) =	vsort.dscd.msk.f32 $0xffff, v31, v2  }
0x36: {  	(xrf1) =	vsort.ascd.msk.f32 $0xffff, v32, v3;
	_ =	sdelay $0xa  }
0x37: {  	v4, v5, _ =	vpop (xrf1)  }
0x38: {  	v33, v34, _ =	vpop (xrf1)  }
0x39: {  	v35, v36, _ =	vpop (xrf1)  }
0x3a: {  	vm1 =	vge.f32 v4, v33;
	v37, v38, _ =	vpop (xrf1)  }
0x3b: {  	v4 =	vsel vm1, v4, v33;
	v5 =	vsel vm1, v5, v34;
	vm1 =	vge.f32 v35, v37  }
0x3c: {  	(xrf1) =	vsort.dscd.msk.f32 $0xffff, v4, v5;
	v4 =	vsel vm1, v35, v37;
	v5 =	vsel vm1, v36, v38  }
0x3d: {  	(xrf1) =	vsort.ascd.msk.f32 $0xffff, v4, v5;
	_ =	sdelay $0xc  }
0x3e: {  	v4, v5, _ =	vpop (xrf1)  }
0x3f: {  	v39, v40, _ =	vpop (xrf1)  }
0x40: {  	vm1 =	vge.f32 v4, v39  }
0x41: {  	v4 =	vsel vm1, v4, v39;
	v5 =	vsel vm1, v5, v40  }
0x42: {  	(xrf1) =	vsort.dscd.msk.f32 $0xffff, v4, v5;
	_ =	sdelay $0xd  }
0x43: {  	v4, v5, _ =	vpop (xrf1)  }
0x44: {  	v4 =	vmul.f32 $1.442695020e+00, v4;
	_ =	sdelay $0x1  }
0x45: {  	(erf) = vpow2.f32 v4;
	_ =	sdelay $0x8  }
0x46: {  	v4 =	vpop (erf)  }
0x47: {  	v4 =	vnsel vm0, $0x0, v4  }
0x48: {  	(xrf2) =	vadd.scan.msk.f32 $0xffff, v4;
	_ =	sdelay $0x9  }
0x49: {  	v41, _, _ =	vpop (xrf2)  }
0x4a: {  	v6 =	vbroadcast v41, $0xF;
	_ =	sdelay $0x1  }
0x4b: {  	(erf) = vrcp.f32 v6;
	_ =	sdelay $0x8  }
0x4c: {  	v6 =	vpop (erf)  }
0x4d: {  	v4 =	vmul.f32 v6, v4;
	_ =	sdelay $0x1  }
0x4e: {  	[tilespmem:s12+$0xFFFFFFF0] =	vst v4  }
0x4f: {  	[tilespmem:s13+$0xFFFFFFF0] =	vst v5  }
0x50: {  	v4 =	vld [tilespmem:s14+$0x0]  }
0x51: {  	v5 =	vld [tilespmem:s14+$0x10]  }
0x52: {  	v42 =	vld [tilespmem:s14+$0x20]  }
0x53: {  	v43 =	vld [tilespmem:s14+$0x30];
	_ =	sdelay $0x1  }
0x54: {  	(xrf1) =	vsort.dscd.msk.f32 $0xffff, v4, v0  }
0x55: {  	(xrf1) =	vsort.ascd.msk.f32 $0xffff, v5, v1  }
0x56: {  	(xrf1) =	vsort.dscd.msk.f32 $0xffff, v42, v2  }
0x57: {  	(xrf1) =	vsort.ascd.msk.f32 $0xffff, v43, v3;
	_ =	sdelay $0xa  }
0x58: {  	v4, v5, _ =	vpop (xrf1)  }
0x59: {  	v44, v45, _ =	vpop (xrf1)  }
0x5a: {  	v46, v47, _ =	vpop (xrf1)  }
0x5b: {  	vm1 =	vge.f32 v4, v44;
	v48, v49, _ =	vpop (xrf1)  }
0x5c: {  	v4 =	vsel vm1, v4, v44;
	v5 =	vsel vm1, v5, v45;
	vm1 =	vge.f32 v46, v48  }
0x5d: {  	(xrf1) =	vsort.dscd.msk.f32 $0xffff, v4, v5;
	v4 =	vsel vm1, v46, v48;
	v5 =	vsel vm1, v47, v49  }
0x5e: {  	(xrf1) =	vsort.ascd.msk.f32 $0xffff, v4, v5;
	_ =	sdelay $0xc  }
0x5f: {  	v4, v5, _ =	vpop (xrf1)  }
0x60: {  	v50, v51, _ =	vpop (xrf1)  }
0x61: {  	vm1 =	vge.f32 v4, v50  }
0x62: {  	v4 =	vsel vm1, v4, v50;
	v5 =	vsel vm1, v5, v51  }
0x63: {  	(xrf1) =	vsort.dscd.msk.f32 $0xffff, v4, v5;
	_ =	sdelay $0xd  }
0x64: {  	v4, v5, _ =	vpop (xrf1)  }
0x65: {  	v4 =	vmul.f32 $1.442695020e+00, v4;
	_ =	sdelay $0x1  }
0x66: {  	(erf) = vpow2.f32 v4;
	_ =	sdelay $0x8  }
0x67: {  	v4 =	vpop (erf)  }
0x68: {  	v4 =	vnsel vm0, $0x0, v4  }
0x69: {  	(xrf2) =	vadd.scan.msk.f32 $0xffff, v4;
	_ =	sdelay $0x9  }
0x6a: {  	v52, _, _ =	vpop (xrf2)  }
0x6b: {  	v6 =	vbroadcast v52, $0xF;
	_ =	sdelay $0x1  }
0x6c: {  	(erf) = vrcp.f32 v6;
	_ =	sdelay $0x8  }
0x6d: {  	v6 =	vpop (erf)  }
0x6e: {  	v4 =	vmul.f32 v6, v4;
	_ =	sdelay $0x1  }
0x6f: {  	[tilespmem:s12+$0x0] =	vst v4  }
0x70: {  	[tilespmem:s13+$0x0] =	vst v5  }
0x71: {  	v4 =	vld [tilespmem:s14+$0x80]  }
0x72: {  	v5 =	vld [tilespmem:s14+$0x90]  }
0x73: {  	v53 =	vld [tilespmem:s14+$0xA0]  }
0x74: {  	v54 =	vld [tilespmem:s14+$0xB0];
	_ =	sdelay $0x1  }
0x75: {  	(xrf1) =	vsort.dscd.msk.f32 $0xffff, v4, v0  }
0x76: {  	(xrf1) =	vsort.ascd.msk.f32 $0xffff, v5, v1  }
0x77: {  	(xrf1) =	vsort.dscd.msk.f32 $0xffff, v53, v2  }
0x78: {  	(xrf1) =	vsort.ascd.msk.f32 $0xffff, v54, v3;
	_ =	sdelay $0xa  }
0x79: {  	v4, v5, _ =	vpop (xrf1)  }
0x7a: {  	v55, v56, _ =	vpop (xrf1)  }
0x7b: {  	v57, v58, _ =	vpop (xrf1)  }
0x7c: {  	vm1 =	vge.f32 v4, v55;
	v59, v60, _ =	vpop (xrf1)  }
0x7d: {  	v4 =	vsel vm1, v4, v55;
	v5 =	vsel vm1, v5, v56;
	vm1 =	vge.f32 v57, v59  }
0x7e: {  	(xrf1) =	vsort.dscd.msk.f32 $0xffff, v4, v5;
	v4 =	vsel vm1, v57, v59;
	v5 =	vsel vm1, v58, v60  }
0x7f: {  	(xrf1) =	vsort.ascd.msk.f32 $0xffff, v4, v5;
	_ =	sdelay $0xc  }
0x80: {  	v4, v5, _ =	vpop (xrf1)  }
0x81: {  	v61, v62, _ =	vpop (xrf1)  }
0x82: {  	vm1 =	vge.f32 v4, v61  }
0x83: {  	v4 =	vsel vm1, v4, v61;
	v5 =	vsel vm1, v5, v62  }
0x84: {  	(xrf1) =	vsort.dscd.msk.f32 $0xffff, v4, v5;
	_ =	sdelay $0xd  }
0x85: {  	v4, v5, _ =	vpop (xrf1)  }
0x86: {  	v4 =	vmul.f32 $1.442695020e+00, v4;
	_ =	sdelay $0x1  }
0x87: {  	(erf) = vpow2.f32 v4;
	_ =	sdelay $0x8  }
0x88: {  	v4 =	vpop (erf)  }
0x89: {  	v4 =	vnsel vm0, $0x0, v4  }
0x8a: {  	(xrf2) =	vadd.scan.msk.f32 $0xffff, v4;
	_ =	sdelay $0x9  }
0x8b: {  	v63, _, _ =	vpop (xrf2)  }
0x8c: {  	v6 =	vbroadcast v63, $0xF;
	_ =	sdelay $0x1  }
0x8d: {  	(erf) = vrcp.f32 v6;
	_ =	sdelay $0x6  }
0x8e: {  	s11 =	sadd.s32 $0x4, s11  }
0x8f: {  	p0 =	slt.u32 s11, $0xFC  }
.Ltmp0:
0x90: {  	v6 =	vpop (erf);
	(pc) =	sbr.rel @p0 .LBB2_2-.Ltmp0, $3  }
0x91: {  	v4 =	vmul.f32 v6, v4;
	_ =	sdelay $0x1  }
0x92: {  	[tilespmem:s12+$0x10] =	vst v4  }
0x93: {  	s14 =	sadd.s32 $0x200, s14;
	s12 =	sadd.s32 $0x40, s12;
	[tilespmem:s13+$0x10] =	vst v5;
	s13 =	sadd.s32 $0x40, s13  }
0x94: {  	[hbm4b:s4+s2] =	stream.linear.scatter [tilespmem:s8], [sflag:$0x1], $0x1000, $0x38;
	[tilespmem:$0xA000] =	vst v63  }
0x95: {  	s10 =	sadd.s32 $0x1, s10;
	_ =	swait.ge [sflag:s7], $0x1000  }
0x96: {  	p0 =	sne.s32 s10, s6;
	[sflag:s7] =	ssyncset.done $0x0  }
.Ltmp1:
0x97: {  	[sflag:s7] =	ssyncadd.s32 $0xFFFFF000;
	(pc) =	sbr.rel @p0 .LBB2_1-.Ltmp1, $4  }
0x98: {  	[hbm4b:s5+s2] =	stream.linear.scatter [tilespmem:s9], [sflag:$0x1], $0x1000, $0x38;
	[tilespmem:$0xA000] =	vst v63  }
0x99: {  	_ =	swait.ge [sflag:s7], $0x1000  }
0x9a: {  	[sflag:s7] =	ssyncset.done $0x0  }
0x9b: {  	[sflag:s7] =	ssyncadd.s32 $0xFFFFF000  }
0x9c: {  	_ =	sfence.sel $0x180000  }
0x9d: {  	[bflag:$0x0] =	sbarrier.arrive $0xFFFF  }
0x9e: {  	p0 =	sne.s32 s1, $0x0;
	_ =	strace $0x9000004D  }
0x9f: {  	s0 =	sadd.s32 @!p0 $0x100000, s0;
	[bflag:$0x2] =	sbarrier.arrive $0xFFFF  }
0xa0: {  	[sflag:s0] =	ssyncadd.tile.s32 @!p0 $0x1;
	_ =	shalt  }
.Lfunc_end2:
_tile_overlayer_lowered:
.L_overlay_start_2:
0xa1: {  	(tag) =	ssettag $0x2  }
0xa2: {  	s0 =	rddreg [dreg:$0x0];
	s2 =	stileid.u32  }
0xa3: {  	s1 =	rddreg [dreg:$0x1];
	p0 =	sne.s32 s2, $0x0  }
0xa4: {  	s3 =	rddreg [dreg:$0x2];
	[bflag:$0x3] =	sbarrier.arrive $0xFFFF;
	s2 =	simm.s32 @!p0 $0x1C01  }
0xa5: {  	[timem:s3], [sflag:s2] =	dma.local @!p0 [hbm:s0], s1  }
0xa6: {  	s0 =	simm.s32 @!p0 $0x1  }
0xa7: {  	_ =	swait.ge @!p0 [sflag:s0], s1  }
0xa8: {  	s1 =	ssub.s32 @!p0 $0x0, s1;
	[sflag:s0] =	ssyncset.done @!p0 $0x0  }
0xa9: {  	[sflag:s0] =	ssyncadd.s32 @!p0 s1  }
0xaa: {  	[bflag:$0x3] =	sbarrier.arrive $0xFFFF  }
0xab: {  	_ =	shalt  }

// kernel: kernel.16.cloned.1.call-start
scs
__scs_entry_jumppad:
0x0: {  	(pc) =	sbr.rel $0x88, $3  }
0x1: {  	(tag) =	ssettag $0x0;
	lr =	simm.s32 $0x1  }
0x2: {  	[smem:$0x3F9F] =	sst lr;
	_ =	strace $0xD0000000  }
0x3: {  	_ = 	snop  }
0x4: {  	_ = 	snop  }
0x5: {  	_ = 	snop  }
0x6: {  	_ = 	snop  }
0x7: {  	_ = 	snop  }
__scs_overlays_trampoline_lowered:
0x8: {  	[smem:$0x3FAE] =	sst s0  }
0x9: {  	[smem:$0x3FAF] =	sst s1  }
0xa: {  	[smem:$0x3FB0] =	sst s2  }
0xb: {  	[smem:$0x3FB1] =	sst s3  }
0xc: {  	[smem:$0x3FB2] =	sst s4  }
0xd: {  	[smem:$0x3FB3] =	sst s5  }
0xe: {  	[smem:$0x3FB4] =	sst s6  }
0xf: {  	[smem:$0x3FB5] =	sst s7  }
0x10: {  	[smem:$0x3FB6] =	sst s8  }
0x11: {  	[smem:$0x3FB7] =	sst s9;
	s0 =	simm.s32 @!p0 $0x0  }
0x12: {  	s1 =	sld [smem:$0x3F9D];
	s0 =	simm.s32 @p0 $0x1  }
0x13: {  	[smem:$0x3FB8] =	sst s0;
	s0 =	simm.s32 @!p1 $0x0  }
0x14: {  	s2 =	sld [smem:$0x3F9C];
	s0 =	simm.s32 @p1 $0x1  }
0x15: {  	[smem:$0x3FB9] =	sst s0;
	s0 =	simm.s32 @!p2 $0x0  }
0x16: {  	s3 =	sld [smem:$0x3FDB];
	s0 =	simm.s32 @p2 $0x1  }
0x17: {  	s4 =	simm.s32 $0x1BF5;
	[smem:$0x3FBB] =	sst s0  }
0x18: {  	s0 =	sld [smem:$0x3F9E];
	_ =	swait.ge [sflag:s4], $0x0  }
0x19: {  	s7 =	sld [smem:$0x3F9F]  }
0x1a: {  	s8 =	sadd.s32 $0xFFFFE003, lr  }
0x1b: {  	s9 =	sadd.s32 $0xFFFFFEF7, lr;
	s5 =	simm.s32 $0xFFFFFFFF;
	p2 =	slt.u32 s8, $0xFFFFF086  }
0x1c: {  	p1 =	slt.u32 s9, $0xF7A;
	s5 =	simm.s32 @!p2 $0x0  }
0x1d: {  	s5 =	simm.s32 @p1 $0x1;
	p0 =	seq.s32 s7, s2  }
0x1e: {  	s7 =	smul.u32 @!p0 $0xF7A, s2;
	p2 =	seq.s32 @!p0 s5, $0x0  }
0x1f: {  	s9 =	smul.u32 $0xF7A, s1;
	s8 =	simm.s32 @!p0 $0x1BF5;
	p2 =	por !p2, p0  }
0x20: {  	[sflag:s8] =	ssyncset.s32 @!p0 $0xFFFFF086;
	s6 =	sadd.s32 @!p0 s3, s7;
	s7 =	simm.s32 @!p0 $0x108  }
0x21: {  	s3 =	sadd.s32 s3, s9;
	s6 =	sadd.s32 @!p0 $0x88, s6;
	s7 =	simm.s32 @p2 $0x1082  }
0x22: {  	[simem:s7], [sflag:s8] =	dma.local @!p0 [hbm:s6], $0xF7A  }
0x23: {  	s9 =	sor.u32 $0xD0000000, s2;
	s6 =	simm.s32 $0x108;
	_ =	swait.ge @!p0 [sflag:s8], $0x0  }
0x24: {  	s3 =	sadd.s32 $0x88, s3;
	s6 =	simm.s32 @!p1 $0x1082;
	[sflag:s4] =	ssyncset.s32 $0xFFFFF086  }
0x25: {  	[simem:s6], [sflag:s4] =	dma.local [hbm:s3], $0xF7A  }
0x26: {  	[smem:$0x3F9F] =	sst s1;
	(tag) =	ssettag s2;
	_ =	strace s9  }
0x27: {  	s1 =	sld [smem:$0x3FAF]  }
0x28: {  	s2 =	sld [smem:$0x3FB0]  }
0x29: {  	s4 =	sld [smem:$0x3FB2]  }
0x2a: {  	p0 =	seq.s32 s5, $0x0;
	s5 =	sld [smem:$0x3FB3]  }
0x2b: {  	s6 =	sld [smem:$0x3FB4]  }
0x2c: {  	s7 =	sld [smem:$0x3FB5]  }
0x2d: {  	s3 =	simm.s32 $0x108;
	s8 =	sld [smem:$0x3FB6]  }
0x2e: {  	s3 =	simm.s32 @!p0 $0x1082;
	s9 =	sld [smem:$0x3FB7]  }
0x2f: {  	lr =	sadd.s32 s0, s3;
	s0 =	sld [smem:$0x3FAE]  }
0x30: {  	s3 =	sld [smem:$0x3FB1]  }
0x31: {  	[smem:$0x3FBA] =	sst s10  }
0x32: {  	s10 =	sld [smem:$0x3FB8];
	_ =	sdelay $0x3  }
0x33: {  	p0 =	seq.s32 s10, $0x1;
	s10 =	sld [smem:$0x3FBA];
	_ =	sdelay $0x3  }
0x34: {  	[smem:$0x3FBA] =	sst s10  }
0x35: {  	s10 =	sld [smem:$0x3FB9];
	_ =	sdelay $0x3  }
0x36: {  	p1 =	seq.s32 s10, $0x1;
	s10 =	sld [smem:$0x3FBA];
	_ =	sdelay $0x3  }
0x37: {  	[smem:$0x3FBA] =	sst s10  }
0x38: {  	s10 =	sld [smem:$0x3FBB]  }
0x39: {  	_ = 	snop;
	(pc) =	sbr.ind lr, $3  }
0x3a: {  	_ = 	snop  }
0x3b: {  	_ = 	snop  }
0x3c: {  	p2 =	seq.s32 s10, $0x1;
	s10 =	sld [smem:$0x3FBA]  }
0x3d: {  	_ =	shalt  }
0x3e: {  	_ =	shalt  }
0x3f: {  	_ =	shalt  }
0x40: {  	_ =	shalt  }
0x41: {  	_ =	shalt  }
0x42: {  	_ =	shalt  }
0x43: {  	_ =	shalt  }
0x44: {  	_ =	shalt  }
0x45: {  	_ =	shalt  }
0x46: {  	_ =	shalt  }
0x47: {  	_ =	shalt  }
0x48: {  	_ =	shalt  }
0x49: {  	_ =	shalt  }
0x4a: {  	_ =	shalt  }
0x4b: {  	_ =	shalt  }
0x4c: {  	_ =	shalt  }
0x4d: {  	_ =	shalt  }
0x4e: {  	_ =	shalt  }
0x4f: {  	_ =	shalt  }
0x50: {  	_ =	shalt  }
0x51: {  	_ =	shalt  }
0x52: {  	_ =	shalt  }
0x53: {  	_ =	shalt  }
0x54: {  	_ =	shalt  }
0x55: {  	_ =	shalt  }
0x56: {  	_ =	shalt  }
0x57: {  	_ =	shalt  }
0x58: {  	_ =	shalt  }
0x59: {  	_ =	shalt  }
0x5a: {  	_ =	shalt  }
0x5b: {  	_ =	shalt  }
0x5c: {  	_ =	shalt  }
0x5d: {  	_ =	shalt  }
0x5e: {  	_ =	shalt  }
0x5f: {  	_ =	shalt  }
0x60: {  	_ =	shalt  }
0x61: {  	_ =	shalt  }
0x62: {  	_ =	shalt  }
0x63: {  	_ =	shalt  }
0x64: {  	_ =	shalt  }
0x65: {  	_ =	shalt  }
0x66: {  	_ =	shalt  }
0x67: {  	_ =	shalt  }
0x68: {  	_ =	shalt  }
0x69: {  	_ =	shalt  }
0x6a: {  	_ =	shalt  }
0x6b: {  	_ =	shalt  }
0x6c: {  	_ =	shalt  }
0x6d: {  	_ =	shalt  }
0x6e: {  	_ =	shalt  }
0x6f: {  	_ =	shalt  }
0x70: {  	_ =	shalt  }
0x71: {  	_ =	shalt  }
0x72: {  	_ =	shalt  }
0x73: {  	_ =	shalt  }
0x74: {  	_ =	shalt  }
0x75: {  	_ =	shalt  }
0x76: {  	_ =	shalt  }
0x77: {  	_ =	shalt  }
0x78: {  	_ =	shalt  }
0x79: {  	_ =	shalt  }
0x7a: {  	_ =	shalt  }
0x7b: {  	_ =	shalt  }
0x7c: {  	_ =	shalt  }
0x7d: {  	_ =	shalt  }
0x7e: {  	_ =	shalt  }
0x7f: {  	_ =	shalt  }
0x80: {  	_ =	shalt  }
0x81: {  	_ =	shalt  }
0x82: {  	_ =	shalt  }
0x83: {  	_ =	shalt  }
0x84: {  	_ =	shalt  }
0x85: {  	_ =	shalt  }
0x86: {  	_ =	shalt  }
0x87: {  	_ =	shalt  }
.Lfunc_end0:
.L_simem_size_0:
called_computation.2_lowered:
.L_overlay_start_0:
0x88: {  	s2 =	sld [smem:$0x3FD9]  }
0x89: {  	s3 =	sld [smem:$0x3FFE];
	_ =	sdelay $0x1  }
0x8a: {  	s1 =	srdreg.scid  }
0x8b: {  	s0 =	sand.u32 $0x1, s1  }
0x8c: {  	s17 =	sshll.u32 s0, $0xA;
	s2 =	sadd.s32 s3, s2  }
0x8d: {  	s2 =	sadd.s32 s2, s17  }
0x8e: {  	[smem:$0x3FC6] =	sst s2  }
0x8f: {  	_ = 	snop  }
0x90: {  	(tm) =	ssettm $0x1  }
0x91: {  	s18 =	sld [smem:$0x3FFB];
	_ =	sdelay $0x3  }
0x92: {  	_ =	strace s18  }
0x93: {  	s2 =	sld [smem:$0x3FFC];
	_ =	sdelay $0x3  }
0x94: {  	_ =	strace s2  }
0x95: {  	s2 =	sld [smem:$0x3FFD];
	_ =	sdelay $0x3  }
0x96: {  	_ =	strace s2  }
0x97: {  	_ =	strace $0x8FFFFFFF  }
0x98: {  	s19 =	sld [smem:$0x3FDB];
	_ =	sdelay $0x1  }
0x99: {  	s20 =	simm.s32 $_scs_section_size  }
0x9a: {  	s4 =	simm.s32 $_size__tile_overlayer_lowered;
	s5 =	simm.s32 $_tile_overlayer_lowered  }
0x9b: {  	s6 =	simm.s32 $0x1BFF;
	s21 =	sshll.u32 s5, $0x1;
	s3 =	sadd.s32 s20, s19  }
0x9c: {  	s22 =	simm.s32 $0x0;
	s4 =	sshll.u32 s4, $0x1;
	s5 =	sadd.s32 s21, s3  }
0x9d: {  	[timem:s22], [sflag:s6] =	dma.local [hbm:s5], s4  }
0x9e: {  	_ =	swait.ge [sflag:s6], s4  }
0x9f: {  	s4 =	ssub.s32 $0x0, s4;
	[sflag:s6] =	ssyncset.done $0x0  }
0xa0: {  	[sflag:s6] =	ssyncadd.s32 s4;
	_ =	sdelay $0x1  }
0xa1: {  	s23 =	simm.s32 $0x1B8B  }
0xa2: {  	_ =	swait.ge [sflag:s23], $0x1  }
0xa3: {  	[sflag:s23] =	ssyncset.done $0x0  }
0xa4: {  	[sflag:s23] =	ssyncadd.s32 $0xFFFFFFFF  }
0xa5: {  	s4 =	sld [smem:$0x0]  }
0xa6: {  	s5 =	sand.u32 $0xFFFFFFFE, s1  }
0xa7: {  	p0 =	sne.s32 s1, s5  }
0xa8: {  	s5 =	sshll.u32 @p0 s5, $0xE  }
0xa9: {  	s5 =	sadd.s32 @p0 $0x11B8D, s5;
	s6 =	sshll.u32 @p0 s4, $0x11  }
0xaa: {  	s5 =	sor.u32 @p0 s6, s5  }
0xab: {  	[sflag:s5] =	ssyncadd.remote.s32 @p0 $0x1;
	_ =	sdelay $0x1  }
0xac: {  	s5 =	simm.s32 @p0 $0x1B8D  }
0xad: {  	_ =	swait.eq @p0 [sflag:s5], $0x1  }
0xae: {  	[sflag:s5] =	ssyncadd.s32 @p0 $0xFFFFFFFF  }
0xaf: {  	s6 =	sshll.u32 @!p0 s1, $0xE  }
0xb0: {  	s6 =	sor.u32 @!p0 $0x4000, s6;
	s5 =	simm.s32 @!p0 $0x1B8D  }
0xb1: {  	s4 =	sshll.u32 @!p0 s4, $0x11;
	s6 =	sadd.s32 @!p0 $0x11B8D, s6;
	_ =	swait.eq @!p0 [sflag:s5], $0x1  }
0xb2: {  	s4 =	sor.u32 @!p0 s4, s6;
	[sflag:s5] =	ssyncadd.s32 @!p0 $0xFFFFFFFF  }
0xb3: {  	s25 =	simm.s32 $0x1B8E;
	s24 =	sld [smem:$0x3FFE];
	[sflag:s4] =	ssyncadd.remote.s32 @!p0 $0x1  }
0xb4: {  	s26 =	simm.s32 $execute0_lowered;
	[smem:$0x3FD2] =	sst s25  }
0xb5: {  	s5 =	sshll.u32 s26, $0x1;
	_ =	strace $0x80000049;
	[dreg:$0x1] =	wrdreg $0xFFFFFFFF  }
0xb6: {  	s28 =	simm.s32 $_size_execute0_lowered;
	s3 =	sadd.s32 s3, s5;
	[dreg:$0x0] =	wrdreg $0x0  }
0xb7: {  	s5 =	sshll.u32 s28, $0x1;
	[dreg:$0x2] =	wrdreg s3  }
0xb8: {  	[dreg:$0x3] =	wrdreg s5  }
0xb9: {  	[dreg:$0x4] =	wrdreg $0xC0  }
0xba: {  	_ =	task [dreg:s22], $0x5FFFF  }
0xbb: {  	[dreg:$0x1] =	wrdreg $0xFFFFFFFF  }
0xbc: {  	[dreg:$0x0] =	wrdreg $0x60  }
0xbd: {  	[dreg:$0x2] =	wrdreg s24  }
0xbe: {  	[dreg:$0x3] =	wrdreg $0xB  }
0xbf: {  	_ =	task.clear_ibuf [dreg:s22], $0x4FFFF;
	_ =	strace $0x90000049  }
0xc0: {  	s29 =	simm.s32 $0xB;
	_ =	strace $0x8000004B  }
0xc1: {  	_ =	swait.ge [sflag:s29], $0x1  }
0xc2: {  	[sflag:s29] =	ssyncadd.s32 $0xFFFFFFFF  }
0xc3: {  	_ =	strace $0x9000004B  }
0xc4: {  	_ =	sfence  }
0xc5: {  	s30 =	sld [smem:$0x0];
	_ =	sdelay $0x2  }
0xc6: {  	s31 =	sshll.u32 s1, $0xD;
	s1 =	sshrl.u32 s1, $0x2  }
0xc7: {  	s4 =	sand.u32 $0x4000, s31;
	s1 =	sadd.s32 s1, s30  }
0xc8: {  	s0 =	sor.u32 s4, s0;
	s1 =	sshll.u32 s1, $0x11  }
0xc9: {  	s0 =	sor.u32 s1, s0  }
0xca: {  	s0 =	sadd.s32 $0x8F2B, s0  }
0xcb: {  	[sflag:s0] =	ssyncadd.remote.s32 $0x1  }
0xcc: {  	_ =	sfence.sel $0xFFFF  }
0xcd: {  	[dreg:$0x0] =	wrdreg $0xFFFFFFFF;
	(pc) =	sbr.abs _section_cstart, $3  }
0xce: {  	[dreg:$0x1] =	wrdreg $0xFFFFFFFF  }
0xcf: {  	_ =	task.clear_ibuf [dreg:s22], $0x2FFFF;
	_ =	strace $0x9FFFFFFF  }
0xd0: {  	(tm) =	ssettm $0x7FFFFFFF  }
0xd1: {  	_ =	shalt  }
tec
execute0_lowered:
.L_overlay_start_1:
0x0: {  	(tag) =	ssettag $0x1  }
0x1: {  	s3 =	rddreg [dreg:$0x0]  }
0x2: {  	s0 =	rddreg [dreg:$0x1];
	s2 =	simm.s32 $0x0;
	s4 =	srdreg.scid  }
0x3: {  	s1 =	stileid.u32;
	s8 =	simm.s32 $0x8000;
	s9 =	simm.s32 $0x9000  }
0x4: {  	[smem:$0x7FF] =	sst s2;
	s4 =	sand.u32 $0x1, s4;
	s5 =	sshll.u32 s1, $0x1  }
0x5: {  	s10 =	simm.s32 $0x0;
	_ =	strace $0x8000004A;
	s5 =	sor.u32 s4, s5  }
0x6: {  	s4 =	ssub.s32 $0x2, s4;
	s6 =	sshll.u32 s5, $0xC;
	s5 =	sshll.u32 s5, $0x9  }
0x7: {  	s31 =	sshrl.u32 s4, $0x1;
	s6 =	sadd.s32 s6, s3;
	s5 =	sadd.s32 s5, s3  }
0x8: {  	v0 =	vlaneseq.u32;
	vm0 =	vmmov $0xff;
	s7 =	ssub.s32 s4, s31;
	s3 =	sadd.s32 $0x2B200, s6;
	s4 =	sadd.s32 $0x4B200, s5  }
0x9: {  	v1 =	vor.u32 $0x10, v0;
	v2 =	vor.u32 $0x20, v0;
	v3 =	vor.u32 $0x30, v0;
	s5 =	sadd.s32 $0x4F200, s5;
	s6 =	smax.u32 s7, $0x1;
	s7 =	simm.s32 $0x1  }
.LBB2_1:
0xa: {  	[tilespmem:s2], [sflag:$0x1] =	stream.linear.gather [hbm4b:s3+s2], $0x8000, $0x38;
	[tilespmem:$0xA000] =	vst v63  }
0xb: {  	_ =	swait.ge [sflag:s7], $0x8000  }
0xc: {  	s11 =	simm.s32 $0xFFFFFFFC;
	s12 =	simm.s32 $0x8020;
	[sflag:s7] =	ssyncset.done $0x0  }
0xd: {  	s13 =	simm.s32 $0x9020;
	s14 =	simm.s32 $0x100;
	[sflag:s7] =	ssyncadd.s32 $0xFFFF8000  }
.LBB2_2:
0xe: {  	v4 =	vld [tilespmem:s14+$0xFFFFFF00]  }
0xf: {  	v5 =	vld [tilespmem:s14+$0xFFFFFF10]  }
0x10: {  	v6 =	vld [tilespmem:s14+$0xFFFFFF20]  }
0x11: {  	v7 =	vld [tilespmem:s14+$0xFFFFFF30];
	_ =	sdelay $0x1  }
0x12: {  	(xrf1) =	vsort.dscd.msk.f32 $0xffff, v4, v0  }
0x13: {  	(xrf1) =	vsort.ascd.msk.f32 $0xffff, v5, v1  }
0x14: {  	(xrf1) =	vsort.dscd.msk.f32 $0xffff, v6, v2  }
0x15: {  	(xrf1) =	vsort.ascd.msk.f32 $0xffff, v7, v3;
	_ =	sdelay $0xa  }
0x16: {  	v4, v5, _ =	vpop (xrf1)  }
0x17: {  	v26, v27, _ =	vpop (xrf1)  }
0x18: {  	v8, v9, _ =	vpop (xrf1)  }
0x19: {  	vm1 =	vge.f32 v4, v26;
	v10, v11, _ =	vpop (xrf1)  }
0x1a: {  	v4 =	vsel vm1, v4, v26;
	v5 =	vsel vm1, v5, v27;
	vm1 =	vge.f32 v8, v10  }
0x1b: {  	(xrf1) =	vsort.dscd.msk.f32 $0xffff, v4, v5;
	v4 =	vsel vm1, v8, v10;
	v5 =	vsel vm1, v9, v11  }
0x1c: {  	(xrf1) =	vsort.ascd.msk.f32 $0xffff, v4, v5;
	_ =	sdelay $0xc  }
0x1d: {  	v4, v5, _ =	vpop (xrf1)  }
0x1e: {  	v28, v29, _ =	vpop (xrf1)  }
0x1f: {  	vm1 =	vge.f32 v4, v28  }
0x20: {  	v4 =	vsel vm1, v4, v28;
	v5 =	vsel vm1, v5, v29  }
0x21: {  	(xrf1) =	vsort.dscd.msk.f32 $0xffff, v4, v5;
	_ =	sdelay $0xd  }
0x22: {  	v4, v5, _ =	vpop (xrf1)  }
0x23: {  	v4 =	vmul.f32 $1.442695020e+00, v4;
	_ =	sdelay $0x1  }
0x24: {  	(erf) = vpow2.f32 v4;
	_ =	sdelay $0x8  }
0x25: {  	v4 =	vpop (erf)  }
0x26: {  	v4 =	vnsel vm0, $0x0, v4  }
0x27: {  	(xrf2) =	vadd.scan.msk.f32 $0xffff, v4;
	_ =	sdelay $0x9  }
0x28: {  	v30, _, _ =	vpop (xrf2)  }
0x29: {  	v6 =	vbroadcast v30, $0xF;
	_ =	sdelay $0x1  }
0x2a: {  	(erf) = vrcp.f32 v6;
	_ =	sdelay $0x8  }
0x2b: {  	v6 =	vpop (erf)  }
0x2c: {  	v4 =	vmul.f32 v6, v4;
	_ =	sdelay $0x1  }
0x2d: {  	[tilespmem:s12+$0xFFFFFFE0] =	vst v4  }
0x2e: {  	[tilespmem:s13+$0xFFFFFFE0] =	vst v5  }
0x2f: {  	v4 =	vld [tilespmem:s14+$0xFFFFFF80]  }
0x30: {  	v5 =	vld [tilespmem:s14+$0xFFFFFF90]  }
0x31: {  	v31 =	vld [tilespmem:s14+$0xFFFFFFA0]  }
0x32: {  	v32 =	vld [tilespmem:s14+$0xFFFFFFB0];
	_ =	sdelay $0x1  }
0x33: {  	(xrf1) =	vsort.dscd.msk.f32 $0xffff, v4, v0  }
0x34: {  	(xrf1) =	vsort.ascd.msk.f32 $0xffff, v5, v1  }
0x35: {  	(xrf1) =	vsort.dscd.msk.f32 $0xffff, v31, v2  }
0x36: {  	(xrf1) =	vsort.ascd.msk.f32 $0xffff, v32, v3;
	_ =	sdelay $0xa  }
0x37: {  	v4, v5, _ =	vpop (xrf1)  }
0x38: {  	v33, v34, _ =	vpop (xrf1)  }
0x39: {  	v35, v36, _ =	vpop (xrf1)  }
0x3a: {  	vm1 =	vge.f32 v4, v33;
	v37, v38, _ =	vpop (xrf1)  }
0x3b: {  	v4 =	vsel vm1, v4, v33;
	v5 =	vsel vm1, v5, v34;
	vm1 =	vge.f32 v35, v37  }
0x3c: {  	(xrf1) =	vsort.dscd.msk.f32 $0xffff, v4, v5;
	v4 =	vsel vm1, v35, v37;
	v5 =	vsel vm1, v36, v38  }
0x3d: {  	(xrf1) =	vsort.ascd.msk.f32 $0xffff, v4, v5;
	_ =	sdelay $0xc  }
0x3e: {  	v4, v5, _ =	vpop (xrf1)  }
0x3f: {  	v39, v40, _ =	vpop (xrf1)  }
0x40: {  	vm1 =	vge.f32 v4, v39  }
0x41: {  	v4 =	vsel vm1, v4, v39;
	v5 =	vsel vm1, v5, v40  }
0x42: {  	(xrf1) =	vsort.dscd.msk.f32 $0xffff, v4, v5;
	_ =	sdelay $0xd  }
0x43: {  	v4, v5, _ =	vpop (xrf1)  }
0x44: {  	v4 =	vmul.f32 $1.442695020e+00, v4;
	_ =	sdelay $0x1  }
0x45: {  	(erf) = vpow2.f32 v4;
	_ =	sdelay $0x8  }
0x46: {  	v4 =	vpop (erf)  }
0x47: {  	v4 =	vnsel vm0, $0x0, v4  }
0x48: {  	(xrf2) =	vadd.scan.msk.f32 $0xffff, v4;
	_ =	sdelay $0x9  }
0x49: {  	v41, _, _ =	vpop (xrf2)  }
0x4a: {  	v6 =	vbroadcast v41, $0xF;
	_ =	sdelay $0x1  }
0x4b: {  	(erf) = vrcp.f32 v6;
	_ =	sdelay $0x8  }
0x4c: {  	v6 =	vpop (erf)  }
0x4d: {  	v4 =	vmul.f32 v6, v4;
	_ =	sdelay $0x1  }
0x4e: {  	[tilespmem:s12+$0xFFFFFFF0] =	vst v4  }
0x4f: {  	[tilespmem:s13+$0xFFFFFFF0] =	vst v5  }
0x50: {  	v4 =	vld [tilespmem:s14+$0x0]  }
0x51: {  	v5 =	vld [tilespmem:s14+$0x10]  }
0x52: {  	v42 =	vld [tilespmem:s14+$0x20]  }
0x53: {  	v43 =	vld [tilespmem:s14+$0x30];
	_ =	sdelay $0x1  }
0x54: {  	(xrf1) =	vsort.dscd.msk.f32 $0xffff, v4, v0  }
0x55: {  	(xrf1) =	vsort.ascd.msk.f32 $0xffff, v5, v1  }
0x56: {  	(xrf1) =	vsort.dscd.msk.f32 $0xffff, v42, v2  }
0x57: {  	(xrf1) =	vsort.ascd.msk.f32 $0xffff, v43, v3;
	_ =	sdelay $0xa  }
0x58: {  	v4, v5, _ =	vpop (xrf1)  }
0x59: {  	v44, v45, _ =	vpop (xrf1)  }
0x5a: {  	v46, v47, _ =	vpop (xrf1)  }
0x5b: {  	vm1 =	vge.f32 v4, v44;
	v48, v49, _ =	vpop (xrf1)  }
0x5c: {  	v4 =	vsel vm1, v4, v44;
	v5 =	vsel vm1, v5, v45;
	vm1 =	vge.f32 v46, v48  }
0x5d: {  	(xrf1) =	vsort.dscd.msk.f32 $0xffff, v4, v5;
	v4 =	vsel vm1, v46, v48;
	v5 =	vsel vm1, v47, v49  }
0x5e: {  	(xrf1) =	vsort.ascd.msk.f32 $0xffff, v4, v5;
	_ =	sdelay $0xc  }
0x5f: {  	v4, v5, _ =	vpop (xrf1)  }
0x60: {  	v50, v51, _ =	vpop (xrf1)  }
0x61: {  	vm1 =	vge.f32 v4, v50  }
0x62: {  	v4 =	vsel vm1, v4, v50;
	v5 =	vsel vm1, v5, v51  }
0x63: {  	(xrf1) =	vsort.dscd.msk.f32 $0xffff, v4, v5;
	_ =	sdelay $0xd  }
0x64: {  	v4, v5, _ =	vpop (xrf1)  }
0x65: {  	v4 =	vmul.f32 $1.442695020e+00, v4;
	_ =	sdelay $0x1  }
0x66: {  	(erf) = vpow2.f32 v4;
	_ =	sdelay $0x8  }
0x67: {  	v4 =	vpop (erf)  }
0x68: {  	v4 =	vnsel vm0, $0x0, v4  }
0x69: {  	(xrf2) =	vadd.scan.msk.f32 $0xffff, v4;
	_ =	sdelay $0x9  }
0x6a: {  	v52, _, _ =	vpop (xrf2)  }
0x6b: {  	v6 =	vbroadcast v52, $0xF;
	_ =	sdelay $0x1  }
0x6c: {  	(erf) = vrcp.f32 v6;
	_ =	sdelay $0x8  }
0x6d: {  	v6 =	vpop (erf)  }
0x6e: {  	v4 =	vmul.f32 v6, v4;
	_ =	sdelay $0x1  }
0x6f: {  	[tilespmem:s12+$0x0] =	vst v4  }
0x70: {  	[tilespmem:s13+$0x0] =	vst v5  }
0x71: {  	v4 =	vld [tilespmem:s14+$0x80]  }
0x72: {  	v5 =	vld [tilespmem:s14+$0x90]  }
0x73: {  	v53 =	vld [tilespmem:s14+$0xA0]  }
0x74: {  	v54 =	vld [tilespmem:s14+$0xB0];
	_ =	sdelay $0x1  }
0x75: {  	(xrf1) =	vsort.dscd.msk.f32 $0xffff, v4, v0  }
0x76: {  	(xrf1) =	vsort.ascd.msk.f32 $0xffff, v5, v1  }
0x77: {  	(xrf1) =	vsort.dscd.msk.f32 $0xffff, v53, v2  }
0x78: {  	(xrf1) =	vsort.ascd.msk.f32 $0xffff, v54, v3;
	_ =	sdelay $0xa  }
0x79: {  	v4, v5, _ =	vpop (xrf1)  }
0x7a: {  	v55, v56, _ =	vpop (xrf1)  }
0x7b: {  	v57, v58, _ =	vpop (xrf1)  }
0x7c: {  	vm1 =	vge.f32 v4, v55;
	v59, v60, _ =	vpop (xrf1)  }
0x7d: {  	v4 =	vsel vm1, v4, v55;
	v5 =	vsel vm1, v5, v56;
	vm1 =	vge.f32 v57, v59  }
0x7e: {  	(xrf1) =	vsort.dscd.msk.f32 $0xffff, v4, v5;
	v4 =	vsel vm1, v57, v59;
	v5 =	vsel vm1, v58, v60  }
0x7f: {  	(xrf1) =	vsort.ascd.msk.f32 $0xffff, v4, v5;
	_ =	sdelay $0xc  }
0x80: {  	v4, v5, _ =	vpop (xrf1)  }
0x81: {  	v61, v62, _ =	vpop (xrf1)  }
0x82: {  	vm1 =	vge.f32 v4, v61  }
0x83: {  	v4 =	vsel vm1, v4, v61;
	v5 =	vsel vm1, v5, v62  }
0x84: {  	(xrf1) =	vsort.dscd.msk.f32 $0xffff, v4, v5;
	_ =	sdelay $0xd  }
0x85: {  	v4, v5, _ =	vpop (xrf1)  }
0x86: {  	v4 =	vmul.f32 $1.442695020e+00, v4;
	_ =	sdelay $0x1  }
0x87: {  	(erf) = vpow2.f32 v4;
	_ =	sdelay $0x8  }
0x88: {  	v4 =	vpop (erf)  }
0x89: {  	v4 =	vnsel vm0, $0x0, v4  }
0x8a: {  	(xrf2) =	vadd.scan.msk.f32 $0xffff, v4;
	_ =	sdelay $0x9  }
0x8b: {  	v63, _, _ =	vpop (xrf2)  }
0x8c: {  	v6 =	vbroadcast v63, $0xF;
	_ =	sdelay $0x1  }
0x8d: {  	(erf) = vrcp.f32 v6;
	_ =	sdelay $0x6  }
0x8e: {  	s11 =	sadd.s32 $0x4, s11  }
0x8f: {  	p0 =	slt.u32 s11, $0xFC  }
.Ltmp0:
0x90: {  	v6 =	vpop (erf);
	(pc) =	sbr.rel @p0 .LBB2_2-.Ltmp0, $3  }
0x91: {  	v4 =	vmul.f32 v6, v4;
	_ =	sdelay $0x1  }
0x92: {  	[tilespmem:s12+$0x10] =	vst v4  }
0x93: {  	s14 =	sadd.s32 $0x200, s14;
	s12 =	sadd.s32 $0x40, s12;
	[tilespmem:s13+$0x10] =	vst v5;
	s13 =	sadd.s32 $0x40, s13  }
0x94: {  	[hbm4b:s4+s2] =	stream.linear.scatter [tilespmem:s8], [sflag:$0x1], $0x1000, $0x38;
	[tilespmem:$0xA000] =	vst v63  }
0x95: {  	s10 =	sadd.s32 $0x1, s10;
	_ =	swait.ge [sflag:s7], $0x1000  }
0x96: {  	p0 =	sne.s32 s10, s6;
	[sflag:s7] =	ssyncset.done $0x0  }
.Ltmp1:
0x97: {  	[sflag:s7] =	ssyncadd.s32 $0xFFFFF000;
	(pc) =	sbr.rel @p0 .LBB2_1-.Ltmp1, $4  }
0x98: {  	[hbm4b:s5+s2] =	stream.linear.scatter [tilespmem:s9], [sflag:$0x1], $0x1000, $0x38;
	[tilespmem:$0xA000] =	vst v63  }
0x99: {  	_ =	swait.ge [sflag:s7], $0x1000  }
0x9a: {  	[sflag:s7] =	ssyncset.done $0x0  }
0x9b: {  	[sflag:s7] =	ssyncadd.s32 $0xFFFFF000  }
0x9c: {  	_ =	sfence.sel $0x180000  }
0x9d: {  	[bflag:$0x0] =	sbarrier.arrive $0xFFFF  }
0x9e: {  	p0 =	sne.s32 s1, $0x0;
	_ =	strace $0x9000004A  }
0x9f: {  	s0 =	sadd.s32 @!p0 $0x100000, s0;
	[bflag:$0x2] =	sbarrier.arrive $0xFFFF  }
0xa0: {  	[sflag:s0] =	ssyncadd.tile.s32 @!p0 $0x1;
	_ =	shalt  }
.Lfunc_end2:
_tile_overlayer_lowered:
.L_overlay_start_2:
0xa1: {  	(tag) =	ssettag $0x2  }
0xa2: {  	s0 =	rddreg [dreg:$0x0];
	s2 =	stileid.u32  }
0xa3: {  	s1 =	rddreg [dreg:$0x1];
	p0 =	sne.s32 s2, $0x0  }
0xa4: {  	s3 =	rddreg [dreg:$0x2];
	[bflag:$0x3] =	sbarrier.arrive $0xFFFF;
	s2 =	simm.s32 @!p0 $0x1C01  }
0xa5: {  	[timem:s3], [sflag:s2] =	dma.local @!p0 [hbm:s0], s1  }
0xa6: {  	s0 =	simm.s32 @!p0 $0x1  }
0xa7: {  	_ =	swait.ge @!p0 [sflag:s0], s1  }
0xa8: {  	s1 =	ssub.s32 @!p0 $0x0, s1;
	[sflag:s0] =	ssyncset.done @!p0 $0x0  }
0xa9: {  	[sflag:s0] =	ssyncadd.s32 @!p0 s1  }
0xaa: {  	[bflag:$0x3] =	sbarrier.arrive $0xFFFF  }
0xab: {  	_ =	shalt  }

// kernel: kernel.19.cloned.1.call-start
scs
__scs_entry_jumppad:
0x0: {  	(pc) =	sbr.rel $0x88, $3  }
0x1: {  	(tag) =	ssettag $0x0;
	lr =	simm.s32 $0x1  }
0x2: {  	[smem:$0x3F9F] =	sst lr;
	_ =	strace $0xD0000000  }
0x3: {  	_ = 	snop  }
0x4: {  	_ = 	snop  }
0x5: {  	_ = 	snop  }
0x6: {  	_ = 	snop  }
0x7: {  	_ = 	snop  }
__scs_overlays_trampoline_lowered:
0x8: {  	[smem:$0x3FAE] =	sst s0  }
0x9: {  	[smem:$0x3FAF] =	sst s1  }
0xa: {  	[smem:$0x3FB0] =	sst s2  }
0xb: {  	[smem:$0x3FB1] =	sst s3  }
0xc: {  	[smem:$0x3FB2] =	sst s4  }
0xd: {  	[smem:$0x3FB3] =	sst s5  }
0xe: {  	[smem:$0x3FB4] =	sst s6  }
0xf: {  	[smem:$0x3FB5] =	sst s7  }
0x10: {  	[smem:$0x3FB6] =	sst s8  }
0x11: {  	[smem:$0x3FB7] =	sst s9;
	s0 =	simm.s32 @!p0 $0x0  }
0x12: {  	s1 =	sld [smem:$0x3F9D];
	s0 =	simm.s32 @p0 $0x1  }
0x13: {  	[smem:$0x3FB8] =	sst s0;
	s0 =	simm.s32 @!p1 $0x0  }
0x14: {  	s2 =	sld [smem:$0x3F9C];
	s0 =	simm.s32 @p1 $0x1  }
0x15: {  	[smem:$0x3FB9] =	sst s0;
	s0 =	simm.s32 @!p2 $0x0  }
0x16: {  	s3 =	sld [smem:$0x3FDB];
	s0 =	simm.s32 @p2 $0x1  }
0x17: {  	s4 =	simm.s32 $0x1BF5;
	[smem:$0x3FBB] =	sst s0  }
0x18: {  	s0 =	sld [smem:$0x3F9E];
	_ =	swait.ge [sflag:s4], $0x0  }
0x19: {  	s7 =	sld [smem:$0x3F9F]  }
0x1a: {  	s8 =	sadd.s32 $0xFFFFE003, lr  }
0x1b: {  	s9 =	sadd.s32 $0xFFFFFEF7, lr;
	s5 =	simm.s32 $0xFFFFFFFF;
	p2 =	slt.u32 s8, $0xFFFFF086  }
0x1c: {  	p1 =	slt.u32 s9, $0xF7A;
	s5 =	simm.s32 @!p2 $0x0  }
0x1d: {  	s5 =	simm.s32 @p1 $0x1;
	p0 =	seq.s32 s7, s2  }
0x1e: {  	s7 =	smul.u32 @!p0 $0xF7A, s2;
	p2 =	seq.s32 @!p0 s5, $0x0  }
0x1f: {  	s9 =	smul.u32 $0xF7A, s1;
	s8 =	simm.s32 @!p0 $0x1BF5;
	p2 =	por !p2, p0  }
0x20: {  	[sflag:s8] =	ssyncset.s32 @!p0 $0xFFFFF086;
	s6 =	sadd.s32 @!p0 s3, s7;
	s7 =	simm.s32 @!p0 $0x108  }
0x21: {  	s3 =	sadd.s32 s3, s9;
	s6 =	sadd.s32 @!p0 $0x88, s6;
	s7 =	simm.s32 @p2 $0x1082  }
0x22: {  	[simem:s7], [sflag:s8] =	dma.local @!p0 [hbm:s6], $0xF7A  }
0x23: {  	s9 =	sor.u32 $0xD0000000, s2;
	s6 =	simm.s32 $0x108;
	_ =	swait.ge @!p0 [sflag:s8], $0x0  }
0x24: {  	s3 =	sadd.s32 $0x88, s3;
	s6 =	simm.s32 @!p1 $0x1082;
	[sflag:s4] =	ssyncset.s32 $0xFFFFF086  }
0x25: {  	[simem:s6], [sflag:s4] =	dma.local [hbm:s3], $0xF7A  }
0x26: {  	[smem:$0x3F9F] =	sst s1;
	(tag) =	ssettag s2;
	_ =	strace s9  }
0x27: {  	s1 =	sld [smem:$0x3FAF]  }
0x28: {  	s2 =	sld [smem:$0x3FB0]  }
0x29: {  	s4 =	sld [smem:$0x3FB2]  }
0x2a: {  	p0 =	seq.s32 s5, $0x0;
	s5 =	sld [smem:$0x3FB3]  }
0x2b: {  	s6 =	sld [smem:$0x3FB4]  }
0x2c: {  	s7 =	sld [smem:$0x3FB5]  }
0x2d: {  	s3 =	simm.s32 $0x108;
	s8 =	sld [smem:$0x3FB6]  }
0x2e: {  	s3 =	simm.s32 @!p0 $0x1082;
	s9 =	sld [smem:$0x3FB7]  }
0x2f: {  	lr =	sadd.s32 s0, s3;
	s0 =	sld [smem:$0x3FAE]  }
0x30: {  	s3 =	sld [smem:$0x3FB1]  }
0x31: {  	[smem:$0x3FBA] =	sst s10  }
0x32: {  	s10 =	sld [smem:$0x3FB8];
	_ =	sdelay $0x3  }
0x33: {  	p0 =	seq.s32 s10, $0x1;
	s10 =	sld [smem:$0x3FBA];
	_ =	sdelay $0x3  }
0x34: {  	[smem:$0x3FBA] =	sst s10  }
0x35: {  	s10 =	sld [smem:$0x3FB9];
	_ =	sdelay $0x3  }
0x36: {  	p1 =	seq.s32 s10, $0x1;
	s10 =	sld [smem:$0x3FBA];
	_ =	sdelay $0x3  }
0x37: {  	[smem:$0x3FBA] =	sst s10  }
0x38: {  	s10 =	sld [smem:$0x3FBB]  }
0x39: {  	_ = 	snop;
	(pc) =	sbr.ind lr, $3  }
0x3a: {  	_ = 	snop  }
0x3b: {  	_ = 	snop  }
0x3c: {  	p2 =	seq.s32 s10, $0x1;
	s10 =	sld [smem:$0x3FBA]  }
0x3d: {  	_ =	shalt  }
0x3e: {  	_ =	shalt  }
0x3f: {  	_ =	shalt  }
0x40: {  	_ =	shalt  }
0x41: {  	_ =	shalt  }
0x42: {  	_ =	shalt  }
0x43: {  	_ =	shalt  }
0x44: {  	_ =	shalt  }
0x45: {  	_ =	shalt  }
0x46: {  	_ =	shalt  }
0x47: {  	_ =	shalt  }
0x48: {  	_ =	shalt  }
0x49: {  	_ =	shalt  }
0x4a: {  	_ =	shalt  }
0x4b: {  	_ =	shalt  }
0x4c: {  	_ =	shalt  }
0x4d: {  	_ =	shalt  }
0x4e: {  	_ =	shalt  }
0x4f: {  	_ =	shalt  }
0x50: {  	_ =	shalt  }
0x51: {  	_ =	shalt  }
0x52: {  	_ =	shalt  }
0x53: {  	_ =	shalt  }
0x54: {  	_ =	shalt  }
0x55: {  	_ =	shalt  }
0x56: {  	_ =	shalt  }
0x57: {  	_ =	shalt  }
0x58: {  	_ =	shalt  }
0x59: {  	_ =	shalt  }
0x5a: {  	_ =	shalt  }
0x5b: {  	_ =	shalt  }
0x5c: {  	_ =	shalt  }
0x5d: {  	_ =	shalt  }
0x5e: {  	_ =	shalt  }
0x5f: {  	_ =	shalt  }
0x60: {  	_ =	shalt  }
0x61: {  	_ =	shalt  }
0x62: {  	_ =	shalt  }
0x63: {  	_ =	shalt  }
0x64: {  	_ =	shalt  }
0x65: {  	_ =	shalt  }
0x66: {  	_ =	shalt  }
0x67: {  	_ =	shalt  }
0x68: {  	_ =	shalt  }
0x69: {  	_ =	shalt  }
0x6a: {  	_ =	shalt  }
0x6b: {  	_ =	shalt  }
0x6c: {  	_ =	shalt  }
0x6d: {  	_ =	shalt  }
0x6e: {  	_ =	shalt  }
0x6f: {  	_ =	shalt  }
0x70: {  	_ =	shalt  }
0x71: {  	_ =	shalt  }
0x72: {  	_ =	shalt  }
0x73: {  	_ =	shalt  }
0x74: {  	_ =	shalt  }
0x75: {  	_ =	shalt  }
0x76: {  	_ =	shalt  }
0x77: {  	_ =	shalt  }
0x78: {  	_ =	shalt  }
0x79: {  	_ =	shalt  }
0x7a: {  	_ =	shalt  }
0x7b: {  	_ =	shalt  }
0x7c: {  	_ =	shalt  }
0x7d: {  	_ =	shalt  }
0x7e: {  	_ =	shalt  }
0x7f: {  	_ =	shalt  }
0x80: {  	_ =	shalt  }
0x81: {  	_ =	shalt  }
0x82: {  	_ =	shalt  }
0x83: {  	_ =	shalt  }
0x84: {  	_ =	shalt  }
0x85: {  	_ =	shalt  }
0x86: {  	_ =	shalt  }
0x87: {  	_ =	shalt  }
.Lfunc_end0:
.L_simem_size_0:
called_computation.3_lowered:
.L_overlay_start_0:
0x88: {  	s2 =	sld [smem:$0x3FD9]  }
0x89: {  	s3 =	sld [smem:$0x3FFE];
	_ =	sdelay $0x1  }
0x8a: {  	s1 =	srdreg.scid  }
0x8b: {  	s0 =	sand.u32 $0x1, s1  }
0x8c: {  	s16 =	sshll.u32 s0, $0xA;
	s2 =	sadd.s32 s3, s2  }
0x8d: {  	s2 =	sadd.s32 s2, s16  }
0x8e: {  	[smem:$0x3FC6] =	sst s2  }
0x8f: {  	_ = 	snop  }
0x90: {  	(tm) =	ssettm $0x1  }
0x91: {  	s17 =	sld [smem:$0x3FFB];
	_ =	sdelay $0x3  }
0x92: {  	_ =	strace s17  }
0x93: {  	s2 =	sld [smem:$0x3FFC];
	_ =	sdelay $0x3  }
0x94: {  	_ =	strace s2  }
0x95: {  	s2 =	sld [smem:$0x3FFD];
	_ =	sdelay $0x3  }
0x96: {  	_ =	strace s2  }
0x97: {  	_ =	strace $0x8FFFFFFF  }
0x98: {  	s18 =	sld [smem:$0x3FDB];
	_ =	sdelay $0x1  }
0x99: {  	s19 =	simm.s32 $_scs_section_size  }
0x9a: {  	s4 =	simm.s32 $_size__tile_overlayer_lowered;
	s5 =	simm.s32 $_tile_overlayer_lowered  }
0x9b: {  	s22 =	simm.s32 $0x1BFF;
	s21 =	sshll.u32 s5, $0x1;
	s2 =	sadd.s32 s19, s18  }
0x9c: {  	s6 =	simm.s32 $0x0;
	s20 =	sshll.u32 s4, $0x1;
	s4 =	sadd.s32 s21, s2  }
0x9d: {  	[timem:s6], [sflag:s22] =	dma.local [hbm:s4], s20  }
0x9e: {  	_ =	swait.ge [sflag:s22], s20  }
0x9f: {  	s3 =	ssub.s32 $0x0, s20;
	[sflag:s22] =	ssyncset.done $0x0  }
0xa0: {  	[sflag:s22] =	ssyncadd.s32 s3;
	_ =	sdelay $0x1  }
0xa1: {  	s23 =	simm.s32 $0x1B8B  }
0xa2: {  	_ =	swait.ge [sflag:s23], $0x1  }
0xa3: {  	[sflag:s23] =	ssyncset.done $0x0  }
0xa4: {  	s25 =	simm.s32 $0x1B8E;
	s24 =	sld [smem:$0x3FFE];
	[sflag:s23] =	ssyncadd.s32 $0xFFFFFFFF  }
0xa5: {  	s26 =	simm.s32 $execute0_lowered;
	[smem:$0x3FD2] =	sst s25  }
0xa6: {  	s4 =	sshll.u32 s26, $0x1;
	_ =	strace $0x80000046;
	[dreg:$0x1] =	wrdreg $0xFFFFFFFF  }
0xa7: {  	s28 =	simm.s32 $_size_execute0_lowered;
	s2 =	sadd.s32 s2, s4;
	[dreg:$0x0] =	wrdreg $0x0  }
0xa8: {  	s4 =	sshll.u32 s28, $0x1;
	[dreg:$0x2] =	wrdreg s2  }
0xa9: {  	[dreg:$0x3] =	wrdreg s4  }
0xaa: {  	[dreg:$0x4] =	wrdreg $0xC0  }
0xab: {  	_ =	task [dreg:s6], $0x5FFFF  }
0xac: {  	[dreg:$0x1] =	wrdreg $0xFFFFFFFF  }
0xad: {  	[dreg:$0x0] =	wrdreg $0x60  }
0xae: {  	[dreg:$0x2] =	wrdreg s24  }
0xaf: {  	[dreg:$0x3] =	wrdreg $0xC  }
0xb0: {  	_ =	task.clear_ibuf [dreg:s6], $0x4FFFF;
	_ =	strace $0x90000046  }
0xb1: {  	s29 =	simm.s32 $0xC;
	_ =	strace $0x80000048  }
0xb2: {  	_ =	swait.ge [sflag:s29], $0x1  }
0xb3: {  	[sflag:s29] =	ssyncadd.s32 $0xFFFFFFFF  }
0xb4: {  	_ =	strace $0x90000048  }
0xb5: {  	_ =	sfence  }
0xb6: {  	s30 =	sld [smem:$0x0];
	_ =	sdelay $0x2  }
0xb7: {  	s31 =	sshll.u32 s1, $0xD;
	s1 =	sshrl.u32 s1, $0x2  }
0xb8: {  	s3 =	sand.u32 $0x4000, s31;
	s1 =	sadd.s32 s1, s30  }
0xb9: {  	s0 =	sor.u32 s3, s0;
	s1 =	sshll.u32 s1, $0x11  }
0xba: {  	s0 =	sor.u32 s1, s0  }
0xbb: {  	s0 =	sadd.s32 $0x8F2B, s0  }
0xbc: {  	[sflag:s0] =	ssyncadd.remote.s32 $0x1  }
0xbd: {  	_ =	sfence.sel $0xFFFF  }
0xbe: {  	[dreg:$0x0] =	wrdreg $0xFFFFFFFF;
	(pc) =	sbr.abs _section_cstart, $3  }
0xbf: {  	[dreg:$0x1] =	wrdreg $0xFFFFFFFF  }
0xc0: {  	_ =	task.clear_ibuf [dreg:s6], $0x2FFFF;
	_ =	strace $0x9FFFFFFF  }
0xc1: {  	(tm) =	ssettm $0x7FFFFFFF  }
tec
execute0_lowered:
.L_overlay_start_1:
0x0: {  	(tag) =	ssettag $0x1  }
0x1: {  	s3 =	rddreg [dreg:$0x0]  }
0x2: {  	s0 =	rddreg [dreg:$0x1];
	s2 =	simm.s32 $0x0;
	s4 =	srdreg.scid  }
0x3: {  	s1 =	stileid.u32;
	s8 =	simm.s32 $0x8000;
	s9 =	simm.s32 $0x9000  }
0x4: {  	[smem:$0x7FF] =	sst s2;
	s4 =	sand.u32 $0x1, s4;
	s5 =	sshll.u32 s1, $0x1  }
0x5: {  	s10 =	simm.s32 $0x0;
	_ =	strace $0x80000047;
	s5 =	sor.u32 s4, s5  }
0x6: {  	s4 =	ssub.s32 $0x2, s4;
	s6 =	sshll.u32 s5, $0xC;
	s5 =	sshll.u32 s5, $0x9  }
0x7: {  	s31 =	sshrl.u32 s4, $0x1;
	s6 =	sadd.s32 s6, s3;
	s5 =	sadd.s32 s5, s3  }
0x8: {  	v0 =	vlaneseq.u32;
	vm0 =	vmmov $0xff;
	s7 =	ssub.s32 s4, s31;
	s3 =	sadd.s32 $0x3200, s6;
	s4 =	sadd.s32 $0x23200, s5  }
0x9: {  	v1 =	vor.u32 $0x10, v0;
	v2 =	vor.u32 $0x20, v0;
	v3 =	vor.u32 $0x30, v0;
	s5 =	sadd.s32 $0x27200, s5;
	s6 =	smax.u32 s7, $0x1;
	s7 =	simm.s32 $0x1  }
.LBB2_1:
0xa: {  	[tilespmem:s2], [sflag:$0x1] =	stream.linear.gather [hbm4b:s3+s2], $0x8000, $0x38;
	[tilespmem:$0xA000] =	vst v63  }
0xb: {  	_ =	swait.ge [sflag:s7], $0x8000  }
0xc: {  	s11 =	simm.s32 $0xFFFFFFFC;
	s12 =	simm.s32 $0x8020;
	[sflag:s7] =	ssyncset.done $0x0  }
0xd: {  	s13 =	simm.s32 $0x9020;
	s14 =	simm.s32 $0x100;
	[sflag:s7] =	ssyncadd.s32 $0xFFFF8000  }
.LBB2_2:
0xe: {  	v4 =	vld [tilespmem:s14+$0xFFFFFF00]  }
0xf: {  	v5 =	vld [tilespmem:s14+$0xFFFFFF10]  }
0x10: {  	v6 =	vld [tilespmem:s14+$0xFFFFFF20]  }
0x11: {  	v7 =	vld [tilespmem:s14+$0xFFFFFF30];
	_ =	sdelay $0x1  }
0x12: {  	(xrf1) =	vsort.dscd.msk.f32 $0xffff, v4, v0  }
0x13: {  	(xrf1) =	vsort.ascd.msk.f32 $0xffff, v5, v1  }
0x14: {  	(xrf1) =	vsort.dscd.msk.f32 $0xffff, v6, v2  }
0x15: {  	(xrf1) =	vsort.ascd.msk.f32 $0xffff, v7, v3;
	_ =	sdelay $0xa  }
0x16: {  	v4, v5, _ =	vpop (xrf1)  }
0x17: {  	v26, v27, _ =	vpop (xrf1)  }
0x18: {  	v8, v9, _ =	vpop (xrf1)  }
0x19: {  	vm1 =	vge.f32 v4, v26;
	v10, v11, _ =	vpop (xrf1)  }
0x1a: {  	v4 =	vsel vm1, v4, v26;
	v5 =	vsel vm1, v5, v27;
	vm1 =	vge.f32 v8, v10  }
0x1b: {  	(xrf1) =	vsort.dscd.msk.f32 $0xffff, v4, v5;
	v4 =	vsel vm1, v8, v10;
	v5 =	vsel vm1, v9, v11  }
0x1c: {  	(xrf1) =	vsort.ascd.msk.f32 $0xffff, v4, v5;
	_ =	sdelay $0xc  }
0x1d: {  	v4, v5, _ =	vpop (xrf1)  }
0x1e: {  	v28, v29, _ =	vpop (xrf1)  }
0x1f: {  	vm1 =	vge.f32 v4, v28  }
0x20: {  	v4 =	vsel vm1, v4, v28;
	v5 =	vsel vm1, v5, v29  }
0x21: {  	(xrf1) =	vsort.dscd.msk.f32 $0xffff, v4, v5;
	_ =	sdelay $0xd  }
0x22: {  	v4, v5, _ =	vpop (xrf1)  }
0x23: {  	v4 =	vmul.f32 $1.442695020e+00, v4;
	_ =	sdelay $0x1  }
0x24: {  	(erf) = vpow2.f32 v4;
	_ =	sdelay $0x8  }
0x25: {  	v4 =	vpop (erf)  }
0x26: {  	v4 =	vnsel vm0, $0x0, v4  }
0x27: {  	(xrf2) =	vadd.scan.msk.f32 $0xffff, v4;
	_ =	sdelay $0x9  }
0x28: {  	v30, _, _ =	vpop (xrf2)  }
0x29: {  	v6 =	vbroadcast v30, $0xF;
	_ =	sdelay $0x1  }
0x2a: {  	(erf) = vrcp.f32 v6;
	_ =	sdelay $0x8  }
0x2b: {  	v6 =	vpop (erf)  }
0x2c: {  	v4 =	vmul.f32 v6, v4;
	_ =	sdelay $0x1  }
0x2d: {  	[tilespmem:s12+$0xFFFFFFE0] =	vst v4  }
0x2e: {  	[tilespmem:s13+$0xFFFFFFE0] =	vst v5  }
0x2f: {  	v4 =	vld [tilespmem:s14+$0xFFFFFF80]  }
0x30: {  	v5 =	vld [tilespmem:s14+$0xFFFFFF90]  }
0x31: {  	v31 =	vld [tilespmem:s14+$0xFFFFFFA0]  }
0x32: {  	v32 =	vld [tilespmem:s14+$0xFFFFFFB0];
	_ =	sdelay $0x1  }
0x33: {  	(xrf1) =	vsort.dscd.msk.f32 $0xffff, v4, v0  }
0x34: {  	(xrf1) =	vsort.ascd.msk.f32 $0xffff, v5, v1  }
0x35: {  	(xrf1) =	vsort.dscd.msk.f32 $0xffff, v31, v2  }
0x36: {  	(xrf1) =	vsort.ascd.msk.f32 $0xffff, v32, v3;
	_ =	sdelay $0xa  }
0x37: {  	v4, v5, _ =	vpop (xrf1)  }
0x38: {  	v33, v34, _ =	vpop (xrf1)  }
0x39: {  	v35, v36, _ =	vpop (xrf1)  }
0x3a: {  	vm1 =	vge.f32 v4, v33;
	v37, v38, _ =	vpop (xrf1)  }
0x3b: {  	v4 =	vsel vm1, v4, v33;
	v5 =	vsel vm1, v5, v34;
	vm1 =	vge.f32 v35, v37  }
0x3c: {  	(xrf1) =	vsort.dscd.msk.f32 $0xffff, v4, v5;
	v4 =	vsel vm1, v35, v37;
	v5 =	vsel vm1, v36, v38  }
0x3d: {  	(xrf1) =	vsort.ascd.msk.f32 $0xffff, v4, v5;
	_ =	sdelay $0xc  }
0x3e: {  	v4, v5, _ =	vpop (xrf1)  }
0x3f: {  	v39, v40, _ =	vpop (xrf1)  }
0x40: {  	vm1 =	vge.f32 v4, v39  }
0x41: {  	v4 =	vsel vm1, v4, v39;
	v5 =	vsel vm1, v5, v40  }
0x42: {  	(xrf1) =	vsort.dscd.msk.f32 $0xffff, v4, v5;
	_ =	sdelay $0xd  }
0x43: {  	v4, v5, _ =	vpop (xrf1)  }
0x44: {  	v4 =	vmul.f32 $1.442695020e+00, v4;
	_ =	sdelay $0x1  }
0x45: {  	(erf) = vpow2.f32 v4;
	_ =	sdelay $0x8  }
0x46: {  	v4 =	vpop (erf)  }
0x47: {  	v4 =	vnsel vm0, $0x0, v4  }
0x48: {  	(xrf2) =	vadd.scan.msk.f32 $0xffff, v4;
	_ =	sdelay $0x9  }
0x49: {  	v41, _, _ =	vpop (xrf2)  }
0x4a: {  	v6 =	vbroadcast v41, $0xF;
	_ =	sdelay $0x1  }
0x4b: {  	(erf) = vrcp.f32 v6;
	_ =	sdelay $0x8  }
0x4c: {  	v6 =	vpop (erf)  }
0x4d: {  	v4 =	vmul.f32 v6, v4;
	_ =	sdelay $0x1  }
0x4e: {  	[tilespmem:s12+$0xFFFFFFF0] =	vst v4  }
0x4f: {  	[tilespmem:s13+$0xFFFFFFF0] =	vst v5  }
0x50: {  	v4 =	vld [tilespmem:s14+$0x0]  }
0x51: {  	v5 =	vld [tilespmem:s14+$0x10]  }
0x52: {  	v42 =	vld [tilespmem:s14+$0x20]  }
0x53: {  	v43 =	vld [tilespmem:s14+$0x30];
	_ =	sdelay $0x1  }
0x54: {  	(xrf1) =	vsort.dscd.msk.f32 $0xffff, v4, v0  }
0x55: {  	(xrf1) =	vsort.ascd.msk.f32 $0xffff, v5, v1  }
0x56: {  	(xrf1) =	vsort.dscd.msk.f32 $0xffff, v42, v2  }
0x57: {  	(xrf1) =	vsort.ascd.msk.f32 $0xffff, v43, v3;
	_ =	sdelay $0xa  }
0x58: {  	v4, v5, _ =	vpop (xrf1)  }
0x59: {  	v44, v45, _ =	vpop (xrf1)  }
0x5a: {  	v46, v47, _ =	vpop (xrf1)  }
0x5b: {  	vm1 =	vge.f32 v4, v44;
	v48, v49, _ =	vpop (xrf1)  }
0x5c: {  	v4 =	vsel vm1, v4, v44;
	v5 =	vsel vm1, v5, v45;
	vm1 =	vge.f32 v46, v48  }
0x5d: {  	(xrf1) =	vsort.dscd.msk.f32 $0xffff, v4, v5;
	v4 =	vsel vm1, v46, v48;
	v5 =	vsel vm1, v47, v49  }
0x5e: {  	(xrf1) =	vsort.ascd.msk.f32 $0xffff, v4, v5;
	_ =	sdelay $0xc  }
0x5f: {  	v4, v5, _ =	vpop (xrf1)  }
0x60: {  	v50, v51, _ =	vpop (xrf1)  }
0x61: {  	vm1 =	vge.f32 v4, v50  }
0x62: {  	v4 =	vsel vm1, v4, v50;
	v5 =	vsel vm1, v5, v51  }
0x63: {  	(xrf1) =	vsort.dscd.msk.f32 $0xffff, v4, v5;
	_ =	sdelay $0xd  }
0x64: {  	v4, v5, _ =	vpop (xrf1)  }
0x65: {  	v4 =	vmul.f32 $1.442695020e+00, v4;
	_ =	sdelay $0x1  }
0x66: {  	(erf) = vpow2.f32 v4;
	_ =	sdelay $0x8  }
0x67: {  	v4 =	vpop (erf)  }
0x68: {  	v4 =	vnsel vm0, $0x0, v4  }
0x69: {  	(xrf2) =	vadd.scan.msk.f32 $0xffff, v4;
	_ =	sdelay $0x9  }
0x6a: {  	v52, _, _ =	vpop (xrf2)  }
0x6b: {  	v6 =	vbroadcast v52, $0xF;
	_ =	sdelay $0x1  }
0x6c: {  	(erf) = vrcp.f32 v6;
	_ =	sdelay $0x8  }
0x6d: {  	v6 =	vpop (erf)  }
0x6e: {  	v4 =	vmul.f32 v6, v4;
	_ =	sdelay $0x1  }
0x6f: {  	[tilespmem:s12+$0x0] =	vst v4  }
0x70: {  	[tilespmem:s13+$0x0] =	vst v5  }
0x71: {  	v4 =	vld [tilespmem:s14+$0x80]  }
0x72: {  	v5 =	vld [tilespmem:s14+$0x90]  }
0x73: {  	v53 =	vld [tilespmem:s14+$0xA0]  }
0x74: {  	v54 =	vld [tilespmem:s14+$0xB0];
	_ =	sdelay $0x1  }
0x75: {  	(xrf1) =	vsort.dscd.msk.f32 $0xffff, v4, v0  }
0x76: {  	(xrf1) =	vsort.ascd.msk.f32 $0xffff, v5, v1  }
0x77: {  	(xrf1) =	vsort.dscd.msk.f32 $0xffff, v53, v2  }
0x78: {  	(xrf1) =	vsort.ascd.msk.f32 $0xffff, v54, v3;
	_ =	sdelay $0xa  }
0x79: {  	v4, v5, _ =	vpop (xrf1)  }
0x7a: {  	v55, v56, _ =	vpop (xrf1)  }
0x7b: {  	v57, v58, _ =	vpop (xrf1)  }
0x7c: {  	vm1 =	vge.f32 v4, v55;
	v59, v60, _ =	vpop (xrf1)  }
0x7d: {  	v4 =	vsel vm1, v4, v55;
	v5 =	vsel vm1, v5, v56;
	vm1 =	vge.f32 v57, v59  }
0x7e: {  	(xrf1) =	vsort.dscd.msk.f32 $0xffff, v4, v5;
	v4 =	vsel vm1, v57, v59;
	v5 =	vsel vm1, v58, v60  }
0x7f: {  	(xrf1) =	vsort.ascd.msk.f32 $0xffff, v4, v5;
	_ =	sdelay $0xc  }
0x80: {  	v4, v5, _ =	vpop (xrf1)  }
0x81: {  	v61, v62, _ =	vpop (xrf1)  }
0x82: {  	vm1 =	vge.f32 v4, v61  }
0x83: {  	v4 =	vsel vm1, v4, v61;
	v5 =	vsel vm1, v5, v62  }
0x84: {  	(xrf1) =	vsort.dscd.msk.f32 $0xffff, v4, v5;
	_ =	sdelay $0xd  }
0x85: {  	v4, v5, _ =	vpop (xrf1)  }
0x86: {  	v4 =	vmul.f32 $1.442695020e+00, v4;
	_ =	sdelay $0x1  }
0x87: {  	(erf) = vpow2.f32 v4;
	_ =	sdelay $0x8  }
0x88: {  	v4 =	vpop (erf)  }
0x89: {  	v4 =	vnsel vm0, $0x0, v4  }
0x8a: {  	(xrf2) =	vadd.scan.msk.f32 $0xffff, v4;
	_ =	sdelay $0x9  }
0x8b: {  	v63, _, _ =	vpop (xrf2)  }
0x8c: {  	v6 =	vbroadcast v63, $0xF;
	_ =	sdelay $0x1  }
0x8d: {  	(erf) = vrcp.f32 v6;
	_ =	sdelay $0x6  }
0x8e: {  	s11 =	sadd.s32 $0x4, s11  }
0x8f: {  	p0 =	slt.u32 s11, $0xFC  }
.Ltmp0:
0x90: {  	v6 =	vpop (erf);
	(pc) =	sbr.rel @p0 .LBB2_2-.Ltmp0, $3  }
0x91: {  	v4 =	vmul.f32 v6, v4;
	_ =	sdelay $0x1  }
0x92: {  	[tilespmem:s12+$0x10] =	vst v4  }
0x93: {  	s14 =	sadd.s32 $0x200, s14;
	s12 =	sadd.s32 $0x40, s12;
	[tilespmem:s13+$0x10] =	vst v5;
	s13 =	sadd.s32 $0x40, s13  }
0x94: {  	[hbm4b:s4+s2] =	stream.linear.scatter [tilespmem:s8], [sflag:$0x1], $0x1000, $0x38;
	[tilespmem:$0xA000] =	vst v63  }
0x95: {  	s10 =	sadd.s32 $0x1, s10;
	_ =	swait.ge [sflag:s7], $0x1000  }
0x96: {  	p0 =	sne.s32 s10, s6;
	[sflag:s7] =	ssyncset.done $0x0  }
.Ltmp1:
0x97: {  	[sflag:s7] =	ssyncadd.s32 $0xFFFFF000;
	(pc) =	sbr.rel @p0 .LBB2_1-.Ltmp1, $4  }
0x98: {  	[hbm4b:s5+s2] =	stream.linear.scatter [tilespmem:s9], [sflag:$0x1], $0x1000, $0x38;
	[tilespmem:$0xA000] =	vst v63  }
0x99: {  	_ =	swait.ge [sflag:s7], $0x1000  }
0x9a: {  	[sflag:s7] =	ssyncset.done $0x0  }
0x9b: {  	[sflag:s7] =	ssyncadd.s32 $0xFFFFF000  }
0x9c: {  	_ =	sfence.sel $0x180000  }
0x9d: {  	[bflag:$0x0] =	sbarrier.arrive $0xFFFF  }
0x9e: {  	p0 =	sne.s32 s1, $0x0;
	_ =	strace $0x90000047  }
0x9f: {  	s0 =	sadd.s32 @!p0 $0x100000, s0;
	[bflag:$0x2] =	sbarrier.arrive $0xFFFF  }
0xa0: {  	[sflag:s0] =	ssyncadd.tile.s32 @!p0 $0x1;
	_ =	shalt  }
.Lfunc_end2:
_tile_overlayer_lowered:
.L_overlay_start_2:
0xa1: {  	(tag) =	ssettag $0x2  }
0xa2: {  	s0 =	rddreg [dreg:$0x0];
	s2 =	stileid.u32  }
0xa3: {  	s1 =	rddreg [dreg:$0x1];
	p0 =	sne.s32 s2, $0x0  }
0xa4: {  	s3 =	rddreg [dreg:$0x2];
	[bflag:$0x3] =	sbarrier.arrive $0xFFFF;
	s2 =	simm.s32 @!p0 $0x1C01  }
0xa5: {  	[timem:s3], [sflag:s2] =	dma.local @!p0 [hbm:s0], s1  }
0xa6: {  	s0 =	simm.s32 @!p0 $0x1  }
0xa7: {  	_ =	swait.ge @!p0 [sflag:s0], s1  }
0xa8: {  	s1 =	ssub.s32 @!p0 $0x0, s1;
	[sflag:s0] =	ssyncset.done @!p0 $0x0  }
0xa9: {  	[sflag:s0] =	ssyncadd.s32 @!p0 s1  }
0xaa: {  	[bflag:$0x3] =	sbarrier.arrive $0xFFFF  }
0xab: {  	_ =	shalt  }

</sc_bundles>
